<compile_context>
chip_gen: v7x
topology: tpu7x:2x2x1
jax: 0.10.2.dev20260603
libtpu: 0.0.44.dev20260713+nightly
codegen_flags: <defaults>
</compile_context>

<pallas_src>
import dataclasses
import functools

import jax
import jax.numpy as jnp
from jax import lax
from jax.experimental import pallas as pl
from jax.experimental.pallas import tpu as pltpu
from jax.experimental.pallas import tpu_sc as plsc

L = 16


def _sc_concat(in2d, cat2d, msk2d, table, mct, N, F, CDIM, NC, NS):
    NW = NC * NS
    CPW = N // NW
    CH = 256
    G = CH // 128
    NCH = CPW // CH
    assert CPW % CH == 0 and CH % 128 == 0 and CDIM % L == 0
    mesh = plsc.VectorSubcoreMesh(core_axis_name="c", subcore_axis_name="s")
    cp = pltpu.CompilerParams(use_tc_tiling_on_sc=False)
    if "needs_layout_passes" in pltpu.CompilerParams.__dataclass_fields__:
        cp = dataclasses.replace(cp, needs_layout_passes=False)

    @functools.partial(
        pl.kernel,
        out_type=jax.ShapeDtypeStruct((N, F + CDIM), jnp.float32),
        mesh=mesh,
        compiler_params=cp,
        scratch_types=[
            pltpu.VMEM((G, 128), jnp.int32),
            pltpu.VMEM((G, 128), jnp.int32),
            pltpu.VMEM((CH, CDIM), jnp.float32),
            pltpu.VMEM((CH, F), jnp.float32),
            pltpu.VMEM((1, CDIM), jnp.float32),
            pltpu.SemaphoreType.DMA,
        ],
    )
    def k(in_hbm, cat_hbm, msk_hbm, tab_hbm, mct_hbm, out_hbm,
          idx_v, msk_v, emb_v, in_v, mv_v, sem):
        wid = lax.axis_index("s") * NC + lax.axis_index("c")
        pltpu.sync_copy(mct_hbm, mv_v)
        mvs = [mv_v[0, pl.ds(c * L, L)] for c in range(CDIM // L)]

        @pl.loop(0, NCH)
        def _chunk(kk):
            base = wid * CPW + kk * CH
            rb = wid * (CPW // 128) + kk * G
            pltpu.sync_copy(cat_hbm.at[pl.ds(rb, G)], idx_v)
            pltpu.sync_copy(msk_hbm.at[pl.ds(rb, G)], msk_v)
            cps = [
                pltpu.async_copy(tab_hbm.at[idx_v.at[j]],
                                 emb_v.at[pl.ds(j * 128, 128)], sem)
                for j in range(G)
            ]
            pltpu.sync_copy(in_hbm.at[pl.ds(base, CH)], in_v)
            for cp in cps:
                cp.wait()
            for j in range(G):
                @pl.loop(0, 128 // L)
                def _grp(g8, j=j):
                    cat16 = idx_v[j, pl.ds(g8 * L, L)]
                    m16 = msk_v[j, pl.ds(g8 * L, L)]
                    keep16 = ((cat16 != 0) & (m16 != 1)).astype(jnp.float32)
                    msk16 = (m16 == 1).astype(jnp.float32)
                    row0 = j * 128 + g8 * L
                    for r in range(L):
                        kf = keep16[r]
                        bf = msk16[r]
                        for c in range(CDIM // L):
                            sl = pl.ds(c * L, L)
                            emb_v[row0 + r, sl] = (
                                emb_v[row0 + r, sl] * kf + mvs[c] * bf)
            pltpu.sync_copy(in_v, out_hbm.at[pl.ds(base, CH), pl.ds(0, F)])
            pltpu.sync_copy(emb_v, out_hbm.at[pl.ds(base, CH), pl.ds(F, CDIM)])

    return k(in2d, cat2d, msk2d, table, mct)


def kernel(inputs, categories, mask_positions, category_table,
           mask_category_table):
    B, S, F = inputs.shape
    CDIM = category_table.shape[1]
    N = B * S
    info = plsc.get_sparse_core_info()
    cat2d = categories.astype(jnp.int32).reshape(N // 128, 128)
    msk2d = mask_positions.astype(jnp.int32).reshape(N // 128, 128)
    in2d = inputs.reshape(N, F)
    out = _sc_concat(in2d, cat2d, msk2d, category_table,
                     mask_category_table, N, F, CDIM,
                     info.num_cores, info.num_subcores)
    return out.reshape(B, S, F + CDIM)

# --- scband reference (transcript-rebuilt; emitter-appended) ---
"""Pipeline reference for scband-category-concater-3375844295054 (READ-ONLY COPY).

The authoritative reference and input builder live on the scoring server;
editing this copy changes nothing except your own understanding.
"""

import jax, jax.numpy as jnp
import numpy as np

B, S, F = 4096, 50, 128
VOCAB, CDIM = 100000, 64

def setup_inputs(seed: int = 0) -> dict:
    key = jax.random.key(seed)
    k1, k2, k3, k4, k5 = jax.random.split(key, 5)
    inputs = jax.random.normal(k1, (B, S, F), dtype=jnp.float32)
    categories = jax.random.randint(k2, (B, S), 0, VOCAB, dtype=jnp.int64 if jax.config.jax_enable_x64 else jnp.int32)
    mask_positions = jax.random.randint(k3, (B, S, 1), 0, 2, dtype=jnp.int32)
    # learned params
    category_table = jax.random.truncated_normal(k4, -2.0, 2.0, (VOCAB, CDIM), dtype=jnp.float32) * 0.05
    mask_category_table = jax.random.normal(k5, (1, CDIM), dtype=jnp.float32) * 0.05
    return {
        'inputs': inputs,
        'categories': categories,
        'mask_positions': mask_positions,
        'category_table': category_table,
        'mask_category_table': mask_category_table,
    }

def _get_category_embedding(categories, table):
    # utils.get_category_embedding(categories, embedding_layer, 'zeros'):
    # embedding lookup; padding category id 0 maps to a zero vector.
    emb = jnp.take(table, categories, axis=0)  # [B, S, CDIM] gather
    pad = (categories == 0)[..., None]
    return jnp.where(pad, jnp.zeros_like(emb), emb)

def _place_tensor_on_positions(emb, mask_vec, mask_positions):
    # replace vectors at mask positions (==1) with the learned mask-category vector
    cond = (mask_positions == 1)  # [B, S, 1] broadcast over CDIM
    return jnp.where(cond, mask_vec[None, None, :], emb)

def reference(inputs, categories, mask_positions, category_table, mask_category_table):
    embedded_categories = _get_category_embedding(categories, category_table)
    mask_category = jnp.squeeze(mask_category_table[jnp.array([0])])  # mask_category(self.mask_category_id) -> squeeze
    embedded_categories = _place_tensor_on_positions(embedded_categories, mask_category, mask_positions)
    return jnp.concatenate([inputs, embedded_categories], axis=-1)

if __name__ == "__main__":
    import jax
    _d = setup_inputs()
    print(jax.jit(kernel)(*tuple(_d.values())))

</pallas_src>

<mosaic_0001>
#map = affine_map<(d0, d1) -> (0, 0)>
module attributes {stable_mosaic.version = 14 : i64} {
  func.func @k(%arg0: i32, %arg1: i32, %arg2: memref<204800x128xf32, #tpu.memory_space<hbm>>, %arg3: memref<1600x128xi32, #tpu.memory_space<hbm>>, %arg4: memref<1600x128xi32, #tpu.memory_space<hbm>>, %arg5: memref<100000x64xf32, #tpu.memory_space<hbm>>, %arg6: memref<1x64xf32, #tpu.memory_space<hbm>>, %arg7: memref<204800x192xf32, #tpu.memory_space<hbm>>, %arg8: memref<2x128xi32, #tpu.memory_space<vmem>>, %arg9: memref<2x128xi32, #tpu.memory_space<vmem>>, %arg10: memref<256x64xf32, #tpu.memory_space<vmem>>, %arg11: memref<256x128xf32, #tpu.memory_space<vmem>>, %arg12: memref<1x64xf32, #tpu.memory_space<vmem>>, %arg13: memref<!tpu.dma_semaphore, #tpu.memory_space<semaphore_mem>>) attributes {dimension_semantics = [#tpu.dimension_semantics<core_parallel>, #tpu.dimension_semantics<subcore_parallel>], iteration_bounds = array<i64: 2, 16>, scalar_prefetch = 0 : i64, scratch_operands = 6 : i64, tpu.core_type = #tpu.core_type<sc_vector_subcore>, window_params = [{transform_indices = #map}, {transform_indices = #map}, {transform_indices = #map}, {transform_indices = #map}, {transform_indices = #map}, {transform_indices = #map}]} {
    %mul3A = arith.constant 2 : i32
    %mul3A_0 = arith.muli %arg1, %mul3A : i32
    %add3A = arith.addi %mul3A_0, %arg0 : i32
    "tpu.region"() ({
      %run_scoped3A = tpu.sem_alloc : memref<!tpu.dma_semaphore, #tpu.memory_space<semaphore_mem>>
      tpu.enqueue_dma source(%arg6 : memref<1x64xf32, #tpu.memory_space<hbm>>) target(%arg12 : memref<1x64xf32, #tpu.memory_space<vmem>>) target_semaphore(%run_scoped3A : memref<!tpu.dma_semaphore, #tpu.memory_space<semaphore_mem>>)
      tpu.wait_dma2 semaphore(%run_scoped3A : memref<!tpu.dma_semaphore, #tpu.memory_space<semaphore_mem>>) src(%arg6 : memref<1x64xf32, #tpu.memory_space<hbm>>) dst(%arg12 : memref<1x64xf32, #tpu.memory_space<vmem>>)
      tpu.yield
    }) : () -> ()
    %get3A = arith.constant 0 : i32
    %get3A_1 = arith.index_cast %get3A : i32 to index
    %get3A_2 = arith.constant 0 : index
    %get3A_3 = tpu.vector_load %arg12[%get3A_1, %get3A_2] {strides = array<i32>} : memref<1x64xf32, #tpu.memory_space<vmem>>, vector<16xf32>,
    %get3A_4 = arith.constant 0 : i32
    %get3A_5 = arith.index_cast %get3A_4 : i32 to index
    %get3A_6 = arith.constant 16 : index
    %get3A_7 = tpu.vector_load %arg12[%get3A_5, %get3A_6] {strides = array<i32>} : memref<1x64xf32, #tpu.memory_space<vmem>>, vector<16xf32>,
    %get3A_8 = arith.constant 0 : i32
    %get3A_9 = arith.index_cast %get3A_8 : i32 to index
    %get3A_10 = arith.constant 32 : index
    %get3A_11 = tpu.vector_load %arg12[%get3A_9, %get3A_10] {strides = array<i32>} : memref<1x64xf32, #tpu.memory_space<vmem>>, vector<16xf32>,
    %get3A_12 = arith.constant 0 : i32
    %get3A_13 = arith.index_cast %get3A_12 : i32 to index
    %get3A_14 = arith.constant 48 : index
    %get3A_15 = tpu.vector_load %arg12[%get3A_13, %get3A_14] {strides = array<i32>} : memref<1x64xf32, #tpu.memory_space<vmem>>, vector<16xf32>,
    %scan3A = arith.constant 0 : i32
    %scan3A_16 = arith.constant 25 : i32
    %scan3A_17 = arith.addi %scan3A, %scan3A_16 : i32
    %scan3A_18 = arith.constant 1 : i32
    scf.for %scan3A_20 = %scan3A to %scan3A_17 step %scan3A_18  : i32 {
      %mul3A_21 = arith.constant 1 : i32
      %mul3A_22 = arith.muli %scan3A_20, %mul3A_21 : i32
      %add3A_23 = arith.constant 0 : i32
      %add3A_24 = arith.addi %add3A_23, %mul3A_22 : i32
      %mul3A_25 = arith.constant 6400 : i32
      %mul3A_26 = arith.muli %add3A, %mul3A_25 : i32
      %mul3A_27 = arith.constant 256 : i32
      %mul3A_28 = arith.muli %add3A_24, %mul3A_27 : i32
      %add3A_29 = arith.addi %mul3A_26, %mul3A_28 : i32
      %mul3A_30 = arith.constant 50 : i32
      %mul3A_31 = arith.muli %add3A, %mul3A_30 : i32
      %mul3A_32 = arith.constant 2 : i32
      %mul3A_33 = arith.muli %add3A_24, %mul3A_32 : i32
      %add3A_34 = arith.addi %mul3A_31, %mul3A_33 : i32
      "tpu.region"() ({
        %run_scoped3A = tpu.sem_alloc : memref<!tpu.dma_semaphore, #tpu.memory_space<semaphore_mem>>
        %dma_start3A_83 = arith.constant 0 : i32
        %dma_start3A_84 = tpu.memref_slice %arg3[%add3A_34, %dma_start3A_83] : memref<1600x128xi32, #tpu.memory_space<hbm>> -> memref<2x128xi32, #tpu.memory_space<hbm>>
        %dma_start3A_85 = arith.constant 0 : i32
        %dma_start3A_86 = tpu.memref_slice %arg3[%add3A_34, %dma_start3A_85] : memref<1600x128xi32, #tpu.memory_space<hbm>> -> memref<2x128xi32, #tpu.memory_space<hbm>>
        tpu.enqueue_dma source(%dma_start3A_86 : memref<2x128xi32, #tpu.memory_space<hbm>>) target(%arg8 : memref<2x128xi32, #tpu.memory_space<vmem>>) target_semaphore(%run_scoped3A : memref<!tpu.dma_semaphore, #tpu.memory_space<semaphore_mem>>)
        %dma_wait3A_87 = arith.constant 0 : i32
        %dma_wait3A_88 = tpu.memref_slice %arg3[%add3A_34, %dma_wait3A_87] : memref<1600x128xi32, #tpu.memory_space<hbm>> -> memref<2x128xi32, #tpu.memory_space<hbm>>
        %dma_wait3A_89 = arith.constant 0 : i32
        %dma_wait3A_90 = tpu.memref_slice %arg3[%add3A_34, %dma_wait3A_89] : memref<1600x128xi32, #tpu.memory_space<hbm>> -> memref<2x128xi32, #tpu.memory_space<hbm>>
        tpu.wait_dma2 semaphore(%run_scoped3A : memref<!tpu.dma_semaphore, #tpu.memory_space<semaphore_mem>>) src(%dma_wait3A_90 : memref<2x128xi32, #tpu.memory_space<hbm>>) dst(%arg8 : memref<2x128xi32, #tpu.memory_space<vmem>>)
        tpu.yield
      }) : () -> ()
      "tpu.region"() ({
        %run_scoped3A = tpu.sem_alloc : memref<!tpu.dma_semaphore, #tpu.memory_space<semaphore_mem>>
        %dma_start3A_83 = arith.constant 0 : i32
        %dma_start3A_84 = tpu.memref_slice %arg4[%add3A_34, %dma_start3A_83] : memref<1600x128xi32, #tpu.memory_space<hbm>> -> memref<2x128xi32, #tpu.memory_space<hbm>>
        %dma_start3A_85 = arith.constant 0 : i32
        %dma_start3A_86 = tpu.memref_slice %arg4[%add3A_34, %dma_start3A_85] : memref<1600x128xi32, #tpu.memory_space<hbm>> -> memref<2x128xi32, #tpu.memory_space<hbm>>
        tpu.enqueue_dma source(%dma_start3A_86 : memref<2x128xi32, #tpu.memory_space<hbm>>) target(%arg9 : memref<2x128xi32, #tpu.memory_space<vmem>>) target_semaphore(%run_scoped3A : memref<!tpu.dma_semaphore, #tpu.memory_space<semaphore_mem>>)
        %dma_wait3A_87 = arith.constant 0 : i32
        %dma_wait3A_88 = tpu.memref_slice %arg4[%add3A_34, %dma_wait3A_87] : memref<1600x128xi32, #tpu.memory_space<hbm>> -> memref<2x128xi32, #tpu.memory_space<hbm>>
        %dma_wait3A_89 = arith.constant 0 : i32
        %dma_wait3A_90 = tpu.memref_slice %arg4[%add3A_34, %dma_wait3A_89] : memref<1600x128xi32, #tpu.memory_space<hbm>> -> memref<2x128xi32, #tpu.memory_space<hbm>>
        tpu.wait_dma2 semaphore(%run_scoped3A : memref<!tpu.dma_semaphore, #tpu.memory_space<semaphore_mem>>) src(%dma_wait3A_90 : memref<2x128xi32, #tpu.memory_space<hbm>>) dst(%arg9 : memref<2x128xi32, #tpu.memory_space<vmem>>)
        tpu.yield
      }) : () -> ()
      %dma_start3A = arith.constant 0 : i32
      %dma_start3A_35 = arith.constant 0 : i32
      %dma_start3A_36 = arith.constant 0 : i32
      %dma_start3A_37 = tpu.memref_slice %arg10[%dma_start3A_35, %dma_start3A_36] : memref<256x64xf32, #tpu.memory_space<vmem>> -> memref<128x64xf32, #tpu.memory_space<vmem>>
      %dma_start3A_38 = arith.constant 0 : i32
      %dma_start3A_39 = tpu.memref_slice %arg8[%dma_start3A, %dma_start3A_38] : memref<2x128xi32, #tpu.memory_space<vmem>> -> memref<1x128xi32, #tpu.memory_space<vmem>>
      %dma_start3A_40 = tpu.memref_squeeze %dma_start3A_39 : memref<1x128xi32, #tpu.memory_space<vmem>> -> memref<128xi32, #tpu.memory_space<vmem>>
      %dma_start3A_41 = arith.constant 0 : i32
      %dma_start3A_42 = arith.constant 0 : i32
      %dma_start3A_43 = tpu.memref_slice %arg5[%dma_start3A_41, %dma_start3A_42] : memref<100000x64xf32, #tpu.memory_space<hbm>> -> memref<100000x64xf32, #tpu.memory_space<hbm>>
      tpu.enqueue_indirect_dma source(%dma_start3A_43 : memref<100000x64xf32, #tpu.memory_space<hbm>>) target(%dma_start3A_37 : memref<128x64xf32, #tpu.memory_space<vmem>>) offsets(%dma_start3A_40 : memref<128xi32, #tpu.memory_space<vmem>>) semaphore(%arg13 : memref<!tpu.dma_semaphore, #tpu.memory_space<semaphore_mem>>)
      %dma_start3A_44 = arith.constant 1 : i32
      %dma_start3A_45 = arith.constant 128 : i32
      %dma_start3A_46 = arith.constant 0 : i32
      %dma_start3A_47 = tpu.memref_slice %arg10[%dma_start3A_45, %dma_start3A_46] : memref<256x64xf32, #tpu.memory_space<vmem>> -> memref<128x64xf32, #tpu.memory_space<vmem>>
      %dma_start3A_48 = arith.constant 0 : i32
      %dma_start3A_49 = tpu.memref_slice %arg8[%dma_start3A_44, %dma_start3A_48] : memref<2x128xi32, #tpu.memory_space<vmem>> -> memref<1x128xi32, #tpu.memory_space<vmem>>
      %dma_start3A_50 = tpu.memref_squeeze %dma_start3A_49 : memref<1x128xi32, #tpu.memory_space<vmem>> -> memref<128xi32, #tpu.memory_space<vmem>>
      %dma_start3A_51 = arith.constant 0 : i32
      %dma_start3A_52 = arith.constant 0 : i32
      %dma_start3A_53 = tpu.memref_slice %arg5[%dma_start3A_51, %dma_start3A_52] : memref<100000x64xf32, #tpu.memory_space<hbm>> -> memref<100000x64xf32, #tpu.memory_space<hbm>>
      tpu.enqueue_indirect_dma source(%dma_start3A_53 : memref<100000x64xf32, #tpu.memory_space<hbm>>) target(%dma_start3A_47 : memref<128x64xf32, #tpu.memory_space<vmem>>) offsets(%dma_start3A_50 : memref<128xi32, #tpu.memory_space<vmem>>) semaphore(%arg13 : memref<!tpu.dma_semaphore, #tpu.memory_space<semaphore_mem>>)
      "tpu.region"() ({
        %run_scoped3A = tpu.sem_alloc : memref<!tpu.dma_semaphore, #tpu.memory_space<semaphore_mem>>
        %dma_start3A_83 = arith.constant 0 : i32
        %dma_start3A_84 = tpu.memref_slice %arg2[%add3A_29, %dma_start3A_83] : memref<204800x128xf32, #tpu.memory_space<hbm>> -> memref<256x128xf32, #tpu.memory_space<hbm>>
        %dma_start3A_85 = arith.constant 0 : i32
        %dma_start3A_86 = tpu.memref_slice %arg2[%add3A_29, %dma_start3A_85] : memref<204800x128xf32, #tpu.memory_space<hbm>> -> memref<256x128xf32, #tpu.memory_space<hbm>>
        tpu.enqueue_dma source(%dma_start3A_86 : memref<256x128xf32, #tpu.memory_space<hbm>>) target(%arg11 : memref<256x128xf32, #tpu.memory_space<vmem>>) target_semaphore(%run_scoped3A : memref<!tpu.dma_semaphore, #tpu.memory_space<semaphore_mem>>)
        %dma_wait3A_87 = arith.constant 0 : i32
        %dma_wait3A_88 = tpu.memref_slice %arg2[%add3A_29, %dma_wait3A_87] : memref<204800x128xf32, #tpu.memory_space<hbm>> -> memref<256x128xf32, #tpu.memory_space<hbm>>
        %dma_wait3A_89 = arith.constant 0 : i32
        %dma_wait3A_90 = tpu.memref_slice %arg2[%add3A_29, %dma_wait3A_89] : memref<204800x128xf32, #tpu.memory_space<hbm>> -> memref<256x128xf32, #tpu.memory_space<hbm>>
        tpu.wait_dma2 semaphore(%run_scoped3A : memref<!tpu.dma_semaphore, #tpu.memory_space<semaphore_mem>>) src(%dma_wait3A_90 : memref<256x128xf32, #tpu.memory_space<hbm>>) dst(%arg11 : memref<256x128xf32, #tpu.memory_space<vmem>>)
        tpu.yield
      }) : () -> ()
      %dma_wait3A = arith.constant 0 : i32
      %dma_wait3A_54 = arith.constant 0 : i32
      %dma_wait3A_55 = arith.constant 0 : i32
      %dma_wait3A_56 = tpu.memref_slice %arg10[%dma_wait3A_54, %dma_wait3A_55] : memref<256x64xf32, #tpu.memory_space<vmem>> -> memref<128x64xf32, #tpu.memory_space<vmem>>
      %dma_wait3A_57 = arith.constant 0 : i32
      %dma_wait3A_58 = tpu.memref_slice %arg8[%dma_wait3A, %dma_wait3A_57] : memref<2x128xi32, #tpu.memory_space<vmem>> -> memref<1x128xi32, #tpu.memory_space<vmem>>
      %dma_wait3A_59 = tpu.memref_squeeze %dma_wait3A_58 : memref<1x128xi32, #tpu.memory_space<vmem>> -> memref<128xi32, #tpu.memory_space<vmem>>
      %dma_wait3A_60 = arith.constant 0 : i32
      %dma_wait3A_61 = arith.constant 0 : i32
      %dma_wait3A_62 = tpu.memref_slice %arg5[%dma_wait3A_60, %dma_wait3A_61] : memref<100000x64xf32, #tpu.memory_space<hbm>> -> memref<100000x64xf32, #tpu.memory_space<hbm>>
      tpu.wait_indirect_dma semaphore(%arg13 : memref<!tpu.dma_semaphore, #tpu.memory_space<semaphore_mem>>) src(%dma_wait3A_62 : memref<100000x64xf32, #tpu.memory_space<hbm>>) dst(%dma_wait3A_56 : memref<128x64xf32, #tpu.memory_space<vmem>>)
      %dma_wait3A_63 = arith.constant 1 : i32
      %dma_wait3A_64 = arith.constant 128 : i32
      %dma_wait3A_65 = arith.constant 0 : i32
      %dma_wait3A_66 = tpu.memref_slice %arg10[%dma_wait3A_64, %dma_wait3A_65] : memref<256x64xf32, #tpu.memory_space<vmem>> -> memref<128x64xf32, #tpu.memory_space<vmem>>
      %dma_wait3A_67 = arith.constant 0 : i32
      %dma_wait3A_68 = tpu.memref_slice %arg8[%dma_wait3A_63, %dma_wait3A_67] : memref<2x128xi32, #tpu.memory_space<vmem>> -> memref<1x128xi32, #tpu.memory_space<vmem>>
      %dma_wait3A_69 = tpu.memref_squeeze %dma_wait3A_68 : memref<1x128xi32, #tpu.memory_space<vmem>> -> memref<128xi32, #tpu.memory_space<vmem>>
      %dma_wait3A_70 = arith.constant 0 : i32
      %dma_wait3A_71 = arith.constant 0 : i32
      %dma_wait3A_72 = tpu.memref_slice %arg5[%dma_wait3A_70, %dma_wait3A_71] : memref<100000x64xf32, #tpu.memory_space<hbm>> -> memref<100000x64xf32, #tpu.memory_space<hbm>>
      tpu.wait_indirect_dma semaphore(%arg13 : memref<!tpu.dma_semaphore, #tpu.memory_space<semaphore_mem>>) src(%dma_wait3A_72 : memref<100000x64xf32, #tpu.memory_space<hbm>>) dst(%dma_wait3A_66 : memref<128x64xf32, #tpu.memory_space<vmem>>)
      %scan3A_73 = arith.constant 0 : i32
      %scan3A_74 = arith.constant 8 : i32
      %scan3A_75 = arith.addi %scan3A_73, %scan3A_74 : i32
      %scan3A_76 = arith.constant 1 : i32
      scf.for %scan3A_83 = %scan3A_73 to %scan3A_75 step %scan3A_76  : i32 {
        %mul3A_84 = arith.constant 1 : i32
        %mul3A_85 = arith.muli %scan3A_83, %mul3A_84 : i32
        %add3A_86 = arith.constant 0 : i32
        %add3A_87 = arith.addi %add3A_86, %mul3A_85 : i32
        %mul3A_88 = arith.constant 16 : i32
        %mul3A_89 = arith.muli %add3A_87, %mul3A_88 : i32
        %get3A_90 = arith.constant 0 : i32
        %get3A_91 = arith.index_cast %get3A_90 : i32 to index
        %get3A_92 = arith.index_cast %mul3A_89 : i32 to index
        %get3A_93 = tpu.vector_load %arg8[%get3A_91, %get3A_92] {strides = array<i32>} : memref<2x128xi32, #tpu.memory_space<vmem>>, vector<16xi32>,
        %mul3A_94 = arith.constant 16 : i32
        %mul3A_95 = arith.muli %add3A_87, %mul3A_94 : i32
        %get3A_96 = arith.constant 0 : i32
        %get3A_97 = arith.index_cast %get3A_96 : i32 to index
        %get3A_98 = arith.index_cast %mul3A_95 : i32 to index
        %get3A_99 = tpu.vector_load %arg9[%get3A_97, %get3A_98] {strides = array<i32>} : memref<2x128xi32, #tpu.memory_space<vmem>>, vector<16xi32>,
        %ne3A = arith.constant 0 : i32
        %ne3A_100 = vector.broadcast %ne3A : i32 to vector<16xi32>
        %ne3A_101 = arith.cmpi ne, %get3A_93, %ne3A_100 : vector<16xi32>
        %ne3A_102 = arith.constant 1 : i32
        %ne3A_103 = vector.broadcast %ne3A_102 : i32 to vector<16xi32>
        %ne3A_104 = arith.cmpi ne, %get3A_99, %ne3A_103 : vector<16xi32>
        %and3A = arith.andi %ne3A_101, %ne3A_104 : vector<16xi1>
        %convert_element_type3A = arith.extui %and3A : vector<16xi1> to vector<16xi32>
        %convert_element_type3A_105 = arith.sitofp %convert_element_type3A : vector<16xi32> to vector<16xf32>
        %eq3A = arith.constant 1 : i32
        %eq3A_106 = vector.broadcast %eq3A : i32 to vector<16xi32>
        %eq3A_107 = arith.cmpi eq, %get3A_99, %eq3A_106 : vector<16xi32>
        %convert_element_type3A_108 = arith.extui %eq3A_107 : vector<16xi1> to vector<16xi32>
        %convert_element_type3A_109 = arith.sitofp %convert_element_type3A_108 : vector<16xi32> to vector<16xf32>
        %mul3A_110 = arith.constant 16 : i32
        %mul3A_111 = arith.muli %add3A_87, %mul3A_110 : i32
        %add3A_112 = arith.constant 0 : i32
        %add3A_113 = arith.addi %add3A_112, %mul3A_111 : i32
        %slice3A = vector.extract_strided_slice %convert_element_type3A_105 {offsets = [0], sizes = [1], strides = [1]} : vector<16xf32> to vector<1xf32>
        %squeeze3A = vector.extract %slice3A[0] : f32 from vector<1xf32>
        %slice3A_114 = vector.extract_strided_slice %convert_element_type3A_109 {offsets = [0], sizes = [1], strides = [1]} : vector<16xf32> to vector<1xf32>
        %squeeze3A_115 = vector.extract %slice3A_114[0] : f32 from vector<1xf32>
        %add3A_116 = arith.constant 0 : i32
        %add3A_117 = arith.addi %add3A_113, %add3A_116 : i32
        %get3A_118 = arith.index_cast %add3A_117 : i32 to index
        %get3A_119 = arith.constant 0 : index
        %get3A_120 = tpu.vector_load %arg10[%get3A_118, %get3A_119] {strides = array<i32>} : memref<256x64xf32, #tpu.memory_space<vmem>>, vector<16xf32>,
        %mul3A_121 = vector.broadcast %squeeze3A : f32 to vector<16xf32>
        %mul3A_122 = arith.mulf %get3A_120, %mul3A_121 : vector<16xf32>
        %mul3A_123 = vector.broadcast %squeeze3A_115 : f32 to vector<16xf32>
        %mul3A_124 = arith.mulf %get3A_3, %mul3A_123 : vector<16xf32>
        %add3A_125 = arith.addf %mul3A_122, %mul3A_124 : vector<16xf32>
        %add3A_126 = arith.constant 0 : i32
        %add3A_127 = arith.addi %add3A_113, %add3A_126 : i32
        %swap3A = arith.index_cast %add3A_127 : i32 to index
        %swap3A_128 = arith.constant 0 : index
        %swap3A_129 = tpu.vector_load %arg10[%swap3A, %swap3A_128] {strides = array<i32>} : memref<256x64xf32, #tpu.memory_space<vmem>>, vector<16xf32>,
        tpu.vector_store %arg10[%swap3A, %swap3A_128], %add3A_125 {strides = array<i32>} : memref<256x64xf32, #tpu.memory_space<vmem>>, vector<16xf32>,
        %add3A_130 = arith.constant 0 : i32
        %add3A_131 = arith.addi %add3A_113, %add3A_130 : i32
        %get3A_132 = arith.index_cast %add3A_131 : i32 to index
        %get3A_133 = arith.constant 16 : index
        %get3A_134 = tpu.vector_load %arg10[%get3A_132, %get3A_133] {strides = array<i32>} : memref<256x64xf32, #tpu.memory_space<vmem>>, vector<16xf32>,
        %mul3A_135 = vector.broadcast %squeeze3A : f32 to vector<16xf32>
        %mul3A_136 = arith.mulf %get3A_134, %mul3A_135 : vector<16xf32>
        %mul3A_137 = vector.broadcast %squeeze3A_115 : f32 to vector<16xf32>
        %mul3A_138 = arith.mulf %get3A_7, %mul3A_137 : vector<16xf32>
        %add3A_139 = arith.addf %mul3A_136, %mul3A_138 : vector<16xf32>
        %add3A_140 = arith.constant 0 : i32
        %add3A_141 = arith.addi %add3A_113, %add3A_140 : i32
        %swap3A_142 = arith.index_cast %add3A_141 : i32 to index
        %swap3A_143 = arith.constant 16 : index
        %swap3A_144 = tpu.vector_load %arg10[%swap3A_142, %swap3A_143] {strides = array<i32>} : memref<256x64xf32, #tpu.memory_space<vmem>>, vector<16xf32>,
        tpu.vector_store %arg10[%swap3A_142, %swap3A_143], %add3A_139 {strides = array<i32>} : memref<256x64xf32, #tpu.memory_space<vmem>>, vector<16xf32>,
        %add3A_145 = arith.constant 0 : i32
        %add3A_146 = arith.addi %add3A_113, %add3A_145 : i32
        %get3A_147 = arith.index_cast %add3A_146 : i32 to index
        %get3A_148 = arith.constant 32 : index
        %get3A_149 = tpu.vector_load %arg10[%get3A_147, %get3A_148] {strides = array<i32>} : memref<256x64xf32, #tpu.memory_space<vmem>>, vector<16xf32>,
        %mul3A_150 = vector.broadcast %squeeze3A : f32 to vector<16xf32>
        %mul3A_151 = arith.mulf %get3A_149, %mul3A_150 : vector<16xf32>
        %mul3A_152 = vector.broadcast %squeeze3A_115 : f32 to vector<16xf32>
        %mul3A_153 = arith.mulf %get3A_11, %mul3A_152 : vector<16xf32>
        %add3A_154 = arith.addf %mul3A_151, %mul3A_153 : vector<16xf32>
        %add3A_155 = arith.constant 0 : i32
        %add3A_156 = arith.addi %add3A_113, %add3A_155 : i32
        %swap3A_157 = arith.index_cast %add3A_156 : i32 to index
        %swap3A_158 = arith.constant 32 : index
        %swap3A_159 = tpu.vector_load %arg10[%swap3A_157, %swap3A_158] {strides = array<i32>} : memref<256x64xf32, #tpu.memory_space<vmem>>, vector<16xf32>,
        tpu.vector_store %arg10[%swap3A_157, %swap3A_158], %add3A_154 {strides = array<i32>} : memref<256x64xf32, #tpu.memory_space<vmem>>, vector<16xf32>,
        %add3A_160 = arith.constant 0 : i32
        %add3A_161 = arith.addi %add3A_113, %add3A_160 : i32
        %get3A_162 = arith.index_cast %add3A_161 : i32 to index
        %get3A_163 = arith.constant 48 : index
        %get3A_164 = tpu.vector_load %arg10[%get3A_162, %get3A_163] {strides = array<i32>} : memref<256x64xf32, #tpu.memory_space<vmem>>, vector<16xf32>,
        %mul3A_165 = vector.broadcast %squeeze3A : f32 to vector<16xf32>
        %mul3A_166 = arith.mulf %get3A_164, %mul3A_165 : vector<16xf32>
        %mul3A_167 = vector.broadcast %squeeze3A_115 : f32 to vector<16xf32>
        %mul3A_168 = arith.mulf %get3A_15, %mul3A_167 : vector<16xf32>
        %add3A_169 = arith.addf %mul3A_166, %mul3A_168 : vector<16xf32>
        %add3A_170 = arith.constant 0 : i32
        %add3A_171 = arith.addi %add3A_113, %add3A_170 : i32
        %swap3A_172 = arith.index_cast %add3A_171 : i32 to index
        %swap3A_173 = arith.constant 48 : index
        %swap3A_174 = tpu.vector_load %arg10[%swap3A_172, %swap3A_173] {strides = array<i32>} : memref<256x64xf32, #tpu.memory_space<vmem>>, vector<16xf32>,
        tpu.vector_store %arg10[%swap3A_172, %swap3A_173], %add3A_169 {strides = array<i32>} : memref<256x64xf32, #tpu.memory_space<vmem>>, vector<16xf32>,
        %slice3A_175 = vector.extract_strided_slice %convert_element_type3A_105 {offsets = [1], sizes = [1], strides = [1]} : vector<16xf32> to vector<1xf32>
        %squeeze3A_176 = vector.extract %slice3A_175[0] : f32 from vector<1xf32>
        %slice3A_177 = vector.extract_strided_slice %convert_element_type3A_109 {offsets = [1], sizes = [1], strides = [1]} : vector<16xf32> to vector<1xf32>
        %squeeze3A_178 = vector.extract %slice3A_177[0] : f32 from vector<1xf32>
        %add3A_179 = arith.constant 1 : i32
        %add3A_180 = arith.addi %add3A_113, %add3A_179 : i32
        %get3A_181 = arith.index_cast %add3A_180 : i32 to index
        %get3A_182 = arith.constant 0 : index
        %get3A_183 = tpu.vector_load %arg10[%get3A_181, %get3A_182] {strides = array<i32>} : memref<256x64xf32, #tpu.memory_space<vmem>>, vector<16xf32>,
        %mul3A_184 = vector.broadcast %squeeze3A_176 : f32 to vector<16xf32>
        %mul3A_185 = arith.mulf %get3A_183, %mul3A_184 : vector<16xf32>
        %mul3A_186 = vector.broadcast %squeeze3A_178 : f32 to vector<16xf32>
        %mul3A_187 = arith.mulf %get3A_3, %mul3A_186 : vector<16xf32>
        %add3A_188 = arith.addf %mul3A_185, %mul3A_187 : vector<16xf32>
        %add3A_189 = arith.constant 1 : i32
        %add3A_190 = arith.addi %add3A_113, %add3A_189 : i32
        %swap3A_191 = arith.index_cast %add3A_190 : i32 to index
        %swap3A_192 = arith.constant 0 : index
        %swap3A_193 = tpu.vector_load %arg10[%swap3A_191, %swap3A_192] {strides = array<i32>} : memref<256x64xf32, #tpu.memory_space<vmem>>, vector<16xf32>,
        tpu.vector_store %arg10[%swap3A_191, %swap3A_192], %add3A_188 {strides = array<i32>} : memref<256x64xf32, #tpu.memory_space<vmem>>, vector<16xf32>,
        %add3A_194 = arith.constant 1 : i32
        %add3A_195 = arith.addi %add3A_113, %add3A_194 : i32
        %get3A_196 = arith.index_cast %add3A_195 : i32 to index
        %get3A_197 = arith.constant 16 : index
        %get3A_198 = tpu.vector_load %arg10[%get3A_196, %get3A_197] {strides = array<i32>} : memref<256x64xf32, #tpu.memory_space<vmem>>, vector<16xf32>,
        %mul3A_199 = vector.broadcast %squeeze3A_176 : f32 to vector<16xf32>
        %mul3A_200 = arith.mulf %get3A_198, %mul3A_199 : vector<16xf32>
        %mul3A_201 = vector.broadcast %squeeze3A_178 : f32 to vector<16xf32>
        %mul3A_202 = arith.mulf %get3A_7, %mul3A_201 : vector<16xf32>
        %add3A_203 = arith.addf %mul3A_200, %mul3A_202 : vector<16xf32>
        %add3A_204 = arith.constant 1 : i32
        %add3A_205 = arith.addi %add3A_113, %add3A_204 : i32
        %swap3A_206 = arith.index_cast %add3A_205 : i32 to index
        %swap3A_207 = arith.constant 16 : index
        %swap3A_208 = tpu.vector_load %arg10[%swap3A_206, %swap3A_207] {strides = array<i32>} : memref<256x64xf32, #tpu.memory_space<vmem>>, vector<16xf32>,
        tpu.vector_store %arg10[%swap3A_206, %swap3A_207], %add3A_203 {strides = array<i32>} : memref<256x64xf32, #tpu.memory_space<vmem>>, vector<16xf32>,
        %add3A_209 = arith.constant 1 : i32
        %add3A_210 = arith.addi %add3A_113, %add3A_209 : i32
        %get3A_211 = arith.index_cast %add3A_210 : i32 to index
        %get3A_212 = arith.constant 32 : index
        %get3A_213 = tpu.vector_load %arg10[%get3A_211, %get3A_212] {strides = array<i32>} : memref<256x64xf32, #tpu.memory_space<vmem>>, vector<16xf32>,
        %mul3A_214 = vector.broadcast %squeeze3A_176 : f32 to vector<16xf32>
        %mul3A_215 = arith.mulf %get3A_213, %mul3A_214 : vector<16xf32>
        %mul3A_216 = vector.broadcast %squeeze3A_178 : f32 to vector<16xf32>
        %mul3A_217 = arith.mulf %get3A_11, %mul3A_216 : vector<16xf32>
        %add3A_218 = arith.addf %mul3A_215, %mul3A_217 : vector<16xf32>
        %add3A_219 = arith.constant 1 : i32
        %add3A_220 = arith.addi %add3A_113, %add3A_219 : i32
        %swap3A_221 = arith.index_cast %add3A_220 : i32 to index
        %swap3A_222 = arith.constant 32 : index
        %swap3A_223 = tpu.vector_load %arg10[%swap3A_221, %swap3A_222] {strides = array<i32>} : memref<256x64xf32, #tpu.memory_space<vmem>>, vector<16xf32>,
        tpu.vector_store %arg10[%swap3A_221, %swap3A_222], %add3A_218 {strides = array<i32>} : memref<256x64xf32, #tpu.memory_space<vmem>>, vector<16xf32>,
        %add3A_224 = arith.constant 1 : i32
        %add3A_225 = arith.addi %add3A_113, %add3A_224 : i32
        %get3A_226 = arith.index_cast %add3A_225 : i32 to index
        %get3A_227 = arith.constant 48 : index
        %get3A_228 = tpu.vector_load %arg10[%get3A_226, %get3A_227] {strides = array<i32>} : memref<256x64xf32, #tpu.memory_space<vmem>>, vector<16xf32>,
        %mul3A_229 = vector.broadcast %squeeze3A_176 : f32 to vector<16xf32>
        %mul3A_230 = arith.mulf %get3A_228, %mul3A_229 : vector<16xf32>
        %mul3A_231 = vector.broadcast %squeeze3A_178 : f32 to vector<16xf32>
        %mul3A_232 = arith.mulf %get3A_15, %mul3A_231 : vector<16xf32>
        %add3A_233 = arith.addf %mul3A_230, %mul3A_232 : vector<16xf32>
        %add3A_234 = arith.constant 1 : i32
        %add3A_235 = arith.addi %add3A_113, %add3A_234 : i32
        %swap3A_236 = arith.index_cast %add3A_235 : i32 to index
        %swap3A_237 = arith.constant 48 : index
        %swap3A_238 = tpu.vector_load %arg10[%swap3A_236, %swap3A_237] {strides = array<i32>} : memref<256x64xf32, #tpu.memory_space<vmem>>, vector<16xf32>,
        tpu.vector_store %arg10[%swap3A_236, %swap3A_237], %add3A_233 {strides = array<i32>} : memref<256x64xf32, #tpu.memory_space<vmem>>, vector<16xf32>,
        %slice3A_239 = vector.extract_strided_slice %convert_element_type3A_105 {offsets = [2], sizes = [1], strides = [1]} : vector<16xf32> to vector<1xf32>
        %squeeze3A_240 = vector.extract %slice3A_239[0] : f32 from vector<1xf32>
        %slice3A_241 = vector.extract_strided_slice %convert_element_type3A_109 {offsets = [2], sizes = [1], strides = [1]} : vector<16xf32> to vector<1xf32>
        %squeeze3A_242 = vector.extract %slice3A_241[0] : f32 from vector<1xf32>
        %add3A_243 = arith.constant 2 : i32
        %add3A_244 = arith.addi %add3A_113, %add3A_243 : i32
        %get3A_245 = arith.index_cast %add3A_244 : i32 to index
        %get3A_246 = arith.constant 0 : index
        %get3A_247 = tpu.vector_load %arg10[%get3A_245, %get3A_246] {strides = array<i32>} : memref<256x64xf32, #tpu.memory_space<vmem>>, vector<16xf32>,
        %mul3A_248 = vector.broadcast %squeeze3A_240 : f32 to vector<16xf32>
        %mul3A_249 = arith.mulf %get3A_247, %mul3A_248 : vector<16xf32>
        %mul3A_250 = vector.broadcast %squeeze3A_242 : f32 to vector<16xf32>
        %mul3A_251 = arith.mulf %get3A_3, %mul3A_250 : vector<16xf32>
        %add3A_252 = arith.addf %mul3A_249, %mul3A_251 : vector<16xf32>
        %add3A_253 = arith.constant 2 : i32
        %add3A_254 = arith.addi %add3A_113, %add3A_253 : i32
        %swap3A_255 = arith.index_cast %add3A_254 : i32 to index
        %swap3A_256 = arith.constant 0 : index
        %swap3A_257 = tpu.vector_load %arg10[%swap3A_255, %swap3A_256] {strides = array<i32>} : memref<256x64xf32, #tpu.memory_space<vmem>>, vector<16xf32>,
        tpu.vector_store %arg10[%swap3A_255, %swap3A_256], %add3A_252 {strides = array<i32>} : memref<256x64xf32, #tpu.memory_space<vmem>>, vector<16xf32>,
        %add3A_258 = arith.constant 2 : i32
        %add3A_259 = arith.addi %add3A_113, %add3A_258 : i32
        %get3A_260 = arith.index_cast %add3A_259 : i32 to index
        %get3A_261 = arith.constant 16 : index
        %get3A_262 = tpu.vector_load %arg10[%get3A_260, %get3A_261] {strides = array<i32>} : memref<256x64xf32, #tpu.memory_space<vmem>>, vector<16xf32>,
        %mul3A_263 = vector.broadcast %squeeze3A_240 : f32 to vector<16xf32>
        %mul3A_264 = arith.mulf %get3A_262, %mul3A_263 : vector<16xf32>
        %mul3A_265 = vector.broadcast %squeeze3A_242 : f32 to vector<16xf32>
        %mul3A_266 = arith.mulf %get3A_7, %mul3A_265 : vector<16xf32>
        %add3A_267 = arith.addf %mul3A_264, %mul3A_266 : vector<16xf32>
        %add3A_268 = arith.constant 2 : i32
        %add3A_269 = arith.addi %add3A_113, %add3A_268 : i32
        %swap3A_270 = arith.index_cast %add3A_269 : i32 to index
        %swap3A_271 = arith.constant 16 : index
        %swap3A_272 = tpu.vector_load %arg10[%swap3A_270, %swap3A_271] {strides = array<i32>} : memref<256x64xf32, #tpu.memory_space<vmem>>, vector<16xf32>,
        tpu.vector_store %arg10[%swap3A_270, %swap3A_271], %add3A_267 {strides = array<i32>} : memref<256x64xf32, #tpu.memory_space<vmem>>, vector<16xf32>,
        %add3A_273 = arith.constant 2 : i32
        %add3A_274 = arith.addi %add3A_113, %add3A_273 : i32
        %get3A_275 = arith.index_cast %add3A_274 : i32 to index
        %get3A_276 = arith.constant 32 : index
        %get3A_277 = tpu.vector_load %arg10[%get3A_275, %get3A_276] {strides = array<i32>} : memref<256x64xf32, #tpu.memory_space<vmem>>, vector<16xf32>,
        %mul3A_278 = vector.broadcast %squeeze3A_240 : f32 to vector<16xf32>
        %mul3A_279 = arith.mulf %get3A_277, %mul3A_278 : vector<16xf32>
        %mul3A_280 = vector.broadcast %squeeze3A_242 : f32 to vector<16xf32>
        %mul3A_281 = arith.mulf %get3A_11, %mul3A_280 : vector<16xf32>
        %add3A_282 = arith.addf %mul3A_279, %mul3A_281 : vector<16xf32>
        %add3A_283 = arith.constant 2 : i32
        %add3A_284 = arith.addi %add3A_113, %add3A_283 : i32
        %swap3A_285 = arith.index_cast %add3A_284 : i32 to index
        %swap3A_286 = arith.constant 32 : index
        %swap3A_287 = tpu.vector_load %arg10[%swap3A_285, %swap3A_286] {strides = array<i32>} : memref<256x64xf32, #tpu.memory_space<vmem>>, vector<16xf32>,
        tpu.vector_store %arg10[%swap3A_285, %swap3A_286], %add3A_282 {strides = array<i32>} : memref<256x64xf32, #tpu.memory_space<vmem>>, vector<16xf32>,
        %add3A_288 = arith.constant 2 : i32
        %add3A_289 = arith.addi %add3A_113, %add3A_288 : i32
        %get3A_290 = arith.index_cast %add3A_289 : i32 to index
        %get3A_291 = arith.constant 48 : index
        %get3A_292 = tpu.vector_load %arg10[%get3A_290, %get3A_291] {strides = array<i32>} : memref<256x64xf32, #tpu.memory_space<vmem>>, vector<16xf32>,
        %mul3A_293 = vector.broadcast %squeeze3A_240 : f32 to vector<16xf32>
        %mul3A_294 = arith.mulf %get3A_292, %mul3A_293 : vector<16xf32>
        %mul3A_295 = vector.broadcast %squeeze3A_242 : f32 to vector<16xf32>
        %mul3A_296 = arith.mulf %get3A_15, %mul3A_295 : vector<16xf32>
        %add3A_297 = arith.addf %mul3A_294, %mul3A_296 : vector<16xf32>
        %add3A_298 = arith.constant 2 : i32
        %add3A_299 = arith.addi %add3A_113, %add3A_298 : i32
        %swap3A_300 = arith.index_cast %add3A_299 : i32 to index
        %swap3A_301 = arith.constant 48 : index
        %swap3A_302 = tpu.vector_load %arg10[%swap3A_300, %swap3A_301] {strides = array<i32>} : memref<256x64xf32, #tpu.memory_space<vmem>>, vector<16xf32>,
        tpu.vector_store %arg10[%swap3A_300, %swap3A_301], %add3A_297 {strides = array<i32>} : memref<256x64xf32, #tpu.memory_space<vmem>>, vector<16xf32>,
        %slice3A_303 = vector.extract_strided_slice %convert_element_type3A_105 {offsets = [3], sizes = [1], strides = [1]} : vector<16xf32> to vector<1xf32>
        %squeeze3A_304 = vector.extract %slice3A_303[0] : f32 from vector<1xf32>
        %slice3A_305 = vector.extract_strided_slice %convert_element_type3A_109 {offsets = [3], sizes = [1], strides = [1]} : vector<16xf32> to vector<1xf32>
        %squeeze3A_306 = vector.extract %slice3A_305[0] : f32 from vector<1xf32>
        %add3A_307 = arith.constant 3 : i32
        %add3A_308 = arith.addi %add3A_113, %add3A_307 : i32
        %get3A_309 = arith.index_cast %add3A_308 : i32 to index
        %get3A_310 = arith.constant 0 : index
        %get3A_311 = tpu.vector_load %arg10[%get3A_309, %get3A_310] {strides = array<i32>} : memref<256x64xf32, #tpu.memory_space<vmem>>, vector<16xf32>,
        %mul3A_312 = vector.broadcast %squeeze3A_304 : f32 to vector<16xf32>
        %mul3A_313 = arith.mulf %get3A_311, %mul3A_312 : vector<16xf32>
        %mul3A_314 = vector.broadcast %squeeze3A_306 : f32 to vector<16xf32>
        %mul3A_315 = arith.mulf %get3A_3, %mul3A_314 : vector<16xf32>
        %add3A_316 = arith.addf %mul3A_313, %mul3A_315 : vector<16xf32>
        %add3A_317 = arith.constant 3 : i32
        %add3A_318 = arith.addi %add3A_113, %add3A_317 : i32
        %swap3A_319 = arith.index_cast %add3A_318 : i32 to index
        %swap3A_320 = arith.constant 0 : index
        %swap3A_321 = tpu.vector_load %arg10[%swap3A_319, %swap3A_320] {strides = array<i32>} : memref<256x64xf32, #tpu.memory_space<vmem>>, vector<16xf32>,
        tpu.vector_store %arg10[%swap3A_319, %swap3A_320], %add3A_316 {strides = array<i32>} : memref<256x64xf32, #tpu.memory_space<vmem>>, vector<16xf32>,
        %add3A_322 = arith.constant 3 : i32
        %add3A_323 = arith.addi %add3A_113, %add3A_322 : i32
        %get3A_324 = arith.index_cast %add3A_323 : i32 to index
        %get3A_325 = arith.constant 16 : index
        %get3A_326 = tpu.vector_load %arg10[%get3A_324, %get3A_325] {strides = array<i32>} : memref<256x64xf32, #tpu.memory_space<vmem>>, vector<16xf32>,
        %mul3A_327 = vector.broadcast %squeeze3A_304 : f32 to vector<16xf32>
        %mul3A_328 = arith.mulf %get3A_326, %mul3A_327 : vector<16xf32>
        %mul3A_329 = vector.broadcast %squeeze3A_306 : f32 to vector<16xf32>
        %mul3A_330 = arith.mulf %get3A_7, %mul3A_329 : vector<16xf32>
        %add3A_331 = arith.addf %mul3A_328, %mul3A_330 : vector<16xf32>
        %add3A_332 = arith.constant 3 : i32
        %add3A_333 = arith.addi %add3A_113, %add3A_332 : i32
        %swap3A_334 = arith.index_cast %add3A_333 : i32 to index
        %swap3A_335 = arith.constant 16 : index
        %swap3A_336 = tpu.vector_load %arg10[%swap3A_334, %swap3A_335] {strides = array<i32>} : memref<256x64xf32, #tpu.memory_space<vmem>>, vector<16xf32>,
        tpu.vector_store %arg10[%swap3A_334, %swap3A_335], %add3A_331 {strides = array<i32>} : memref<256x64xf32, #tpu.memory_space<vmem>>, vector<16xf32>,
        %add3A_337 = arith.constant 3 : i32
        %add3A_338 = arith.addi %add3A_113, %add3A_337 : i32
        %get3A_339 = arith.index_cast %add3A_338 : i32 to index
        %get3A_340 = arith.constant 32 : index
        %get3A_341 = tpu.vector_load %arg10[%get3A_339, %get3A_340] {strides = array<i32>} : memref<256x64xf32, #tpu.memory_space<vmem>>, vector<16xf32>,
        %mul3A_342 = vector.broadcast %squeeze3A_304 : f32 to vector<16xf32>
        %mul3A_343 = arith.mulf %get3A_341, %mul3A_342 : vector<16xf32>
        %mul3A_344 = vector.broadcast %squeeze3A_306 : f32 to vector<16xf32>
        %mul3A_345 = arith.mulf %get3A_11, %mul3A_344 : vector<16xf32>
        %add3A_346 = arith.addf %mul3A_343, %mul3A_345 : vector<16xf32>
        %add3A_347 = arith.constant 3 : i32
        %add3A_348 = arith.addi %add3A_113, %add3A_347 : i32
        %swap3A_349 = arith.index_cast %add3A_348 : i32 to index
        %swap3A_350 = arith.constant 32 : index
        %swap3A_351 = tpu.vector_load %arg10[%swap3A_349, %swap3A_350] {strides = array<i32>} : memref<256x64xf32, #tpu.memory_space<vmem>>, vector<16xf32>,
        tpu.vector_store %arg10[%swap3A_349, %swap3A_350], %add3A_346 {strides = array<i32>} : memref<256x64xf32, #tpu.memory_space<vmem>>, vector<16xf32>,
        %add3A_352 = arith.constant 3 : i32
        %add3A_353 = arith.addi %add3A_113, %add3A_352 : i32
        %get3A_354 = arith.index_cast %add3A_353 : i32 to index
        %get3A_355 = arith.constant 48 : index
        %get3A_356 = tpu.vector_load %arg10[%get3A_354, %get3A_355] {strides = array<i32>} : memref<256x64xf32, #tpu.memory_space<vmem>>, vector<16xf32>,
        %mul3A_357 = vector.broadcast %squeeze3A_304 : f32 to vector<16xf32>
        %mul3A_358 = arith.mulf %get3A_356, %mul3A_357 : vector<16xf32>
        %mul3A_359 = vector.broadcast %squeeze3A_306 : f32 to vector<16xf32>
        %mul3A_360 = arith.mulf %get3A_15, %mul3A_359 : vector<16xf32>
        %add3A_361 = arith.addf %mul3A_358, %mul3A_360 : vector<16xf32>
        %add3A_362 = arith.constant 3 : i32
        %add3A_363 = arith.addi %add3A_113, %add3A_362 : i32
        %swap3A_364 = arith.index_cast %add3A_363 : i32 to index
        %swap3A_365 = arith.constant 48 : index
        %swap3A_366 = tpu.vector_load %arg10[%swap3A_364, %swap3A_365] {strides = array<i32>} : memref<256x64xf32, #tpu.memory_space<vmem>>, vector<16xf32>,
        tpu.vector_store %arg10[%swap3A_364, %swap3A_365], %add3A_361 {strides = array<i32>} : memref<256x64xf32, #tpu.memory_space<vmem>>, vector<16xf32>,
        %slice3A_367 = vector.extract_strided_slice %convert_element_type3A_105 {offsets = [4], sizes = [1], strides = [1]} : vector<16xf32> to vector<1xf32>
        %squeeze3A_368 = vector.extract %slice3A_367[0] : f32 from vector<1xf32>
        %slice3A_369 = vector.extract_strided_slice %convert_element_type3A_109 {offsets = [4], sizes = [1], strides = [1]} : vector<16xf32> to vector<1xf32>
        %squeeze3A_370 = vector.extract %slice3A_369[0] : f32 from vector<1xf32>
        %add3A_371 = arith.constant 4 : i32
        %add3A_372 = arith.addi %add3A_113, %add3A_371 : i32
        %get3A_373 = arith.index_cast %add3A_372 : i32 to index
        %get3A_374 = arith.constant 0 : index
        %get3A_375 = tpu.vector_load %arg10[%get3A_373, %get3A_374] {strides = array<i32>} : memref<256x64xf32, #tpu.memory_space<vmem>>, vector<16xf32>,
        %mul3A_376 = vector.broadcast %squeeze3A_368 : f32 to vector<16xf32>
        %mul3A_377 = arith.mulf %get3A_375, %mul3A_376 : vector<16xf32>
        %mul3A_378 = vector.broadcast %squeeze3A_370 : f32 to vector<16xf32>
        %mul3A_379 = arith.mulf %get3A_3, %mul3A_378 : vector<16xf32>
        %add3A_380 = arith.addf %mul3A_377, %mul3A_379 : vector<16xf32>
        %add3A_381 = arith.constant 4 : i32
        %add3A_382 = arith.addi %add3A_113, %add3A_381 : i32
        %swap3A_383 = arith.index_cast %add3A_382 : i32 to index
        %swap3A_384 = arith.constant 0 : index
        %swap3A_385 = tpu.vector_load %arg10[%swap3A_383, %swap3A_384] {strides = array<i32>} : memref<256x64xf32, #tpu.memory_space<vmem>>, vector<16xf32>,
        tpu.vector_store %arg10[%swap3A_383, %swap3A_384], %add3A_380 {strides = array<i32>} : memref<256x64xf32, #tpu.memory_space<vmem>>, vector<16xf32>,
        %add3A_386 = arith.constant 4 : i32
        %add3A_387 = arith.addi %add3A_113, %add3A_386 : i32
        %get3A_388 = arith.index_cast %add3A_387 : i32 to index
        %get3A_389 = arith.constant 16 : index
        %get3A_390 = tpu.vector_load %arg10[%get3A_388, %get3A_389] {strides = array<i32>} : memref<256x64xf32, #tpu.memory_space<vmem>>, vector<16xf32>,
        %mul3A_391 = vector.broadcast %squeeze3A_368 : f32 to vector<16xf32>
        %mul3A_392 = arith.mulf %get3A_390, %mul3A_391 : vector<16xf32>
        %mul3A_393 = vector.broadcast %squeeze3A_370 : f32 to vector<16xf32>
        %mul3A_394 = arith.mulf %get3A_7, %mul3A_393 : vector<16xf32>
        %add3A_395 = arith.addf %mul3A_392, %mul3A_394 : vector<16xf32>
        %add3A_396 = arith.constant 4 : i32
        %add3A_397 = arith.addi %add3A_113, %add3A_396 : i32
        %swap3A_398 = arith.index_cast %add3A_397 : i32 to index
        %swap3A_399 = arith.constant 16 : index
        %swap3A_400 = tpu.vector_load %arg10[%swap3A_398, %swap3A_399] {strides = array<i32>} : memref<256x64xf32, #tpu.memory_space<vmem>>, vector<16xf32>,
        tpu.vector_store %arg10[%swap3A_398, %swap3A_399], %add3A_395 {strides = array<i32>} : memref<256x64xf32, #tpu.memory_space<vmem>>, vector<16xf32>,
        %add3A_401 = arith.constant 4 : i32
        %add3A_402 = arith.addi %add3A_113, %add3A_401 : i32
        %get3A_403 = arith.index_cast %add3A_402 : i32 to index
        %get3A_404 = arith.constant 32 : index
        %get3A_405 = tpu.vector_load %arg10[%get3A_403, %get3A_404] {strides = array<i32>} : memref<256x64xf32, #tpu.memory_space<vmem>>, vector<16xf32>,
        %mul3A_406 = vector.broadcast %squeeze3A_368 : f32 to vector<16xf32>
        %mul3A_407 = arith.mulf %get3A_405, %mul3A_406 : vector<16xf32>
        %mul3A_408 = vector.broadcast %squeeze3A_370 : f32 to vector<16xf32>
        %mul3A_409 = arith.mulf %get3A_11, %mul3A_408 : vector<16xf32>
        %add3A_410 = arith.addf %mul3A_407, %mul3A_409 : vector<16xf32>
        %add3A_411 = arith.constant 4 : i32
        %add3A_412 = arith.addi %add3A_113, %add3A_411 : i32
        %swap3A_413 = arith.index_cast %add3A_412 : i32 to index
        %swap3A_414 = arith.constant 32 : index
        %swap3A_415 = tpu.vector_load %arg10[%swap3A_413, %swap3A_414] {strides = array<i32>} : memref<256x64xf32, #tpu.memory_space<vmem>>, vector<16xf32>,
        tpu.vector_store %arg10[%swap3A_413, %swap3A_414], %add3A_410 {strides = array<i32>} : memref<256x64xf32, #tpu.memory_space<vmem>>, vector<16xf32>,
        %add3A_416 = arith.constant 4 : i32
        %add3A_417 = arith.addi %add3A_113, %add3A_416 : i32
        %get3A_418 = arith.index_cast %add3A_417 : i32 to index
        %get3A_419 = arith.constant 48 : index
        %get3A_420 = tpu.vector_load %arg10[%get3A_418, %get3A_419] {strides = array<i32>} : memref<256x64xf32, #tpu.memory_space<vmem>>, vector<16xf32>,
        %mul3A_421 = vector.broadcast %squeeze3A_368 : f32 to vector<16xf32>
        %mul3A_422 = arith.mulf %get3A_420, %mul3A_421 : vector<16xf32>
        %mul3A_423 = vector.broadcast %squeeze3A_370 : f32 to vector<16xf32>
        %mul3A_424 = arith.mulf %get3A_15, %mul3A_423 : vector<16xf32>
        %add3A_425 = arith.addf %mul3A_422, %mul3A_424 : vector<16xf32>
        %add3A_426 = arith.constant 4 : i32
        %add3A_427 = arith.addi %add3A_113, %add3A_426 : i32
        %swap3A_428 = arith.index_cast %add3A_427 : i32 to index
        %swap3A_429 = arith.constant 48 : index
        %swap3A_430 = tpu.vector_load %arg10[%swap3A_428, %swap3A_429] {strides = array<i32>} : memref<256x64xf32, #tpu.memory_space<vmem>>, vector<16xf32>,
        tpu.vector_store %arg10[%swap3A_428, %swap3A_429], %add3A_425 {strides = array<i32>} : memref<256x64xf32, #tpu.memory_space<vmem>>, vector<16xf32>,
        %slice3A_431 = vector.extract_strided_slice %convert_element_type3A_105 {offsets = [5], sizes = [1], strides = [1]} : vector<16xf32> to vector<1xf32>
        %squeeze3A_432 = vector.extract %slice3A_431[0] : f32 from vector<1xf32>
        %slice3A_433 = vector.extract_strided_slice %convert_element_type3A_109 {offsets = [5], sizes = [1], strides = [1]} : vector<16xf32> to vector<1xf32>
        %squeeze3A_434 = vector.extract %slice3A_433[0] : f32 from vector<1xf32>
        %add3A_435 = arith.constant 5 : i32
        %add3A_436 = arith.addi %add3A_113, %add3A_435 : i32
        %get3A_437 = arith.index_cast %add3A_436 : i32 to index
        %get3A_438 = arith.constant 0 : index
        %get3A_439 = tpu.vector_load %arg10[%get3A_437, %get3A_438] {strides = array<i32>} : memref<256x64xf32, #tpu.memory_space<vmem>>, vector<16xf32>,
        %mul3A_440 = vector.broadcast %squeeze3A_432 : f32 to vector<16xf32>
        %mul3A_441 = arith.mulf %get3A_439, %mul3A_440 : vector<16xf32>
        %mul3A_442 = vector.broadcast %squeeze3A_434 : f32 to vector<16xf32>
        %mul3A_443 = arith.mulf %get3A_3, %mul3A_442 : vector<16xf32>
        %add3A_444 = arith.addf %mul3A_441, %mul3A_443 : vector<16xf32>
        %add3A_445 = arith.constant 5 : i32
        %add3A_446 = arith.addi %add3A_113, %add3A_445 : i32
        %swap3A_447 = arith.index_cast %add3A_446 : i32 to index
        %swap3A_448 = arith.constant 0 : index
        %swap3A_449 = tpu.vector_load %arg10[%swap3A_447, %swap3A_448] {strides = array<i32>} : memref<256x64xf32, #tpu.memory_space<vmem>>, vector<16xf32>,
        tpu.vector_store %arg10[%swap3A_447, %swap3A_448], %add3A_444 {strides = array<i32>} : memref<256x64xf32, #tpu.memory_space<vmem>>, vector<16xf32>,
        %add3A_450 = arith.constant 5 : i32
        %add3A_451 = arith.addi %add3A_113, %add3A_450 : i32
        %get3A_452 = arith.index_cast %add3A_451 : i32 to index
        %get3A_453 = arith.constant 16 : index
        %get3A_454 = tpu.vector_load %arg10[%get3A_452, %get3A_453] {strides = array<i32>} : memref<256x64xf32, #tpu.memory_space<vmem>>, vector<16xf32>,
        %mul3A_455 = vector.broadcast %squeeze3A_432 : f32 to vector<16xf32>
        %mul3A_456 = arith.mulf %get3A_454, %mul3A_455 : vector<16xf32>
        %mul3A_457 = vector.broadcast %squeeze3A_434 : f32 to vector<16xf32>
        %mul3A_458 = arith.mulf %get3A_7, %mul3A_457 : vector<16xf32>
        %add3A_459 = arith.addf %mul3A_456, %mul3A_458 : vector<16xf32>
        %add3A_460 = arith.constant 5 : i32
        %add3A_461 = arith.addi %add3A_113, %add3A_460 : i32
        %swap3A_462 = arith.index_cast %add3A_461 : i32 to index
        %swap3A_463 = arith.constant 16 : index
        %swap3A_464 = tpu.vector_load %arg10[%swap3A_462, %swap3A_463] {strides = array<i32>} : memref<256x64xf32, #tpu.memory_space<vmem>>, vector<16xf32>,
        tpu.vector_store %arg10[%swap3A_462, %swap3A_463], %add3A_459 {strides = array<i32>} : memref<256x64xf32, #tpu.memory_space<vmem>>, vector<16xf32>,
        %add3A_465 = arith.constant 5 : i32
        %add3A_466 = arith.addi %add3A_113, %add3A_465 : i32
        %get3A_467 = arith.index_cast %add3A_466 : i32 to index
        %get3A_468 = arith.constant 32 : index
        %get3A_469 = tpu.vector_load %arg10[%get3A_467, %get3A_468] {strides = array<i32>} : memref<256x64xf32, #tpu.memory_space<vmem>>, vector<16xf32>,
        %mul3A_470 = vector.broadcast %squeeze3A_432 : f32 to vector<16xf32>
        %mul3A_471 = arith.mulf %get3A_469, %mul3A_470 : vector<16xf32>
        %mul3A_472 = vector.broadcast %squeeze3A_434 : f32 to vector<16xf32>
        %mul3A_473 = arith.mulf %get3A_11, %mul3A_472 : vector<16xf32>
        %add3A_474 = arith.addf %mul3A_471, %mul3A_473 : vector<16xf32>
        %add3A_475 = arith.constant 5 : i32
        %add3A_476 = arith.addi %add3A_113, %add3A_475 : i32
        %swap3A_477 = arith.index_cast %add3A_476 : i32 to index
        %swap3A_478 = arith.constant 32 : index
        %swap3A_479 = tpu.vector_load %arg10[%swap3A_477, %swap3A_478] {strides = array<i32>} : memref<256x64xf32, #tpu.memory_space<vmem>>, vector<16xf32>,
        tpu.vector_store %arg10[%swap3A_477, %swap3A_478], %add3A_474 {strides = array<i32>} : memref<256x64xf32, #tpu.memory_space<vmem>>, vector<16xf32>,
        %add3A_480 = arith.constant 5 : i32
        %add3A_481 = arith.addi %add3A_113, %add3A_480 : i32
        %get3A_482 = arith.index_cast %add3A_481 : i32 to index
        %get3A_483 = arith.constant 48 : index
        %get3A_484 = tpu.vector_load %arg10[%get3A_482, %get3A_483] {strides = array<i32>} : memref<256x64xf32, #tpu.memory_space<vmem>>, vector<16xf32>,
        %mul3A_485 = vector.broadcast %squeeze3A_432 : f32 to vector<16xf32>
        %mul3A_486 = arith.mulf %get3A_484, %mul3A_485 : vector<16xf32>
        %mul3A_487 = vector.broadcast %squeeze3A_434 : f32 to vector<16xf32>
        %mul3A_488 = arith.mulf %get3A_15, %mul3A_487 : vector<16xf32>
        %add3A_489 = arith.addf %mul3A_486, %mul3A_488 : vector<16xf32>
        %add3A_490 = arith.constant 5 : i32
        %add3A_491 = arith.addi %add3A_113, %add3A_490 : i32
        %swap3A_492 = arith.index_cast %add3A_491 : i32 to index
        %swap3A_493 = arith.constant 48 : index
        %swap3A_494 = tpu.vector_load %arg10[%swap3A_492, %swap3A_493] {strides = array<i32>} : memref<256x64xf32, #tpu.memory_space<vmem>>, vector<16xf32>,
        tpu.vector_store %arg10[%swap3A_492, %swap3A_493], %add3A_489 {strides = array<i32>} : memref<256x64xf32, #tpu.memory_space<vmem>>, vector<16xf32>,
        %slice3A_495 = vector.extract_strided_slice %convert_element_type3A_105 {offsets = [6], sizes = [1], strides = [1]} : vector<16xf32> to vector<1xf32>
        %squeeze3A_496 = vector.extract %slice3A_495[0] : f32 from vector<1xf32>
        %slice3A_497 = vector.extract_strided_slice %convert_element_type3A_109 {offsets = [6], sizes = [1], strides = [1]} : vector<16xf32> to vector<1xf32>
        %squeeze3A_498 = vector.extract %slice3A_497[0] : f32 from vector<1xf32>
        %add3A_499 = arith.constant 6 : i32
        %add3A_500 = arith.addi %add3A_113, %add3A_499 : i32
        %get3A_501 = arith.index_cast %add3A_500 : i32 to index
        %get3A_502 = arith.constant 0 : index
        %get3A_503 = tpu.vector_load %arg10[%get3A_501, %get3A_502] {strides = array<i32>} : memref<256x64xf32, #tpu.memory_space<vmem>>, vector<16xf32>,
        %mul3A_504 = vector.broadcast %squeeze3A_496 : f32 to vector<16xf32>
        %mul3A_505 = arith.mulf %get3A_503, %mul3A_504 : vector<16xf32>
        %mul3A_506 = vector.broadcast %squeeze3A_498 : f32 to vector<16xf32>
        %mul3A_507 = arith.mulf %get3A_3, %mul3A_506 : vector<16xf32>
        %add3A_508 = arith.addf %mul3A_505, %mul3A_507 : vector<16xf32>
        %add3A_509 = arith.constant 6 : i32
        %add3A_510 = arith.addi %add3A_113, %add3A_509 : i32
        %swap3A_511 = arith.index_cast %add3A_510 : i32 to index
        %swap3A_512 = arith.constant 0 : index
        %swap3A_513 = tpu.vector_load %arg10[%swap3A_511, %swap3A_512] {strides = array<i32>} : memref<256x64xf32, #tpu.memory_space<vmem>>, vector<16xf32>,
        tpu.vector_store %arg10[%swap3A_511, %swap3A_512], %add3A_508 {strides = array<i32>} : memref<256x64xf32, #tpu.memory_space<vmem>>, vector<16xf32>,
        %add3A_514 = arith.constant 6 : i32
        %add3A_515 = arith.addi %add3A_113, %add3A_514 : i32
        %get3A_516 = arith.index_cast %add3A_515 : i32 to index
        %get3A_517 = arith.constant 16 : index
        %get3A_518 = tpu.vector_load %arg10[%get3A_516, %get3A_517] {strides = array<i32>} : memref<256x64xf32, #tpu.memory_space<vmem>>, vector<16xf32>,
        %mul3A_519 = vector.broadcast %squeeze3A_496 : f32 to vector<16xf32>
        %mul3A_520 = arith.mulf %get3A_518, %mul3A_519 : vector<16xf32>
        %mul3A_521 = vector.broadcast %squeeze3A_498 : f32 to vector<16xf32>
        %mul3A_522 = arith.mulf %get3A_7, %mul3A_521 : vector<16xf32>
        %add3A_523 = arith.addf %mul3A_520, %mul3A_522 : vector<16xf32>
        %add3A_524 = arith.constant 6 : i32
        %add3A_525 = arith.addi %add3A_113, %add3A_524 : i32
        %swap3A_526 = arith.index_cast %add3A_525 : i32 to index
        %swap3A_527 = arith.constant 16 : index
        %swap3A_528 = tpu.vector_load %arg10[%swap3A_526, %swap3A_527] {strides = array<i32>} : memref<256x64xf32, #tpu.memory_space<vmem>>, vector<16xf32>,
        tpu.vector_store %arg10[%swap3A_526, %swap3A_527], %add3A_523 {strides = array<i32>} : memref<256x64xf32, #tpu.memory_space<vmem>>, vector<16xf32>,
        %add3A_529 = arith.constant 6 : i32
        %add3A_530 = arith.addi %add3A_113, %add3A_529 : i32
        %get3A_531 = arith.index_cast %add3A_530 : i32 to index
        %get3A_532 = arith.constant 32 : index
        %get3A_533 = tpu.vector_load %arg10[%get3A_531, %get3A_532] {strides = array<i32>} : memref<256x64xf32, #tpu.memory_space<vmem>>, vector<16xf32>,
        %mul3A_534 = vector.broadcast %squeeze3A_496 : f32 to vector<16xf32>
        %mul3A_535 = arith.mulf %get3A_533, %mul3A_534 : vector<16xf32>
        %mul3A_536 = vector.broadcast %squeeze3A_498 : f32 to vector<16xf32>
        %mul3A_537 = arith.mulf %get3A_11, %mul3A_536 : vector<16xf32>
        %add3A_538 = arith.addf %mul3A_535, %mul3A_537 : vector<16xf32>
        %add3A_539 = arith.constant 6 : i32
        %add3A_540 = arith.addi %add3A_113, %add3A_539 : i32
        %swap3A_541 = arith.index_cast %add3A_540 : i32 to index
        %swap3A_542 = arith.constant 32 : index
        %swap3A_543 = tpu.vector_load %arg10[%swap3A_541, %swap3A_542] {strides = array<i32>} : memref<256x64xf32, #tpu.memory_space<vmem>>, vector<16xf32>,
        tpu.vector_store %arg10[%swap3A_541, %swap3A_542], %add3A_538 {strides = array<i32>} : memref<256x64xf32, #tpu.memory_space<vmem>>, vector<16xf32>,
        %add3A_544 = arith.constant 6 : i32
        %add3A_545 = arith.addi %add3A_113, %add3A_544 : i32
        %get3A_546 = arith.index_cast %add3A_545 : i32 to index
        %get3A_547 = arith.constant 48 : index
        %get3A_548 = tpu.vector_load %arg10[%get3A_546, %get3A_547] {strides = array<i32>} : memref<256x64xf32, #tpu.memory_space<vmem>>, vector<16xf32>,
        %mul3A_549 = vector.broadcast %squeeze3A_496 : f32 to vector<16xf32>
        %mul3A_550 = arith.mulf %get3A_548, %mul3A_549 : vector<16xf32>
        %mul3A_551 = vector.broadcast %squeeze3A_498 : f32 to vector<16xf32>
        %mul3A_552 = arith.mulf %get3A_15, %mul3A_551 : vector<16xf32>
        %add3A_553 = arith.addf %mul3A_550, %mul3A_552 : vector<16xf32>
        %add3A_554 = arith.constant 6 : i32
        %add3A_555 = arith.addi %add3A_113, %add3A_554 : i32
        %swap3A_556 = arith.index_cast %add3A_555 : i32 to index
        %swap3A_557 = arith.constant 48 : index
        %swap3A_558 = tpu.vector_load %arg10[%swap3A_556, %swap3A_557] {strides = array<i32>} : memref<256x64xf32, #tpu.memory_space<vmem>>, vector<16xf32>,
        tpu.vector_store %arg10[%swap3A_556, %swap3A_557], %add3A_553 {strides = array<i32>} : memref<256x64xf32, #tpu.memory_space<vmem>>, vector<16xf32>,
        %slice3A_559 = vector.extract_strided_slice %convert_element_type3A_105 {offsets = [7], sizes = [1], strides = [1]} : vector<16xf32> to vector<1xf32>
        %squeeze3A_560 = vector.extract %slice3A_559[0] : f32 from vector<1xf32>
        %slice3A_561 = vector.extract_strided_slice %convert_element_type3A_109 {offsets = [7], sizes = [1], strides = [1]} : vector<16xf32> to vector<1xf32>
        %squeeze3A_562 = vector.extract %slice3A_561[0] : f32 from vector<1xf32>
        %add3A_563 = arith.constant 7 : i32
        %add3A_564 = arith.addi %add3A_113, %add3A_563 : i32
        %get3A_565 = arith.index_cast %add3A_564 : i32 to index
        %get3A_566 = arith.constant 0 : index
        %get3A_567 = tpu.vector_load %arg10[%get3A_565, %get3A_566] {strides = array<i32>} : memref<256x64xf32, #tpu.memory_space<vmem>>, vector<16xf32>,
        %mul3A_568 = vector.broadcast %squeeze3A_560 : f32 to vector<16xf32>
        %mul3A_569 = arith.mulf %get3A_567, %mul3A_568 : vector<16xf32>
        %mul3A_570 = vector.broadcast %squeeze3A_562 : f32 to vector<16xf32>
        %mul3A_571 = arith.mulf %get3A_3, %mul3A_570 : vector<16xf32>
        %add3A_572 = arith.addf %mul3A_569, %mul3A_571 : vector<16xf32>
        %add3A_573 = arith.constant 7 : i32
        %add3A_574 = arith.addi %add3A_113, %add3A_573 : i32
        %swap3A_575 = arith.index_cast %add3A_574 : i32 to index
        %swap3A_576 = arith.constant 0 : index
        %swap3A_577 = tpu.vector_load %arg10[%swap3A_575, %swap3A_576] {strides = array<i32>} : memref<256x64xf32, #tpu.memory_space<vmem>>, vector<16xf32>,
        tpu.vector_store %arg10[%swap3A_575, %swap3A_576], %add3A_572 {strides = array<i32>} : memref<256x64xf32, #tpu.memory_space<vmem>>, vector<16xf32>,
        %add3A_578 = arith.constant 7 : i32
        %add3A_579 = arith.addi %add3A_113, %add3A_578 : i32
        %get3A_580 = arith.index_cast %add3A_579 : i32 to index
        %get3A_581 = arith.constant 16 : index
        %get3A_582 = tpu.vector_load %arg10[%get3A_580, %get3A_581] {strides = array<i32>} : memref<256x64xf32, #tpu.memory_space<vmem>>, vector<16xf32>,
        %mul3A_583 = vector.broadcast %squeeze3A_560 : f32 to vector<16xf32>
        %mul3A_584 = arith.mulf %get3A_582, %mul3A_583 : vector<16xf32>
        %mul3A_585 = vector.broadcast %squeeze3A_562 : f32 to vector<16xf32>
        %mul3A_586 = arith.mulf %get3A_7, %mul3A_585 : vector<16xf32>
        %add3A_587 = arith.addf %mul3A_584, %mul3A_586 : vector<16xf32>
        %add3A_588 = arith.constant 7 : i32
        %add3A_589 = arith.addi %add3A_113, %add3A_588 : i32
        %swap3A_590 = arith.index_cast %add3A_589 : i32 to index
        %swap3A_591 = arith.constant 16 : index
        %swap3A_592 = tpu.vector_load %arg10[%swap3A_590, %swap3A_591] {strides = array<i32>} : memref<256x64xf32, #tpu.memory_space<vmem>>, vector<16xf32>,
        tpu.vector_store %arg10[%swap3A_590, %swap3A_591], %add3A_587 {strides = array<i32>} : memref<256x64xf32, #tpu.memory_space<vmem>>, vector<16xf32>,
        %add3A_593 = arith.constant 7 : i32
        %add3A_594 = arith.addi %add3A_113, %add3A_593 : i32
        %get3A_595 = arith.index_cast %add3A_594 : i32 to index
        %get3A_596 = arith.constant 32 : index
        %get3A_597 = tpu.vector_load %arg10[%get3A_595, %get3A_596] {strides = array<i32>} : memref<256x64xf32, #tpu.memory_space<vmem>>, vector<16xf32>,
        %mul3A_598 = vector.broadcast %squeeze3A_560 : f32 to vector<16xf32>
        %mul3A_599 = arith.mulf %get3A_597, %mul3A_598 : vector<16xf32>
        %mul3A_600 = vector.broadcast %squeeze3A_562 : f32 to vector<16xf32>
        %mul3A_601 = arith.mulf %get3A_11, %mul3A_600 : vector<16xf32>
        %add3A_602 = arith.addf %mul3A_599, %mul3A_601 : vector<16xf32>
        %add3A_603 = arith.constant 7 : i32
        %add3A_604 = arith.addi %add3A_113, %add3A_603 : i32
        %swap3A_605 = arith.index_cast %add3A_604 : i32 to index
        %swap3A_606 = arith.constant 32 : index
        %swap3A_607 = tpu.vector_load %arg10[%swap3A_605, %swap3A_606] {strides = array<i32>} : memref<256x64xf32, #tpu.memory_space<vmem>>, vector<16xf32>,
        tpu.vector_store %arg10[%swap3A_605, %swap3A_606], %add3A_602 {strides = array<i32>} : memref<256x64xf32, #tpu.memory_space<vmem>>, vector<16xf32>,
        %add3A_608 = arith.constant 7 : i32
        %add3A_609 = arith.addi %add3A_113, %add3A_608 : i32
        %get3A_610 = arith.index_cast %add3A_609 : i32 to index
        %get3A_611 = arith.constant 48 : index
        %get3A_612 = tpu.vector_load %arg10[%get3A_610, %get3A_611] {strides = array<i32>} : memref<256x64xf32, #tpu.memory_space<vmem>>, vector<16xf32>,
        %mul3A_613 = vector.broadcast %squeeze3A_560 : f32 to vector<16xf32>
        %mul3A_614 = arith.mulf %get3A_612, %mul3A_613 : vector<16xf32>
        %mul3A_615 = vector.broadcast %squeeze3A_562 : f32 to vector<16xf32>
        %mul3A_616 = arith.mulf %get3A_15, %mul3A_615 : vector<16xf32>
        %add3A_617 = arith.addf %mul3A_614, %mul3A_616 : vector<16xf32>
        %add3A_618 = arith.constant 7 : i32
        %add3A_619 = arith.addi %add3A_113, %add3A_618 : i32
        %swap3A_620 = arith.index_cast %add3A_619 : i32 to index
        %swap3A_621 = arith.constant 48 : index
        %swap3A_622 = tpu.vector_load %arg10[%swap3A_620, %swap3A_621] {strides = array<i32>} : memref<256x64xf32, #tpu.memory_space<vmem>>, vector<16xf32>,
        tpu.vector_store %arg10[%swap3A_620, %swap3A_621], %add3A_617 {strides = array<i32>} : memref<256x64xf32, #tpu.memory_space<vmem>>, vector<16xf32>,
        %slice3A_623 = vector.extract_strided_slice %convert_element_type3A_105 {offsets = [8], sizes = [1], strides = [1]} : vector<16xf32> to vector<1xf32>
        %squeeze3A_624 = vector.extract %slice3A_623[0] : f32 from vector<1xf32>
        %slice3A_625 = vector.extract_strided_slice %convert_element_type3A_109 {offsets = [8], sizes = [1], strides = [1]} : vector<16xf32> to vector<1xf32>
        %squeeze3A_626 = vector.extract %slice3A_625[0] : f32 from vector<1xf32>
        %add3A_627 = arith.constant 8 : i32
        %add3A_628 = arith.addi %add3A_113, %add3A_627 : i32
        %get3A_629 = arith.index_cast %add3A_628 : i32 to index
        %get3A_630 = arith.constant 0 : index
        %get3A_631 = tpu.vector_load %arg10[%get3A_629, %get3A_630] {strides = array<i32>} : memref<256x64xf32, #tpu.memory_space<vmem>>, vector<16xf32>,
        %mul3A_632 = vector.broadcast %squeeze3A_624 : f32 to vector<16xf32>
        %mul3A_633 = arith.mulf %get3A_631, %mul3A_632 : vector<16xf32>
        %mul3A_634 = vector.broadcast %squeeze3A_626 : f32 to vector<16xf32>
        %mul3A_635 = arith.mulf %get3A_3, %mul3A_634 : vector<16xf32>
        %add3A_636 = arith.addf %mul3A_633, %mul3A_635 : vector<16xf32>
        %add3A_637 = arith.constant 8 : i32
        %add3A_638 = arith.addi %add3A_113, %add3A_637 : i32
        %swap3A_639 = arith.index_cast %add3A_638 : i32 to index
        %swap3A_640 = arith.constant 0 : index
        %swap3A_641 = tpu.vector_load %arg10[%swap3A_639, %swap3A_640] {strides = array<i32>} : memref<256x64xf32, #tpu.memory_space<vmem>>, vector<16xf32>,
        tpu.vector_store %arg10[%swap3A_639, %swap3A_640], %add3A_636 {strides = array<i32>} : memref<256x64xf32, #tpu.memory_space<vmem>>, vector<16xf32>,
        %add3A_642 = arith.constant 8 : i32
        %add3A_643 = arith.addi %add3A_113, %add3A_642 : i32
        %get3A_644 = arith.index_cast %add3A_643 : i32 to index
        %get3A_645 = arith.constant 16 : index
        %get3A_646 = tpu.vector_load %arg10[%get3A_644, %get3A_645] {strides = array<i32>} : memref<256x64xf32, #tpu.memory_space<vmem>>, vector<16xf32>,
        %mul3A_647 = vector.broadcast %squeeze3A_624 : f32 to vector<16xf32>
        %mul3A_648 = arith.mulf %get3A_646, %mul3A_647 : vector<16xf32>
        %mul3A_649 = vector.broadcast %squeeze3A_626 : f32 to vector<16xf32>
        %mul3A_650 = arith.mulf %get3A_7, %mul3A_649 : vector<16xf32>
        %add3A_651 = arith.addf %mul3A_648, %mul3A_650 : vector<16xf32>
        %add3A_652 = arith.constant 8 : i32
        %add3A_653 = arith.addi %add3A_113, %add3A_652 : i32
        %swap3A_654 = arith.index_cast %add3A_653 : i32 to index
        %swap3A_655 = arith.constant 16 : index
        %swap3A_656 = tpu.vector_load %arg10[%swap3A_654, %swap3A_655] {strides = array<i32>} : memref<256x64xf32, #tpu.memory_space<vmem>>, vector<16xf32>,
        tpu.vector_store %arg10[%swap3A_654, %swap3A_655], %add3A_651 {strides = array<i32>} : memref<256x64xf32, #tpu.memory_space<vmem>>, vector<16xf32>,
        %add3A_657 = arith.constant 8 : i32
        %add3A_658 = arith.addi %add3A_113, %add3A_657 : i32
        %get3A_659 = arith.index_cast %add3A_658 : i32 to index
        %get3A_660 = arith.constant 32 : index
        %get3A_661 = tpu.vector_load %arg10[%get3A_659, %get3A_660] {strides = array<i32>} : memref<256x64xf32, #tpu.memory_space<vmem>>, vector<16xf32>,
        %mul3A_662 = vector.broadcast %squeeze3A_624 : f32 to vector<16xf32>
        %mul3A_663 = arith.mulf %get3A_661, %mul3A_662 : vector<16xf32>
        %mul3A_664 = vector.broadcast %squeeze3A_626 : f32 to vector<16xf32>
        %mul3A_665 = arith.mulf %get3A_11, %mul3A_664 : vector<16xf32>
        %add3A_666 = arith.addf %mul3A_663, %mul3A_665 : vector<16xf32>
        %add3A_667 = arith.constant 8 : i32
        %add3A_668 = arith.addi %add3A_113, %add3A_667 : i32
        %swap3A_669 = arith.index_cast %add3A_668 : i32 to index
        %swap3A_670 = arith.constant 32 : index
        %swap3A_671 = tpu.vector_load %arg10[%swap3A_669, %swap3A_670] {strides = array<i32>} : memref<256x64xf32, #tpu.memory_space<vmem>>, vector<16xf32>,
        tpu.vector_store %arg10[%swap3A_669, %swap3A_670], %add3A_666 {strides = array<i32>} : memref<256x64xf32, #tpu.memory_space<vmem>>, vector<16xf32>,
        %add3A_672 = arith.constant 8 : i32
        %add3A_673 = arith.addi %add3A_113, %add3A_672 : i32
        %get3A_674 = arith.index_cast %add3A_673 : i32 to index
        %get3A_675 = arith.constant 48 : index
        %get3A_676 = tpu.vector_load %arg10[%get3A_674, %get3A_675] {strides = array<i32>} : memref<256x64xf32, #tpu.memory_space<vmem>>, vector<16xf32>,
        %mul3A_677 = vector.broadcast %squeeze3A_624 : f32 to vector<16xf32>
        %mul3A_678 = arith.mulf %get3A_676, %mul3A_677 : vector<16xf32>
        %mul3A_679 = vector.broadcast %squeeze3A_626 : f32 to vector<16xf32>
        %mul3A_680 = arith.mulf %get3A_15, %mul3A_679 : vector<16xf32>
        %add3A_681 = arith.addf %mul3A_678, %mul3A_680 : vector<16xf32>
        %add3A_682 = arith.constant 8 : i32
        %add3A_683 = arith.addi %add3A_113, %add3A_682 : i32
        %swap3A_684 = arith.index_cast %add3A_683 : i32 to index
        %swap3A_685 = arith.constant 48 : index
        %swap3A_686 = tpu.vector_load %arg10[%swap3A_684, %swap3A_685] {strides = array<i32>} : memref<256x64xf32, #tpu.memory_space<vmem>>, vector<16xf32>,
        tpu.vector_store %arg10[%swap3A_684, %swap3A_685], %add3A_681 {strides = array<i32>} : memref<256x64xf32, #tpu.memory_space<vmem>>, vector<16xf32>,
        %slice3A_687 = vector.extract_strided_slice %convert_element_type3A_105 {offsets = [9], sizes = [1], strides = [1]} : vector<16xf32> to vector<1xf32>
        %squeeze3A_688 = vector.extract %slice3A_687[0] : f32 from vector<1xf32>
        %slice3A_689 = vector.extract_strided_slice %convert_element_type3A_109 {offsets = [9], sizes = [1], strides = [1]} : vector<16xf32> to vector<1xf32>
        %squeeze3A_690 = vector.extract %slice3A_689[0] : f32 from vector<1xf32>
        %add3A_691 = arith.constant 9 : i32
        %add3A_692 = arith.addi %add3A_113, %add3A_691 : i32
        %get3A_693 = arith.index_cast %add3A_692 : i32 to index
        %get3A_694 = arith.constant 0 : index
        %get3A_695 = tpu.vector_load %arg10[%get3A_693, %get3A_694] {strides = array<i32>} : memref<256x64xf32, #tpu.memory_space<vmem>>, vector<16xf32>,
        %mul3A_696 = vector.broadcast %squeeze3A_688 : f32 to vector<16xf32>
        %mul3A_697 = arith.mulf %get3A_695, %mul3A_696 : vector<16xf32>
        %mul3A_698 = vector.broadcast %squeeze3A_690 : f32 to vector<16xf32>
        %mul3A_699 = arith.mulf %get3A_3, %mul3A_698 : vector<16xf32>
        %add3A_700 = arith.addf %mul3A_697, %mul3A_699 : vector<16xf32>
        %add3A_701 = arith.constant 9 : i32
        %add3A_702 = arith.addi %add3A_113, %add3A_701 : i32
        %swap3A_703 = arith.index_cast %add3A_702 : i32 to index
        %swap3A_704 = arith.constant 0 : index
        %swap3A_705 = tpu.vector_load %arg10[%swap3A_703, %swap3A_704] {strides = array<i32>} : memref<256x64xf32, #tpu.memory_space<vmem>>, vector<16xf32>,
        tpu.vector_store %arg10[%swap3A_703, %swap3A_704], %add3A_700 {strides = array<i32>} : memref<256x64xf32, #tpu.memory_space<vmem>>, vector<16xf32>,
        %add3A_706 = arith.constant 9 : i32
        %add3A_707 = arith.addi %add3A_113, %add3A_706 : i32
        %get3A_708 = arith.index_cast %add3A_707 : i32 to index
        %get3A_709 = arith.constant 16 : index
        %get3A_710 = tpu.vector_load %arg10[%get3A_708, %get3A_709] {strides = array<i32>} : memref<256x64xf32, #tpu.memory_space<vmem>>, vector<16xf32>,
        %mul3A_711 = vector.broadcast %squeeze3A_688 : f32 to vector<16xf32>
        %mul3A_712 = arith.mulf %get3A_710, %mul3A_711 : vector<16xf32>
        %mul3A_713 = vector.broadcast %squeeze3A_690 : f32 to vector<16xf32>
        %mul3A_714 = arith.mulf %get3A_7, %mul3A_713 : vector<16xf32>
        %add3A_715 = arith.addf %mul3A_712, %mul3A_714 : vector<16xf32>
        %add3A_716 = arith.constant 9 : i32
        %add3A_717 = arith.addi %add3A_113, %add3A_716 : i32
        %swap3A_718 = arith.index_cast %add3A_717 : i32 to index
        %swap3A_719 = arith.constant 16 : index
        %swap3A_720 = tpu.vector_load %arg10[%swap3A_718, %swap3A_719] {strides = array<i32>} : memref<256x64xf32, #tpu.memory_space<vmem>>, vector<16xf32>,
        tpu.vector_store %arg10[%swap3A_718, %swap3A_719], %add3A_715 {strides = array<i32>} : memref<256x64xf32, #tpu.memory_space<vmem>>, vector<16xf32>,
        %add3A_721 = arith.constant 9 : i32
        %add3A_722 = arith.addi %add3A_113, %add3A_721 : i32
        %get3A_723 = arith.index_cast %add3A_722 : i32 to index
        %get3A_724 = arith.constant 32 : index
        %get3A_725 = tpu.vector_load %arg10[%get3A_723, %get3A_724] {strides = array<i32>} : memref<256x64xf32, #tpu.memory_space<vmem>>, vector<16xf32>,
        %mul3A_726 = vector.broadcast %squeeze3A_688 : f32 to vector<16xf32>
        %mul3A_727 = arith.mulf %get3A_725, %mul3A_726 : vector<16xf32>
        %mul3A_728 = vector.broadcast %squeeze3A_690 : f32 to vector<16xf32>
        %mul3A_729 = arith.mulf %get3A_11, %mul3A_728 : vector<16xf32>
        %add3A_730 = arith.addf %mul3A_727, %mul3A_729 : vector<16xf32>
        %add3A_731 = arith.constant 9 : i32
        %add3A_732 = arith.addi %add3A_113, %add3A_731 : i32
        %swap3A_733 = arith.index_cast %add3A_732 : i32 to index
        %swap3A_734 = arith.constant 32 : index
        %swap3A_735 = tpu.vector_load %arg10[%swap3A_733, %swap3A_734] {strides = array<i32>} : memref<256x64xf32, #tpu.memory_space<vmem>>, vector<16xf32>,
        tpu.vector_store %arg10[%swap3A_733, %swap3A_734], %add3A_730 {strides = array<i32>} : memref<256x64xf32, #tpu.memory_space<vmem>>, vector<16xf32>,
        %add3A_736 = arith.constant 9 : i32
        %add3A_737 = arith.addi %add3A_113, %add3A_736 : i32
        %get3A_738 = arith.index_cast %add3A_737 : i32 to index
        %get3A_739 = arith.constant 48 : index
        %get3A_740 = tpu.vector_load %arg10[%get3A_738, %get3A_739] {strides = array<i32>} : memref<256x64xf32, #tpu.memory_space<vmem>>, vector<16xf32>,
        %mul3A_741 = vector.broadcast %squeeze3A_688 : f32 to vector<16xf32>
        %mul3A_742 = arith.mulf %get3A_740, %mul3A_741 : vector<16xf32>
        %mul3A_743 = vector.broadcast %squeeze3A_690 : f32 to vector<16xf32>
        %mul3A_744 = arith.mulf %get3A_15, %mul3A_743 : vector<16xf32>
        %add3A_745 = arith.addf %mul3A_742, %mul3A_744 : vector<16xf32>
        %add3A_746 = arith.constant 9 : i32
        %add3A_747 = arith.addi %add3A_113, %add3A_746 : i32
        %swap3A_748 = arith.index_cast %add3A_747 : i32 to index
        %swap3A_749 = arith.constant 48 : index
        %swap3A_750 = tpu.vector_load %arg10[%swap3A_748, %swap3A_749] {strides = array<i32>} : memref<256x64xf32, #tpu.memory_space<vmem>>, vector<16xf32>,
        tpu.vector_store %arg10[%swap3A_748, %swap3A_749], %add3A_745 {strides = array<i32>} : memref<256x64xf32, #tpu.memory_space<vmem>>, vector<16xf32>,
        %slice3A_751 = vector.extract_strided_slice %convert_element_type3A_105 {offsets = [10], sizes = [1], strides = [1]} : vector<16xf32> to vector<1xf32>
        %squeeze3A_752 = vector.extract %slice3A_751[0] : f32 from vector<1xf32>
        %slice3A_753 = vector.extract_strided_slice %convert_element_type3A_109 {offsets = [10], sizes = [1], strides = [1]} : vector<16xf32> to vector<1xf32>
        %squeeze3A_754 = vector.extract %slice3A_753[0] : f32 from vector<1xf32>
        %add3A_755 = arith.constant 10 : i32
        %add3A_756 = arith.addi %add3A_113, %add3A_755 : i32
        %get3A_757 = arith.index_cast %add3A_756 : i32 to index
        %get3A_758 = arith.constant 0 : index
        %get3A_759 = tpu.vector_load %arg10[%get3A_757, %get3A_758] {strides = array<i32>} : memref<256x64xf32, #tpu.memory_space<vmem>>, vector<16xf32>,
        %mul3A_760 = vector.broadcast %squeeze3A_752 : f32 to vector<16xf32>
        %mul3A_761 = arith.mulf %get3A_759, %mul3A_760 : vector<16xf32>
        %mul3A_762 = vector.broadcast %squeeze3A_754 : f32 to vector<16xf32>
        %mul3A_763 = arith.mulf %get3A_3, %mul3A_762 : vector<16xf32>
        %add3A_764 = arith.addf %mul3A_761, %mul3A_763 : vector<16xf32>
        %add3A_765 = arith.constant 10 : i32
        %add3A_766 = arith.addi %add3A_113, %add3A_765 : i32
        %swap3A_767 = arith.index_cast %add3A_766 : i32 to index
        %swap3A_768 = arith.constant 0 : index
        %swap3A_769 = tpu.vector_load %arg10[%swap3A_767, %swap3A_768] {strides = array<i32>} : memref<256x64xf32, #tpu.memory_space<vmem>>, vector<16xf32>,
        tpu.vector_store %arg10[%swap3A_767, %swap3A_768], %add3A_764 {strides = array<i32>} : memref<256x64xf32, #tpu.memory_space<vmem>>, vector<16xf32>,
        %add3A_770 = arith.constant 10 : i32
        %add3A_771 = arith.addi %add3A_113, %add3A_770 : i32
        %get3A_772 = arith.index_cast %add3A_771 : i32 to index
        %get3A_773 = arith.constant 16 : index
        %get3A_774 = tpu.vector_load %arg10[%get3A_772, %get3A_773] {strides = array<i32>} : memref<256x64xf32, #tpu.memory_space<vmem>>, vector<16xf32>,
        %mul3A_775 = vector.broadcast %squeeze3A_752 : f32 to vector<16xf32>
        %mul3A_776 = arith.mulf %get3A_774, %mul3A_775 : vector<16xf32>
        %mul3A_777 = vector.broadcast %squeeze3A_754 : f32 to vector<16xf32>
        %mul3A_778 = arith.mulf %get3A_7, %mul3A_777 : vector<16xf32>
        %add3A_779 = arith.addf %mul3A_776, %mul3A_778 : vector<16xf32>
        %add3A_780 = arith.constant 10 : i32
        %add3A_781 = arith.addi %add3A_113, %add3A_780 : i32
        %swap3A_782 = arith.index_cast %add3A_781 : i32 to index
        %swap3A_783 = arith.constant 16 : index
        %swap3A_784 = tpu.vector_load %arg10[%swap3A_782, %swap3A_783] {strides = array<i32>} : memref<256x64xf32, #tpu.memory_space<vmem>>, vector<16xf32>,
        tpu.vector_store %arg10[%swap3A_782, %swap3A_783], %add3A_779 {strides = array<i32>} : memref<256x64xf32, #tpu.memory_space<vmem>>, vector<16xf32>,
        %add3A_785 = arith.constant 10 : i32
        %add3A_786 = arith.addi %add3A_113, %add3A_785 : i32
        %get3A_787 = arith.index_cast %add3A_786 : i32 to index
        %get3A_788 = arith.constant 32 : index
        %get3A_789 = tpu.vector_load %arg10[%get3A_787, %get3A_788] {strides = array<i32>} : memref<256x64xf32, #tpu.memory_space<vmem>>, vector<16xf32>,
        %mul3A_790 = vector.broadcast %squeeze3A_752 : f32 to vector<16xf32>
        %mul3A_791 = arith.mulf %get3A_789, %mul3A_790 : vector<16xf32>
        %mul3A_792 = vector.broadcast %squeeze3A_754 : f32 to vector<16xf32>
        %mul3A_793 = arith.mulf %get3A_11, %mul3A_792 : vector<16xf32>
        %add3A_794 = arith.addf %mul3A_791, %mul3A_793 : vector<16xf32>
        %add3A_795 = arith.constant 10 : i32
        %add3A_796 = arith.addi %add3A_113, %add3A_795 : i32
        %swap3A_797 = arith.index_cast %add3A_796 : i32 to index
        %swap3A_798 = arith.constant 32 : index
        %swap3A_799 = tpu.vector_load %arg10[%swap3A_797, %swap3A_798] {strides = array<i32>} : memref<256x64xf32, #tpu.memory_space<vmem>>, vector<16xf32>,
        tpu.vector_store %arg10[%swap3A_797, %swap3A_798], %add3A_794 {strides = array<i32>} : memref<256x64xf32, #tpu.memory_space<vmem>>, vector<16xf32>,
        %add3A_800 = arith.constant 10 : i32
        %add3A_801 = arith.addi %add3A_113, %add3A_800 : i32
        %get3A_802 = arith.index_cast %add3A_801 : i32 to index
        %get3A_803 = arith.constant 48 : index
        %get3A_804 = tpu.vector_load %arg10[%get3A_802, %get3A_803] {strides = array<i32>} : memref<256x64xf32, #tpu.memory_space<vmem>>, vector<16xf32>,
        %mul3A_805 = vector.broadcast %squeeze3A_752 : f32 to vector<16xf32>
        %mul3A_806 = arith.mulf %get3A_804, %mul3A_805 : vector<16xf32>
        %mul3A_807 = vector.broadcast %squeeze3A_754 : f32 to vector<16xf32>
        %mul3A_808 = arith.mulf %get3A_15, %mul3A_807 : vector<16xf32>
        %add3A_809 = arith.addf %mul3A_806, %mul3A_808 : vector<16xf32>
        %add3A_810 = arith.constant 10 : i32
        %add3A_811 = arith.addi %add3A_113, %add3A_810 : i32
        %swap3A_812 = arith.index_cast %add3A_811 : i32 to index
        %swap3A_813 = arith.constant 48 : index
        %swap3A_814 = tpu.vector_load %arg10[%swap3A_812, %swap3A_813] {strides = array<i32>} : memref<256x64xf32, #tpu.memory_space<vmem>>, vector<16xf32>,
        tpu.vector_store %arg10[%swap3A_812, %swap3A_813], %add3A_809 {strides = array<i32>} : memref<256x64xf32, #tpu.memory_space<vmem>>, vector<16xf32>,
        %slice3A_815 = vector.extract_strided_slice %convert_element_type3A_105 {offsets = [11], sizes = [1], strides = [1]} : vector<16xf32> to vector<1xf32>
        %squeeze3A_816 = vector.extract %slice3A_815[0] : f32 from vector<1xf32>
        %slice3A_817 = vector.extract_strided_slice %convert_element_type3A_109 {offsets = [11], sizes = [1], strides = [1]} : vector<16xf32> to vector<1xf32>
        %squeeze3A_818 = vector.extract %slice3A_817[0] : f32 from vector<1xf32>
        %add3A_819 = arith.constant 11 : i32
        %add3A_820 = arith.addi %add3A_113, %add3A_819 : i32
        %get3A_821 = arith.index_cast %add3A_820 : i32 to index
        %get3A_822 = arith.constant 0 : index
        %get3A_823 = tpu.vector_load %arg10[%get3A_821, %get3A_822] {strides = array<i32>} : memref<256x64xf32, #tpu.memory_space<vmem>>, vector<16xf32>,
        %mul3A_824 = vector.broadcast %squeeze3A_816 : f32 to vector<16xf32>
        %mul3A_825 = arith.mulf %get3A_823, %mul3A_824 : vector<16xf32>
        %mul3A_826 = vector.broadcast %squeeze3A_818 : f32 to vector<16xf32>
        %mul3A_827 = arith.mulf %get3A_3, %mul3A_826 : vector<16xf32>
        %add3A_828 = arith.addf %mul3A_825, %mul3A_827 : vector<16xf32>
        %add3A_829 = arith.constant 11 : i32
        %add3A_830 = arith.addi %add3A_113, %add3A_829 : i32
        %swap3A_831 = arith.index_cast %add3A_830 : i32 to index
        %swap3A_832 = arith.constant 0 : index
        %swap3A_833 = tpu.vector_load %arg10[%swap3A_831, %swap3A_832] {strides = array<i32>} : memref<256x64xf32, #tpu.memory_space<vmem>>, vector<16xf32>,
        tpu.vector_store %arg10[%swap3A_831, %swap3A_832], %add3A_828 {strides = array<i32>} : memref<256x64xf32, #tpu.memory_space<vmem>>, vector<16xf32>,
        %add3A_834 = arith.constant 11 : i32
        %add3A_835 = arith.addi %add3A_113, %add3A_834 : i32
        %get3A_836 = arith.index_cast %add3A_835 : i32 to index
        %get3A_837 = arith.constant 16 : index
        %get3A_838 = tpu.vector_load %arg10[%get3A_836, %get3A_837] {strides = array<i32>} : memref<256x64xf32, #tpu.memory_space<vmem>>, vector<16xf32>,
        %mul3A_839 = vector.broadcast %squeeze3A_816 : f32 to vector<16xf32>
        %mul3A_840 = arith.mulf %get3A_838, %mul3A_839 : vector<16xf32>
        %mul3A_841 = vector.broadcast %squeeze3A_818 : f32 to vector<16xf32>
        %mul3A_842 = arith.mulf %get3A_7, %mul3A_841 : vector<16xf32>
        %add3A_843 = arith.addf %mul3A_840, %mul3A_842 : vector<16xf32>
        %add3A_844 = arith.constant 11 : i32
        %add3A_845 = arith.addi %add3A_113, %add3A_844 : i32
        %swap3A_846 = arith.index_cast %add3A_845 : i32 to index
        %swap3A_847 = arith.constant 16 : index
        %swap3A_848 = tpu.vector_load %arg10[%swap3A_846, %swap3A_847] {strides = array<i32>} : memref<256x64xf32, #tpu.memory_space<vmem>>, vector<16xf32>,
        tpu.vector_store %arg10[%swap3A_846, %swap3A_847], %add3A_843 {strides = array<i32>} : memref<256x64xf32, #tpu.memory_space<vmem>>, vector<16xf32>,
        %add3A_849 = arith.constant 11 : i32
        %add3A_850 = arith.addi %add3A_113, %add3A_849 : i32
        %get3A_851 = arith.index_cast %add3A_850 : i32 to index
        %get3A_852 = arith.constant 32 : index
        %get3A_853 = tpu.vector_load %arg10[%get3A_851, %get3A_852] {strides = array<i32>} : memref<256x64xf32, #tpu.memory_space<vmem>>, vector<16xf32>,
        %mul3A_854 = vector.broadcast %squeeze3A_816 : f32 to vector<16xf32>
        %mul3A_855 = arith.mulf %get3A_853, %mul3A_854 : vector<16xf32>
        %mul3A_856 = vector.broadcast %squeeze3A_818 : f32 to vector<16xf32>
        %mul3A_857 = arith.mulf %get3A_11, %mul3A_856 : vector<16xf32>
        %add3A_858 = arith.addf %mul3A_855, %mul3A_857 : vector<16xf32>
        %add3A_859 = arith.constant 11 : i32
        %add3A_860 = arith.addi %add3A_113, %add3A_859 : i32
        %swap3A_861 = arith.index_cast %add3A_860 : i32 to index
        %swap3A_862 = arith.constant 32 : index
        %swap3A_863 = tpu.vector_load %arg10[%swap3A_861, %swap3A_862] {strides = array<i32>} : memref<256x64xf32, #tpu.memory_space<vmem>>, vector<16xf32>,
        tpu.vector_store %arg10[%swap3A_861, %swap3A_862], %add3A_858 {strides = array<i32>} : memref<256x64xf32, #tpu.memory_space<vmem>>, vector<16xf32>,
        %add3A_864 = arith.constant 11 : i32
        %add3A_865 = arith.addi %add3A_113, %add3A_864 : i32
        %get3A_866 = arith.index_cast %add3A_865 : i32 to index
        %get3A_867 = arith.constant 48 : index
        %get3A_868 = tpu.vector_load %arg10[%get3A_866, %get3A_867] {strides = array<i32>} : memref<256x64xf32, #tpu.memory_space<vmem>>, vector<16xf32>,
        %mul3A_869 = vector.broadcast %squeeze3A_816 : f32 to vector<16xf32>
        %mul3A_870 = arith.mulf %get3A_868, %mul3A_869 : vector<16xf32>
        %mul3A_871 = vector.broadcast %squeeze3A_818 : f32 to vector<16xf32>
        %mul3A_872 = arith.mulf %get3A_15, %mul3A_871 : vector<16xf32>
        %add3A_873 = arith.addf %mul3A_870, %mul3A_872 : vector<16xf32>
        %add3A_874 = arith.constant 11 : i32
        %add3A_875 = arith.addi %add3A_113, %add3A_874 : i32
        %swap3A_876 = arith.index_cast %add3A_875 : i32 to index
        %swap3A_877 = arith.constant 48 : index
        %swap3A_878 = tpu.vector_load %arg10[%swap3A_876, %swap3A_877] {strides = array<i32>} : memref<256x64xf32, #tpu.memory_space<vmem>>, vector<16xf32>,
        tpu.vector_store %arg10[%swap3A_876, %swap3A_877], %add3A_873 {strides = array<i32>} : memref<256x64xf32, #tpu.memory_space<vmem>>, vector<16xf32>,
        %slice3A_879 = vector.extract_strided_slice %convert_element_type3A_105 {offsets = [12], sizes = [1], strides = [1]} : vector<16xf32> to vector<1xf32>
        %squeeze3A_880 = vector.extract %slice3A_879[0] : f32 from vector<1xf32>
        %slice3A_881 = vector.extract_strided_slice %convert_element_type3A_109 {offsets = [12], sizes = [1], strides = [1]} : vector<16xf32> to vector<1xf32>
        %squeeze3A_882 = vector.extract %slice3A_881[0] : f32 from vector<1xf32>
        %add3A_883 = arith.constant 12 : i32
        %add3A_884 = arith.addi %add3A_113, %add3A_883 : i32
        %get3A_885 = arith.index_cast %add3A_884 : i32 to index
        %get3A_886 = arith.constant 0 : index
        %get3A_887 = tpu.vector_load %arg10[%get3A_885, %get3A_886] {strides = array<i32>} : memref<256x64xf32, #tpu.memory_space<vmem>>, vector<16xf32>,
        %mul3A_888 = vector.broadcast %squeeze3A_880 : f32 to vector<16xf32>
        %mul3A_889 = arith.mulf %get3A_887, %mul3A_888 : vector<16xf32>
        %mul3A_890 = vector.broadcast %squeeze3A_882 : f32 to vector<16xf32>
        %mul3A_891 = arith.mulf %get3A_3, %mul3A_890 : vector<16xf32>
        %add3A_892 = arith.addf %mul3A_889, %mul3A_891 : vector<16xf32>
        %add3A_893 = arith.constant 12 : i32
        %add3A_894 = arith.addi %add3A_113, %add3A_893 : i32
        %swap3A_895 = arith.index_cast %add3A_894 : i32 to index
        %swap3A_896 = arith.constant 0 : index
        %swap3A_897 = tpu.vector_load %arg10[%swap3A_895, %swap3A_896] {strides = array<i32>} : memref<256x64xf32, #tpu.memory_space<vmem>>, vector<16xf32>,
        tpu.vector_store %arg10[%swap3A_895, %swap3A_896], %add3A_892 {strides = array<i32>} : memref<256x64xf32, #tpu.memory_space<vmem>>, vector<16xf32>,
        %add3A_898 = arith.constant 12 : i32
        %add3A_899 = arith.addi %add3A_113, %add3A_898 : i32
        %get3A_900 = arith.index_cast %add3A_899 : i32 to index
        %get3A_901 = arith.constant 16 : index
        %get3A_902 = tpu.vector_load %arg10[%get3A_900, %get3A_901] {strides = array<i32>} : memref<256x64xf32, #tpu.memory_space<vmem>>, vector<16xf32>,
        %mul3A_903 = vector.broadcast %squeeze3A_880 : f32 to vector<16xf32>
        %mul3A_904 = arith.mulf %get3A_902, %mul3A_903 : vector<16xf32>
        %mul3A_905 = vector.broadcast %squeeze3A_882 : f32 to vector<16xf32>
        %mul3A_906 = arith.mulf %get3A_7, %mul3A_905 : vector<16xf32>
        %add3A_907 = arith.addf %mul3A_904, %mul3A_906 : vector<16xf32>
        %add3A_908 = arith.constant 12 : i32
        %add3A_909 = arith.addi %add3A_113, %add3A_908 : i32
        %swap3A_910 = arith.index_cast %add3A_909 : i32 to index
        %swap3A_911 = arith.constant 16 : index
        %swap3A_912 = tpu.vector_load %arg10[%swap3A_910, %swap3A_911] {strides = array<i32>} : memref<256x64xf32, #tpu.memory_space<vmem>>, vector<16xf32>,
        tpu.vector_store %arg10[%swap3A_910, %swap3A_911], %add3A_907 {strides = array<i32>} : memref<256x64xf32, #tpu.memory_space<vmem>>, vector<16xf32>,
        %add3A_913 = arith.constant 12 : i32
        %add3A_914 = arith.addi %add3A_113, %add3A_913 : i32
        %get3A_915 = arith.index_cast %add3A_914 : i32 to index
        %get3A_916 = arith.constant 32 : index
        %get3A_917 = tpu.vector_load %arg10[%get3A_915, %get3A_916] {strides = array<i32>} : memref<256x64xf32, #tpu.memory_space<vmem>>, vector<16xf32>,
        %mul3A_918 = vector.broadcast %squeeze3A_880 : f32 to vector<16xf32>
        %mul3A_919 = arith.mulf %get3A_917, %mul3A_918 : vector<16xf32>
        %mul3A_920 = vector.broadcast %squeeze3A_882 : f32 to vector<16xf32>
        %mul3A_921 = arith.mulf %get3A_11, %mul3A_920 : vector<16xf32>
        %add3A_922 = arith.addf %mul3A_919, %mul3A_921 : vector<16xf32>
        %add3A_923 = arith.constant 12 : i32
        %add3A_924 = arith.addi %add3A_113, %add3A_923 : i32
        %swap3A_925 = arith.index_cast %add3A_924 : i32 to index
        %swap3A_926 = arith.constant 32 : index
        %swap3A_927 = tpu.vector_load %arg10[%swap3A_925, %swap3A_926] {strides = array<i32>} : memref<256x64xf32, #tpu.memory_space<vmem>>, vector<16xf32>,
        tpu.vector_store %arg10[%swap3A_925, %swap3A_926], %add3A_922 {strides = array<i32>} : memref<256x64xf32, #tpu.memory_space<vmem>>, vector<16xf32>,
        %add3A_928 = arith.constant 12 : i32
        %add3A_929 = arith.addi %add3A_113, %add3A_928 : i32
        %get3A_930 = arith.index_cast %add3A_929 : i32 to index
        %get3A_931 = arith.constant 48 : index
        %get3A_932 = tpu.vector_load %arg10[%get3A_930, %get3A_931] {strides = array<i32>} : memref<256x64xf32, #tpu.memory_space<vmem>>, vector<16xf32>,
        %mul3A_933 = vector.broadcast %squeeze3A_880 : f32 to vector<16xf32>
        %mul3A_934 = arith.mulf %get3A_932, %mul3A_933 : vector<16xf32>
        %mul3A_935 = vector.broadcast %squeeze3A_882 : f32 to vector<16xf32>
        %mul3A_936 = arith.mulf %get3A_15, %mul3A_935 : vector<16xf32>
        %add3A_937 = arith.addf %mul3A_934, %mul3A_936 : vector<16xf32>
        %add3A_938 = arith.constant 12 : i32
        %add3A_939 = arith.addi %add3A_113, %add3A_938 : i32
        %swap3A_940 = arith.index_cast %add3A_939 : i32 to index
        %swap3A_941 = arith.constant 48 : index
        %swap3A_942 = tpu.vector_load %arg10[%swap3A_940, %swap3A_941] {strides = array<i32>} : memref<256x64xf32, #tpu.memory_space<vmem>>, vector<16xf32>,
        tpu.vector_store %arg10[%swap3A_940, %swap3A_941], %add3A_937 {strides = array<i32>} : memref<256x64xf32, #tpu.memory_space<vmem>>, vector<16xf32>,
        %slice3A_943 = vector.extract_strided_slice %convert_element_type3A_105 {offsets = [13], sizes = [1], strides = [1]} : vector<16xf32> to vector<1xf32>
        %squeeze3A_944 = vector.extract %slice3A_943[0] : f32 from vector<1xf32>
        %slice3A_945 = vector.extract_strided_slice %convert_element_type3A_109 {offsets = [13], sizes = [1], strides = [1]} : vector<16xf32> to vector<1xf32>
        %squeeze3A_946 = vector.extract %slice3A_945[0] : f32 from vector<1xf32>
        %add3A_947 = arith.constant 13 : i32
        %add3A_948 = arith.addi %add3A_113, %add3A_947 : i32
        %get3A_949 = arith.index_cast %add3A_948 : i32 to index
        %get3A_950 = arith.constant 0 : index
        %get3A_951 = tpu.vector_load %arg10[%get3A_949, %get3A_950] {strides = array<i32>} : memref<256x64xf32, #tpu.memory_space<vmem>>, vector<16xf32>,
        %mul3A_952 = vector.broadcast %squeeze3A_944 : f32 to vector<16xf32>
        %mul3A_953 = arith.mulf %get3A_951, %mul3A_952 : vector<16xf32>
        %mul3A_954 = vector.broadcast %squeeze3A_946 : f32 to vector<16xf32>
        %mul3A_955 = arith.mulf %get3A_3, %mul3A_954 : vector<16xf32>
        %add3A_956 = arith.addf %mul3A_953, %mul3A_955 : vector<16xf32>
        %add3A_957 = arith.constant 13 : i32
        %add3A_958 = arith.addi %add3A_113, %add3A_957 : i32
        %swap3A_959 = arith.index_cast %add3A_958 : i32 to index
        %swap3A_960 = arith.constant 0 : index
        %swap3A_961 = tpu.vector_load %arg10[%swap3A_959, %swap3A_960] {strides = array<i32>} : memref<256x64xf32, #tpu.memory_space<vmem>>, vector<16xf32>,
        tpu.vector_store %arg10[%swap3A_959, %swap3A_960], %add3A_956 {strides = array<i32>} : memref<256x64xf32, #tpu.memory_space<vmem>>, vector<16xf32>,
        %add3A_962 = arith.constant 13 : i32
        %add3A_963 = arith.addi %add3A_113, %add3A_962 : i32
        %get3A_964 = arith.index_cast %add3A_963 : i32 to index
        %get3A_965 = arith.constant 16 : index
        %get3A_966 = tpu.vector_load %arg10[%get3A_964, %get3A_965] {strides = array<i32>} : memref<256x64xf32, #tpu.memory_space<vmem>>, vector<16xf32>,
        %mul3A_967 = vector.broadcast %squeeze3A_944 : f32 to vector<16xf32>
        %mul3A_968 = arith.mulf %get3A_966, %mul3A_967 : vector<16xf32>
        %mul3A_969 = vector.broadcast %squeeze3A_946 : f32 to vector<16xf32>
        %mul3A_970 = arith.mulf %get3A_7, %mul3A_969 : vector<16xf32>
        %add3A_971 = arith.addf %mul3A_968, %mul3A_970 : vector<16xf32>
        %add3A_972 = arith.constant 13 : i32
        %add3A_973 = arith.addi %add3A_113, %add3A_972 : i32
        %swap3A_974 = arith.index_cast %add3A_973 : i32 to index
        %swap3A_975 = arith.constant 16 : index
        %swap3A_976 = tpu.vector_load %arg10[%swap3A_974, %swap3A_975] {strides = array<i32>} : memref<256x64xf32, #tpu.memory_space<vmem>>, vector<16xf32>,
        tpu.vector_store %arg10[%swap3A_974, %swap3A_975], %add3A_971 {strides = array<i32>} : memref<256x64xf32, #tpu.memory_space<vmem>>, vector<16xf32>,
        %add3A_977 = arith.constant 13 : i32
        %add3A_978 = arith.addi %add3A_113, %add3A_977 : i32
        %get3A_979 = arith.index_cast %add3A_978 : i32 to index
        %get3A_980 = arith.constant 32 : index
        %get3A_981 = tpu.vector_load %arg10[%get3A_979, %get3A_980] {strides = array<i32>} : memref<256x64xf32, #tpu.memory_space<vmem>>, vector<16xf32>,
        %mul3A_982 = vector.broadcast %squeeze3A_944 : f32 to vector<16xf32>
        %mul3A_983 = arith.mulf %get3A_981, %mul3A_982 : vector<16xf32>
        %mul3A_984 = vector.broadcast %squeeze3A_946 : f32 to vector<16xf32>
        %mul3A_985 = arith.mulf %get3A_11, %mul3A_984 : vector<16xf32>
        %add3A_986 = arith.addf %mul3A_983, %mul3A_985 : vector<16xf32>
        %add3A_987 = arith.constant 13 : i32
        %add3A_988 = arith.addi %add3A_113, %add3A_987 : i32
        %swap3A_989 = arith.index_cast %add3A_988 : i32 to index
        %swap3A_990 = arith.constant 32 : index
        %swap3A_991 = tpu.vector_load %arg10[%swap3A_989, %swap3A_990] {strides = array<i32>} : memref<256x64xf32, #tpu.memory_space<vmem>>, vector<16xf32>,
        tpu.vector_store %arg10[%swap3A_989, %swap3A_990], %add3A_986 {strides = array<i32>} : memref<256x64xf32, #tpu.memory_space<vmem>>, vector<16xf32>,
        %add3A_992 = arith.constant 13 : i32
        %add3A_993 = arith.addi %add3A_113, %add3A_992 : i32
        %get3A_994 = arith.index_cast %add3A_993 : i32 to index
        %get3A_995 = arith.constant 48 : index
        %get3A_996 = tpu.vector_load %arg10[%get3A_994, %get3A_995] {strides = array<i32>} : memref<256x64xf32, #tpu.memory_space<vmem>>, vector<16xf32>,
        %mul3A_997 = vector.broadcast %squeeze3A_944 : f32 to vector<16xf32>
        %mul3A_998 = arith.mulf %get3A_996, %mul3A_997 : vector<16xf32>
        %mul3A_999 = vector.broadcast %squeeze3A_946 : f32 to vector<16xf32>
        %mul3A_1000 = arith.mulf %get3A_15, %mul3A_999 : vector<16xf32>
        %add3A_1001 = arith.addf %mul3A_998, %mul3A_1000 : vector<16xf32>
        %add3A_1002 = arith.constant 13 : i32
        %add3A_1003 = arith.addi %add3A_113, %add3A_1002 : i32
        %swap3A_1004 = arith.index_cast %add3A_1003 : i32 to index
        %swap3A_1005 = arith.constant 48 : index
        %swap3A_1006 = tpu.vector_load %arg10[%swap3A_1004, %swap3A_1005] {strides = array<i32>} : memref<256x64xf32, #tpu.memory_space<vmem>>, vector<16xf32>,
        tpu.vector_store %arg10[%swap3A_1004, %swap3A_1005], %add3A_1001 {strides = array<i32>} : memref<256x64xf32, #tpu.memory_space<vmem>>, vector<16xf32>,
        %slice3A_1007 = vector.extract_strided_slice %convert_element_type3A_105 {offsets = [14], sizes = [1], strides = [1]} : vector<16xf32> to vector<1xf32>
        %squeeze3A_1008 = vector.extract %slice3A_1007[0] : f32 from vector<1xf32>
        %slice3A_1009 = vector.extract_strided_slice %convert_element_type3A_109 {offsets = [14], sizes = [1], strides = [1]} : vector<16xf32> to vector<1xf32>
        %squeeze3A_1010 = vector.extract %slice3A_1009[0] : f32 from vector<1xf32>
        %add3A_1011 = arith.constant 14 : i32
        %add3A_1012 = arith.addi %add3A_113, %add3A_1011 : i32
        %get3A_1013 = arith.index_cast %add3A_1012 : i32 to index
        %get3A_1014 = arith.constant 0 : index
        %get3A_1015 = tpu.vector_load %arg10[%get3A_1013, %get3A_1014] {strides = array<i32>} : memref<256x64xf32, #tpu.memory_space<vmem>>, vector<16xf32>,
        %mul3A_1016 = vector.broadcast %squeeze3A_1008 : f32 to vector<16xf32>
        %mul3A_1017 = arith.mulf %get3A_1015, %mul3A_1016 : vector<16xf32>
        %mul3A_1018 = vector.broadcast %squeeze3A_1010 : f32 to vector<16xf32>
        %mul3A_1019 = arith.mulf %get3A_3, %mul3A_1018 : vector<16xf32>
        %add3A_1020 = arith.addf %mul3A_1017, %mul3A_1019 : vector<16xf32>
        %add3A_1021 = arith.constant 14 : i32
        %add3A_1022 = arith.addi %add3A_113, %add3A_1021 : i32
        %swap3A_1023 = arith.index_cast %add3A_1022 : i32 to index
        %swap3A_1024 = arith.constant 0 : index
        %swap3A_1025 = tpu.vector_load %arg10[%swap3A_1023, %swap3A_1024] {strides = array<i32>} : memref<256x64xf32, #tpu.memory_space<vmem>>, vector<16xf32>,
        tpu.vector_store %arg10[%swap3A_1023, %swap3A_1024], %add3A_1020 {strides = array<i32>} : memref<256x64xf32, #tpu.memory_space<vmem>>, vector<16xf32>,
        %add3A_1026 = arith.constant 14 : i32
        %add3A_1027 = arith.addi %add3A_113, %add3A_1026 : i32
        %get3A_1028 = arith.index_cast %add3A_1027 : i32 to index
        %get3A_1029 = arith.constant 16 : index
        %get3A_1030 = tpu.vector_load %arg10[%get3A_1028, %get3A_1029] {strides = array<i32>} : memref<256x64xf32, #tpu.memory_space<vmem>>, vector<16xf32>,
        %mul3A_1031 = vector.broadcast %squeeze3A_1008 : f32 to vector<16xf32>
        %mul3A_1032 = arith.mulf %get3A_1030, %mul3A_1031 : vector<16xf32>
        %mul3A_1033 = vector.broadcast %squeeze3A_1010 : f32 to vector<16xf32>
        %mul3A_1034 = arith.mulf %get3A_7, %mul3A_1033 : vector<16xf32>
        %add3A_1035 = arith.addf %mul3A_1032, %mul3A_1034 : vector<16xf32>
        %add3A_1036 = arith.constant 14 : i32
        %add3A_1037 = arith.addi %add3A_113, %add3A_1036 : i32
        %swap3A_1038 = arith.index_cast %add3A_1037 : i32 to index
        %swap3A_1039 = arith.constant 16 : index
        %swap3A_1040 = tpu.vector_load %arg10[%swap3A_1038, %swap3A_1039] {strides = array<i32>} : memref<256x64xf32, #tpu.memory_space<vmem>>, vector<16xf32>,
        tpu.vector_store %arg10[%swap3A_1038, %swap3A_1039], %add3A_1035 {strides = array<i32>} : memref<256x64xf32, #tpu.memory_space<vmem>>, vector<16xf32>,
        %add3A_1041 = arith.constant 14 : i32
        %add3A_1042 = arith.addi %add3A_113, %add3A_1041 : i32
        %get3A_1043 = arith.index_cast %add3A_1042 : i32 to index
        %get3A_1044 = arith.constant 32 : index
        %get3A_1045 = tpu.vector_load %arg10[%get3A_1043, %get3A_1044] {strides = array<i32>} : memref<256x64xf32, #tpu.memory_space<vmem>>, vector<16xf32>,
        %mul3A_1046 = vector.broadcast %squeeze3A_1008 : f32 to vector<16xf32>
        %mul3A_1047 = arith.mulf %get3A_1045, %mul3A_1046 : vector<16xf32>
        %mul3A_1048 = vector.broadcast %squeeze3A_1010 : f32 to vector<16xf32>
        %mul3A_1049 = arith.mulf %get3A_11, %mul3A_1048 : vector<16xf32>
        %add3A_1050 = arith.addf %mul3A_1047, %mul3A_1049 : vector<16xf32>
        %add3A_1051 = arith.constant 14 : i32
        %add3A_1052 = arith.addi %add3A_113, %add3A_1051 : i32
        %swap3A_1053 = arith.index_cast %add3A_1052 : i32 to index
        %swap3A_1054 = arith.constant 32 : index
        %swap3A_1055 = tpu.vector_load %arg10[%swap3A_1053, %swap3A_1054] {strides = array<i32>} : memref<256x64xf32, #tpu.memory_space<vmem>>, vector<16xf32>,
        tpu.vector_store %arg10[%swap3A_1053, %swap3A_1054], %add3A_1050 {strides = array<i32>} : memref<256x64xf32, #tpu.memory_space<vmem>>, vector<16xf32>,
        %add3A_1056 = arith.constant 14 : i32
        %add3A_1057 = arith.addi %add3A_113, %add3A_1056 : i32
        %get3A_1058 = arith.index_cast %add3A_1057 : i32 to index
        %get3A_1059 = arith.constant 48 : index
        %get3A_1060 = tpu.vector_load %arg10[%get3A_1058, %get3A_1059] {strides = array<i32>} : memref<256x64xf32, #tpu.memory_space<vmem>>, vector<16xf32>,
        %mul3A_1061 = vector.broadcast %squeeze3A_1008 : f32 to vector<16xf32>
        %mul3A_1062 = arith.mulf %get3A_1060, %mul3A_1061 : vector<16xf32>
        %mul3A_1063 = vector.broadcast %squeeze3A_1010 : f32 to vector<16xf32>
        %mul3A_1064 = arith.mulf %get3A_15, %mul3A_1063 : vector<16xf32>
        %add3A_1065 = arith.addf %mul3A_1062, %mul3A_1064 : vector<16xf32>
        %add3A_1066 = arith.constant 14 : i32
        %add3A_1067 = arith.addi %add3A_113, %add3A_1066 : i32
        %swap3A_1068 = arith.index_cast %add3A_1067 : i32 to index
        %swap3A_1069 = arith.constant 48 : index
        %swap3A_1070 = tpu.vector_load %arg10[%swap3A_1068, %swap3A_1069] {strides = array<i32>} : memref<256x64xf32, #tpu.memory_space<vmem>>, vector<16xf32>,
        tpu.vector_store %arg10[%swap3A_1068, %swap3A_1069], %add3A_1065 {strides = array<i32>} : memref<256x64xf32, #tpu.memory_space<vmem>>, vector<16xf32>,
        %slice3A_1071 = vector.extract_strided_slice %convert_element_type3A_105 {offsets = [15], sizes = [1], strides = [1]} : vector<16xf32> to vector<1xf32>
        %squeeze3A_1072 = vector.extract %slice3A_1071[0] : f32 from vector<1xf32>
        %slice3A_1073 = vector.extract_strided_slice %convert_element_type3A_109 {offsets = [15], sizes = [1], strides = [1]} : vector<16xf32> to vector<1xf32>
        %squeeze3A_1074 = vector.extract %slice3A_1073[0] : f32 from vector<1xf32>
        %add3A_1075 = arith.constant 15 : i32
        %add3A_1076 = arith.addi %add3A_113, %add3A_1075 : i32
        %get3A_1077 = arith.index_cast %add3A_1076 : i32 to index
        %get3A_1078 = arith.constant 0 : index
        %get3A_1079 = tpu.vector_load %arg10[%get3A_1077, %get3A_1078] {strides = array<i32>} : memref<256x64xf32, #tpu.memory_space<vmem>>, vector<16xf32>,
        %mul3A_1080 = vector.broadcast %squeeze3A_1072 : f32 to vector<16xf32>
        %mul3A_1081 = arith.mulf %get3A_1079, %mul3A_1080 : vector<16xf32>
        %mul3A_1082 = vector.broadcast %squeeze3A_1074 : f32 to vector<16xf32>
        %mul3A_1083 = arith.mulf %get3A_3, %mul3A_1082 : vector<16xf32>
        %add3A_1084 = arith.addf %mul3A_1081, %mul3A_1083 : vector<16xf32>
        %add3A_1085 = arith.constant 15 : i32
        %add3A_1086 = arith.addi %add3A_113, %add3A_1085 : i32
        %swap3A_1087 = arith.index_cast %add3A_1086 : i32 to index
        %swap3A_1088 = arith.constant 0 : index
        %swap3A_1089 = tpu.vector_load %arg10[%swap3A_1087, %swap3A_1088] {strides = array<i32>} : memref<256x64xf32, #tpu.memory_space<vmem>>, vector<16xf32>,
        tpu.vector_store %arg10[%swap3A_1087, %swap3A_1088], %add3A_1084 {strides = array<i32>} : memref<256x64xf32, #tpu.memory_space<vmem>>, vector<16xf32>,
        %add3A_1090 = arith.constant 15 : i32
        %add3A_1091 = arith.addi %add3A_113, %add3A_1090 : i32
        %get3A_1092 = arith.index_cast %add3A_1091 : i32 to index
        %get3A_1093 = arith.constant 16 : index
        %get3A_1094 = tpu.vector_load %arg10[%get3A_1092, %get3A_1093] {strides = array<i32>} : memref<256x64xf32, #tpu.memory_space<vmem>>, vector<16xf32>,
        %mul3A_1095 = vector.broadcast %squeeze3A_1072 : f32 to vector<16xf32>
        %mul3A_1096 = arith.mulf %get3A_1094, %mul3A_1095 : vector<16xf32>
        %mul3A_1097 = vector.broadcast %squeeze3A_1074 : f32 to vector<16xf32>
        %mul3A_1098 = arith.mulf %get3A_7, %mul3A_1097 : vector<16xf32>
        %add3A_1099 = arith.addf %mul3A_1096, %mul3A_1098 : vector<16xf32>
        %add3A_1100 = arith.constant 15 : i32
        %add3A_1101 = arith.addi %add3A_113, %add3A_1100 : i32
        %swap3A_1102 = arith.index_cast %add3A_1101 : i32 to index
        %swap3A_1103 = arith.constant 16 : index
        %swap3A_1104 = tpu.vector_load %arg10[%swap3A_1102, %swap3A_1103] {strides = array<i32>} : memref<256x64xf32, #tpu.memory_space<vmem>>, vector<16xf32>,
        tpu.vector_store %arg10[%swap3A_1102, %swap3A_1103], %add3A_1099 {strides = array<i32>} : memref<256x64xf32, #tpu.memory_space<vmem>>, vector<16xf32>,
        %add3A_1105 = arith.constant 15 : i32
        %add3A_1106 = arith.addi %add3A_113, %add3A_1105 : i32
        %get3A_1107 = arith.index_cast %add3A_1106 : i32 to index
        %get3A_1108 = arith.constant 32 : index
        %get3A_1109 = tpu.vector_load %arg10[%get3A_1107, %get3A_1108] {strides = array<i32>} : memref<256x64xf32, #tpu.memory_space<vmem>>, vector<16xf32>,
        %mul3A_1110 = vector.broadcast %squeeze3A_1072 : f32 to vector<16xf32>
        %mul3A_1111 = arith.mulf %get3A_1109, %mul3A_1110 : vector<16xf32>
        %mul3A_1112 = vector.broadcast %squeeze3A_1074 : f32 to vector<16xf32>
        %mul3A_1113 = arith.mulf %get3A_11, %mul3A_1112 : vector<16xf32>
        %add3A_1114 = arith.addf %mul3A_1111, %mul3A_1113 : vector<16xf32>
        %add3A_1115 = arith.constant 15 : i32
        %add3A_1116 = arith.addi %add3A_113, %add3A_1115 : i32
        %swap3A_1117 = arith.index_cast %add3A_1116 : i32 to index
        %swap3A_1118 = arith.constant 32 : index
        %swap3A_1119 = tpu.vector_load %arg10[%swap3A_1117, %swap3A_1118] {strides = array<i32>} : memref<256x64xf32, #tpu.memory_space<vmem>>, vector<16xf32>,
        tpu.vector_store %arg10[%swap3A_1117, %swap3A_1118], %add3A_1114 {strides = array<i32>} : memref<256x64xf32, #tpu.memory_space<vmem>>, vector<16xf32>,
        %add3A_1120 = arith.constant 15 : i32
        %add3A_1121 = arith.addi %add3A_113, %add3A_1120 : i32
        %get3A_1122 = arith.index_cast %add3A_1121 : i32 to index
        %get3A_1123 = arith.constant 48 : index
        %get3A_1124 = tpu.vector_load %arg10[%get3A_1122, %get3A_1123] {strides = array<i32>} : memref<256x64xf32, #tpu.memory_space<vmem>>, vector<16xf32>,
        %mul3A_1125 = vector.broadcast %squeeze3A_1072 : f32 to vector<16xf32>
        %mul3A_1126 = arith.mulf %get3A_1124, %mul3A_1125 : vector<16xf32>
        %mul3A_1127 = vector.broadcast %squeeze3A_1074 : f32 to vector<16xf32>
        %mul3A_1128 = arith.mulf %get3A_15, %mul3A_1127 : vector<16xf32>
        %add3A_1129 = arith.addf %mul3A_1126, %mul3A_1128 : vector<16xf32>
        %add3A_1130 = arith.constant 15 : i32
        %add3A_1131 = arith.addi %add3A_113, %add3A_1130 : i32
        %swap3A_1132 = arith.index_cast %add3A_1131 : i32 to index
        %swap3A_1133 = arith.constant 48 : index
        %swap3A_1134 = tpu.vector_load %arg10[%swap3A_1132, %swap3A_1133] {strides = array<i32>} : memref<256x64xf32, #tpu.memory_space<vmem>>, vector<16xf32>,
        tpu.vector_store %arg10[%swap3A_1132, %swap3A_1133], %add3A_1129 {strides = array<i32>} : memref<256x64xf32, #tpu.memory_space<vmem>>, vector<16xf32>,
      }
      %scan3A_77 = arith.constant 8 : i32
      %scan3A_78 = arith.constant 0 : i32
      %scan3A_79 = arith.constant 8 : i32
      %scan3A_80 = arith.addi %scan3A_78, %scan3A_79 : i32
      %scan3A_81 = arith.constant 1 : i32
      scf.for %scan3A_83 = %scan3A_78 to %scan3A_80 step %scan3A_81  : i32 {
        %mul3A_84 = arith.constant 1 : i32
        %mul3A_85 = arith.muli %scan3A_83, %mul3A_84 : i32
        %add3A_86 = arith.constant 0 : i32
        %add3A_87 = arith.addi %add3A_86, %mul3A_85 : i32
        %mul3A_88 = arith.constant 16 : i32
        %mul3A_89 = arith.muli %add3A_87, %mul3A_88 : i32
        %get3A_90 = arith.constant 1 : i32
        %get3A_91 = arith.index_cast %get3A_90 : i32 to index
        %get3A_92 = arith.index_cast %mul3A_89 : i32 to index
        %get3A_93 = tpu.vector_load %arg8[%get3A_91, %get3A_92] {strides = array<i32>} : memref<2x128xi32, #tpu.memory_space<vmem>>, vector<16xi32>,
        %mul3A_94 = arith.constant 16 : i32
        %mul3A_95 = arith.muli %add3A_87, %mul3A_94 : i32
        %get3A_96 = arith.constant 1 : i32
        %get3A_97 = arith.index_cast %get3A_96 : i32 to index
        %get3A_98 = arith.index_cast %mul3A_95 : i32 to index
        %get3A_99 = tpu.vector_load %arg9[%get3A_97, %get3A_98] {strides = array<i32>} : memref<2x128xi32, #tpu.memory_space<vmem>>, vector<16xi32>,
        %ne3A = arith.constant 0 : i32
        %ne3A_100 = vector.broadcast %ne3A : i32 to vector<16xi32>
        %ne3A_101 = arith.cmpi ne, %get3A_93, %ne3A_100 : vector<16xi32>
        %ne3A_102 = arith.constant 1 : i32
        %ne3A_103 = vector.broadcast %ne3A_102 : i32 to vector<16xi32>
        %ne3A_104 = arith.cmpi ne, %get3A_99, %ne3A_103 : vector<16xi32>
        %and3A = arith.andi %ne3A_101, %ne3A_104 : vector<16xi1>
        %convert_element_type3A = arith.extui %and3A : vector<16xi1> to vector<16xi32>
        %convert_element_type3A_105 = arith.sitofp %convert_element_type3A : vector<16xi32> to vector<16xf32>
        %eq3A = arith.constant 1 : i32
        %eq3A_106 = vector.broadcast %eq3A : i32 to vector<16xi32>
        %eq3A_107 = arith.cmpi eq, %get3A_99, %eq3A_106 : vector<16xi32>
        %convert_element_type3A_108 = arith.extui %eq3A_107 : vector<16xi1> to vector<16xi32>
        %convert_element_type3A_109 = arith.sitofp %convert_element_type3A_108 : vector<16xi32> to vector<16xf32>
        %mul3A_110 = arith.constant 16 : i32
        %mul3A_111 = arith.muli %add3A_87, %mul3A_110 : i32
        %add3A_112 = arith.constant 128 : i32
        %add3A_113 = arith.addi %add3A_112, %mul3A_111 : i32
        %slice3A = vector.extract_strided_slice %convert_element_type3A_105 {offsets = [0], sizes = [1], strides = [1]} : vector<16xf32> to vector<1xf32>
        %squeeze3A = vector.extract %slice3A[0] : f32 from vector<1xf32>
        %slice3A_114 = vector.extract_strided_slice %convert_element_type3A_109 {offsets = [0], sizes = [1], strides = [1]} : vector<16xf32> to vector<1xf32>
        %squeeze3A_115 = vector.extract %slice3A_114[0] : f32 from vector<1xf32>
        %add3A_116 = arith.constant 0 : i32
        %add3A_117 = arith.addi %add3A_113, %add3A_116 : i32
        %get3A_118 = arith.index_cast %add3A_117 : i32 to index
        %get3A_119 = arith.constant 0 : index
        %get3A_120 = tpu.vector_load %arg10[%get3A_118, %get3A_119] {strides = array<i32>} : memref<256x64xf32, #tpu.memory_space<vmem>>, vector<16xf32>,
        %mul3A_121 = vector.broadcast %squeeze3A : f32 to vector<16xf32>
        %mul3A_122 = arith.mulf %get3A_120, %mul3A_121 : vector<16xf32>
        %mul3A_123 = vector.broadcast %squeeze3A_115 : f32 to vector<16xf32>
        %mul3A_124 = arith.mulf %get3A_3, %mul3A_123 : vector<16xf32>
        %add3A_125 = arith.addf %mul3A_122, %mul3A_124 : vector<16xf32>
        %add3A_126 = arith.constant 0 : i32
        %add3A_127 = arith.addi %add3A_113, %add3A_126 : i32
        %swap3A = arith.index_cast %add3A_127 : i32 to index
        %swap3A_128 = arith.constant 0 : index
        %swap3A_129 = tpu.vector_load %arg10[%swap3A, %swap3A_128] {strides = array<i32>} : memref<256x64xf32, #tpu.memory_space<vmem>>, vector<16xf32>,
        tpu.vector_store %arg10[%swap3A, %swap3A_128], %add3A_125 {strides = array<i32>} : memref<256x64xf32, #tpu.memory_space<vmem>>, vector<16xf32>,
        %add3A_130 = arith.constant 0 : i32
        %add3A_131 = arith.addi %add3A_113, %add3A_130 : i32
        %get3A_132 = arith.index_cast %add3A_131 : i32 to index
        %get3A_133 = arith.constant 16 : index
        %get3A_134 = tpu.vector_load %arg10[%get3A_132, %get3A_133] {strides = array<i32>} : memref<256x64xf32, #tpu.memory_space<vmem>>, vector<16xf32>,
        %mul3A_135 = vector.broadcast %squeeze3A : f32 to vector<16xf32>
        %mul3A_136 = arith.mulf %get3A_134, %mul3A_135 : vector<16xf32>
        %mul3A_137 = vector.broadcast %squeeze3A_115 : f32 to vector<16xf32>
        %mul3A_138 = arith.mulf %get3A_7, %mul3A_137 : vector<16xf32>
        %add3A_139 = arith.addf %mul3A_136, %mul3A_138 : vector<16xf32>
        %add3A_140 = arith.constant 0 : i32
        %add3A_141 = arith.addi %add3A_113, %add3A_140 : i32
        %swap3A_142 = arith.index_cast %add3A_141 : i32 to index
        %swap3A_143 = arith.constant 16 : index
        %swap3A_144 = tpu.vector_load %arg10[%swap3A_142, %swap3A_143] {strides = array<i32>} : memref<256x64xf32, #tpu.memory_space<vmem>>, vector<16xf32>,
        tpu.vector_store %arg10[%swap3A_142, %swap3A_143], %add3A_139 {strides = array<i32>} : memref<256x64xf32, #tpu.memory_space<vmem>>, vector<16xf32>,
        %add3A_145 = arith.constant 0 : i32
        %add3A_146 = arith.addi %add3A_113, %add3A_145 : i32
        %get3A_147 = arith.index_cast %add3A_146 : i32 to index
        %get3A_148 = arith.constant 32 : index
        %get3A_149 = tpu.vector_load %arg10[%get3A_147, %get3A_148] {strides = array<i32>} : memref<256x64xf32, #tpu.memory_space<vmem>>, vector<16xf32>,
        %mul3A_150 = vector.broadcast %squeeze3A : f32 to vector<16xf32>
        %mul3A_151 = arith.mulf %get3A_149, %mul3A_150 : vector<16xf32>
        %mul3A_152 = vector.broadcast %squeeze3A_115 : f32 to vector<16xf32>
        %mul3A_153 = arith.mulf %get3A_11, %mul3A_152 : vector<16xf32>
        %add3A_154 = arith.addf %mul3A_151, %mul3A_153 : vector<16xf32>
        %add3A_155 = arith.constant 0 : i32
        %add3A_156 = arith.addi %add3A_113, %add3A_155 : i32
        %swap3A_157 = arith.index_cast %add3A_156 : i32 to index
        %swap3A_158 = arith.constant 32 : index
        %swap3A_159 = tpu.vector_load %arg10[%swap3A_157, %swap3A_158] {strides = array<i32>} : memref<256x64xf32, #tpu.memory_space<vmem>>, vector<16xf32>,
        tpu.vector_store %arg10[%swap3A_157, %swap3A_158], %add3A_154 {strides = array<i32>} : memref<256x64xf32, #tpu.memory_space<vmem>>, vector<16xf32>,
        %add3A_160 = arith.constant 0 : i32
        %add3A_161 = arith.addi %add3A_113, %add3A_160 : i32
        %get3A_162 = arith.index_cast %add3A_161 : i32 to index
        %get3A_163 = arith.constant 48 : index
        %get3A_164 = tpu.vector_load %arg10[%get3A_162, %get3A_163] {strides = array<i32>} : memref<256x64xf32, #tpu.memory_space<vmem>>, vector<16xf32>,
        %mul3A_165 = vector.broadcast %squeeze3A : f32 to vector<16xf32>
        %mul3A_166 = arith.mulf %get3A_164, %mul3A_165 : vector<16xf32>
        %mul3A_167 = vector.broadcast %squeeze3A_115 : f32 to vector<16xf32>
        %mul3A_168 = arith.mulf %get3A_15, %mul3A_167 : vector<16xf32>
        %add3A_169 = arith.addf %mul3A_166, %mul3A_168 : vector<16xf32>
        %add3A_170 = arith.constant 0 : i32
        %add3A_171 = arith.addi %add3A_113, %add3A_170 : i32
        %swap3A_172 = arith.index_cast %add3A_171 : i32 to index
        %swap3A_173 = arith.constant 48 : index
        %swap3A_174 = tpu.vector_load %arg10[%swap3A_172, %swap3A_173] {strides = array<i32>} : memref<256x64xf32, #tpu.memory_space<vmem>>, vector<16xf32>,
        tpu.vector_store %arg10[%swap3A_172, %swap3A_173], %add3A_169 {strides = array<i32>} : memref<256x64xf32, #tpu.memory_space<vmem>>, vector<16xf32>,
        %slice3A_175 = vector.extract_strided_slice %convert_element_type3A_105 {offsets = [1], sizes = [1], strides = [1]} : vector<16xf32> to vector<1xf32>
        %squeeze3A_176 = vector.extract %slice3A_175[0] : f32 from vector<1xf32>
        %slice3A_177 = vector.extract_strided_slice %convert_element_type3A_109 {offsets = [1], sizes = [1], strides = [1]} : vector<16xf32> to vector<1xf32>
        %squeeze3A_178 = vector.extract %slice3A_177[0] : f32 from vector<1xf32>
        %add3A_179 = arith.constant 1 : i32
        %add3A_180 = arith.addi %add3A_113, %add3A_179 : i32
        %get3A_181 = arith.index_cast %add3A_180 : i32 to index
        %get3A_182 = arith.constant 0 : index
        %get3A_183 = tpu.vector_load %arg10[%get3A_181, %get3A_182] {strides = array<i32>} : memref<256x64xf32, #tpu.memory_space<vmem>>, vector<16xf32>,
        %mul3A_184 = vector.broadcast %squeeze3A_176 : f32 to vector<16xf32>
        %mul3A_185 = arith.mulf %get3A_183, %mul3A_184 : vector<16xf32>
        %mul3A_186 = vector.broadcast %squeeze3A_178 : f32 to vector<16xf32>
        %mul3A_187 = arith.mulf %get3A_3, %mul3A_186 : vector<16xf32>
        %add3A_188 = arith.addf %mul3A_185, %mul3A_187 : vector<16xf32>
        %add3A_189 = arith.constant 1 : i32
        %add3A_190 = arith.addi %add3A_113, %add3A_189 : i32
        %swap3A_191 = arith.index_cast %add3A_190 : i32 to index
        %swap3A_192 = arith.constant 0 : index
        %swap3A_193 = tpu.vector_load %arg10[%swap3A_191, %swap3A_192] {strides = array<i32>} : memref<256x64xf32, #tpu.memory_space<vmem>>, vector<16xf32>,
        tpu.vector_store %arg10[%swap3A_191, %swap3A_192], %add3A_188 {strides = array<i32>} : memref<256x64xf32, #tpu.memory_space<vmem>>, vector<16xf32>,
        %add3A_194 = arith.constant 1 : i32
        %add3A_195 = arith.addi %add3A_113, %add3A_194 : i32
        %get3A_196 = arith.index_cast %add3A_195 : i32 to index
        %get3A_197 = arith.constant 16 : index
        %get3A_198 = tpu.vector_load %arg10[%get3A_196, %get3A_197] {strides = array<i32>} : memref<256x64xf32, #tpu.memory_space<vmem>>, vector<16xf32>,
        %mul3A_199 = vector.broadcast %squeeze3A_176 : f32 to vector<16xf32>
        %mul3A_200 = arith.mulf %get3A_198, %mul3A_199 : vector<16xf32>
        %mul3A_201 = vector.broadcast %squeeze3A_178 : f32 to vector<16xf32>
        %mul3A_202 = arith.mulf %get3A_7, %mul3A_201 : vector<16xf32>
        %add3A_203 = arith.addf %mul3A_200, %mul3A_202 : vector<16xf32>
        %add3A_204 = arith.constant 1 : i32
        %add3A_205 = arith.addi %add3A_113, %add3A_204 : i32
        %swap3A_206 = arith.index_cast %add3A_205 : i32 to index
        %swap3A_207 = arith.constant 16 : index
        %swap3A_208 = tpu.vector_load %arg10[%swap3A_206, %swap3A_207] {strides = array<i32>} : memref<256x64xf32, #tpu.memory_space<vmem>>, vector<16xf32>,
        tpu.vector_store %arg10[%swap3A_206, %swap3A_207], %add3A_203 {strides = array<i32>} : memref<256x64xf32, #tpu.memory_space<vmem>>, vector<16xf32>,
        %add3A_209 = arith.constant 1 : i32
        %add3A_210 = arith.addi %add3A_113, %add3A_209 : i32
        %get3A_211 = arith.index_cast %add3A_210 : i32 to index
        %get3A_212 = arith.constant 32 : index
        %get3A_213 = tpu.vector_load %arg10[%get3A_211, %get3A_212] {strides = array<i32>} : memref<256x64xf32, #tpu.memory_space<vmem>>, vector<16xf32>,
        %mul3A_214 = vector.broadcast %squeeze3A_176 : f32 to vector<16xf32>
        %mul3A_215 = arith.mulf %get3A_213, %mul3A_214 : vector<16xf32>
        %mul3A_216 = vector.broadcast %squeeze3A_178 : f32 to vector<16xf32>
        %mul3A_217 = arith.mulf %get3A_11, %mul3A_216 : vector<16xf32>
        %add3A_218 = arith.addf %mul3A_215, %mul3A_217 : vector<16xf32>
        %add3A_219 = arith.constant 1 : i32
        %add3A_220 = arith.addi %add3A_113, %add3A_219 : i32
        %swap3A_221 = arith.index_cast %add3A_220 : i32 to index
        %swap3A_222 = arith.constant 32 : index
        %swap3A_223 = tpu.vector_load %arg10[%swap3A_221, %swap3A_222] {strides = array<i32>} : memref<256x64xf32, #tpu.memory_space<vmem>>, vector<16xf32>,
        tpu.vector_store %arg10[%swap3A_221, %swap3A_222], %add3A_218 {strides = array<i32>} : memref<256x64xf32, #tpu.memory_space<vmem>>, vector<16xf32>,
        %add3A_224 = arith.constant 1 : i32
        %add3A_225 = arith.addi %add3A_113, %add3A_224 : i32
        %get3A_226 = arith.index_cast %add3A_225 : i32 to index
        %get3A_227 = arith.constant 48 : index
        %get3A_228 = tpu.vector_load %arg10[%get3A_226, %get3A_227] {strides = array<i32>} : memref<256x64xf32, #tpu.memory_space<vmem>>, vector<16xf32>,
        %mul3A_229 = vector.broadcast %squeeze3A_176 : f32 to vector<16xf32>
        %mul3A_230 = arith.mulf %get3A_228, %mul3A_229 : vector<16xf32>
        %mul3A_231 = vector.broadcast %squeeze3A_178 : f32 to vector<16xf32>
        %mul3A_232 = arith.mulf %get3A_15, %mul3A_231 : vector<16xf32>
        %add3A_233 = arith.addf %mul3A_230, %mul3A_232 : vector<16xf32>
        %add3A_234 = arith.constant 1 : i32
        %add3A_235 = arith.addi %add3A_113, %add3A_234 : i32
        %swap3A_236 = arith.index_cast %add3A_235 : i32 to index
        %swap3A_237 = arith.constant 48 : index
        %swap3A_238 = tpu.vector_load %arg10[%swap3A_236, %swap3A_237] {strides = array<i32>} : memref<256x64xf32, #tpu.memory_space<vmem>>, vector<16xf32>,
        tpu.vector_store %arg10[%swap3A_236, %swap3A_237], %add3A_233 {strides = array<i32>} : memref<256x64xf32, #tpu.memory_space<vmem>>, vector<16xf32>,
        %slice3A_239 = vector.extract_strided_slice %convert_element_type3A_105 {offsets = [2], sizes = [1], strides = [1]} : vector<16xf32> to vector<1xf32>
        %squeeze3A_240 = vector.extract %slice3A_239[0] : f32 from vector<1xf32>
        %slice3A_241 = vector.extract_strided_slice %convert_element_type3A_109 {offsets = [2], sizes = [1], strides = [1]} : vector<16xf32> to vector<1xf32>
        %squeeze3A_242 = vector.extract %slice3A_241[0] : f32 from vector<1xf32>
        %add3A_243 = arith.constant 2 : i32
        %add3A_244 = arith.addi %add3A_113, %add3A_243 : i32
        %get3A_245 = arith.index_cast %add3A_244 : i32 to index
        %get3A_246 = arith.constant 0 : index
        %get3A_247 = tpu.vector_load %arg10[%get3A_245, %get3A_246] {strides = array<i32>} : memref<256x64xf32, #tpu.memory_space<vmem>>, vector<16xf32>,
        %mul3A_248 = vector.broadcast %squeeze3A_240 : f32 to vector<16xf32>
        %mul3A_249 = arith.mulf %get3A_247, %mul3A_248 : vector<16xf32>
        %mul3A_250 = vector.broadcast %squeeze3A_242 : f32 to vector<16xf32>
        %mul3A_251 = arith.mulf %get3A_3, %mul3A_250 : vector<16xf32>
        %add3A_252 = arith.addf %mul3A_249, %mul3A_251 : vector<16xf32>
        %add3A_253 = arith.constant 2 : i32
        %add3A_254 = arith.addi %add3A_113, %add3A_253 : i32
        %swap3A_255 = arith.index_cast %add3A_254 : i32 to index
        %swap3A_256 = arith.constant 0 : index
        %swap3A_257 = tpu.vector_load %arg10[%swap3A_255, %swap3A_256] {strides = array<i32>} : memref<256x64xf32, #tpu.memory_space<vmem>>, vector<16xf32>,
        tpu.vector_store %arg10[%swap3A_255, %swap3A_256], %add3A_252 {strides = array<i32>} : memref<256x64xf32, #tpu.memory_space<vmem>>, vector<16xf32>,
        %add3A_258 = arith.constant 2 : i32
        %add3A_259 = arith.addi %add3A_113, %add3A_258 : i32
        %get3A_260 = arith.index_cast %add3A_259 : i32 to index
        %get3A_261 = arith.constant 16 : index
        %get3A_262 = tpu.vector_load %arg10[%get3A_260, %get3A_261] {strides = array<i32>} : memref<256x64xf32, #tpu.memory_space<vmem>>, vector<16xf32>,
        %mul3A_263 = vector.broadcast %squeeze3A_240 : f32 to vector<16xf32>
        %mul3A_264 = arith.mulf %get3A_262, %mul3A_263 : vector<16xf32>
        %mul3A_265 = vector.broadcast %squeeze3A_242 : f32 to vector<16xf32>
        %mul3A_266 = arith.mulf %get3A_7, %mul3A_265 : vector<16xf32>
        %add3A_267 = arith.addf %mul3A_264, %mul3A_266 : vector<16xf32>
        %add3A_268 = arith.constant 2 : i32
        %add3A_269 = arith.addi %add3A_113, %add3A_268 : i32
        %swap3A_270 = arith.index_cast %add3A_269 : i32 to index
        %swap3A_271 = arith.constant 16 : index
        %swap3A_272 = tpu.vector_load %arg10[%swap3A_270, %swap3A_271] {strides = array<i32>} : memref<256x64xf32, #tpu.memory_space<vmem>>, vector<16xf32>,
        tpu.vector_store %arg10[%swap3A_270, %swap3A_271], %add3A_267 {strides = array<i32>} : memref<256x64xf32, #tpu.memory_space<vmem>>, vector<16xf32>,
        %add3A_273 = arith.constant 2 : i32
        %add3A_274 = arith.addi %add3A_113, %add3A_273 : i32
        %get3A_275 = arith.index_cast %add3A_274 : i32 to index
        %get3A_276 = arith.constant 32 : index
        %get3A_277 = tpu.vector_load %arg10[%get3A_275, %get3A_276] {strides = array<i32>} : memref<256x64xf32, #tpu.memory_space<vmem>>, vector<16xf32>,
        %mul3A_278 = vector.broadcast %squeeze3A_240 : f32 to vector<16xf32>
        %mul3A_279 = arith.mulf %get3A_277, %mul3A_278 : vector<16xf32>
        %mul3A_280 = vector.broadcast %squeeze3A_242 : f32 to vector<16xf32>
        %mul3A_281 = arith.mulf %get3A_11, %mul3A_280 : vector<16xf32>
        %add3A_282 = arith.addf %mul3A_279, %mul3A_281 : vector<16xf32>
        %add3A_283 = arith.constant 2 : i32
        %add3A_284 = arith.addi %add3A_113, %add3A_283 : i32
        %swap3A_285 = arith.index_cast %add3A_284 : i32 to index
        %swap3A_286 = arith.constant 32 : index
        %swap3A_287 = tpu.vector_load %arg10[%swap3A_285, %swap3A_286] {strides = array<i32>} : memref<256x64xf32, #tpu.memory_space<vmem>>, vector<16xf32>,
        tpu.vector_store %arg10[%swap3A_285, %swap3A_286], %add3A_282 {strides = array<i32>} : memref<256x64xf32, #tpu.memory_space<vmem>>, vector<16xf32>,
        %add3A_288 = arith.constant 2 : i32
        %add3A_289 = arith.addi %add3A_113, %add3A_288 : i32
        %get3A_290 = arith.index_cast %add3A_289 : i32 to index
        %get3A_291 = arith.constant 48 : index
        %get3A_292 = tpu.vector_load %arg10[%get3A_290, %get3A_291] {strides = array<i32>} : memref<256x64xf32, #tpu.memory_space<vmem>>, vector<16xf32>,
        %mul3A_293 = vector.broadcast %squeeze3A_240 : f32 to vector<16xf32>
        %mul3A_294 = arith.mulf %get3A_292, %mul3A_293 : vector<16xf32>
        %mul3A_295 = vector.broadcast %squeeze3A_242 : f32 to vector<16xf32>
        %mul3A_296 = arith.mulf %get3A_15, %mul3A_295 : vector<16xf32>
        %add3A_297 = arith.addf %mul3A_294, %mul3A_296 : vector<16xf32>
        %add3A_298 = arith.constant 2 : i32
        %add3A_299 = arith.addi %add3A_113, %add3A_298 : i32
        %swap3A_300 = arith.index_cast %add3A_299 : i32 to index
        %swap3A_301 = arith.constant 48 : index
        %swap3A_302 = tpu.vector_load %arg10[%swap3A_300, %swap3A_301] {strides = array<i32>} : memref<256x64xf32, #tpu.memory_space<vmem>>, vector<16xf32>,
        tpu.vector_store %arg10[%swap3A_300, %swap3A_301], %add3A_297 {strides = array<i32>} : memref<256x64xf32, #tpu.memory_space<vmem>>, vector<16xf32>,
        %slice3A_303 = vector.extract_strided_slice %convert_element_type3A_105 {offsets = [3], sizes = [1], strides = [1]} : vector<16xf32> to vector<1xf32>
        %squeeze3A_304 = vector.extract %slice3A_303[0] : f32 from vector<1xf32>
        %slice3A_305 = vector.extract_strided_slice %convert_element_type3A_109 {offsets = [3], sizes = [1], strides = [1]} : vector<16xf32> to vector<1xf32>
        %squeeze3A_306 = vector.extract %slice3A_305[0] : f32 from vector<1xf32>
        %add3A_307 = arith.constant 3 : i32
        %add3A_308 = arith.addi %add3A_113, %add3A_307 : i32
        %get3A_309 = arith.index_cast %add3A_308 : i32 to index
        %get3A_310 = arith.constant 0 : index
        %get3A_311 = tpu.vector_load %arg10[%get3A_309, %get3A_310] {strides = array<i32>} : memref<256x64xf32, #tpu.memory_space<vmem>>, vector<16xf32>,
        %mul3A_312 = vector.broadcast %squeeze3A_304 : f32 to vector<16xf32>
        %mul3A_313 = arith.mulf %get3A_311, %mul3A_312 : vector<16xf32>
        %mul3A_314 = vector.broadcast %squeeze3A_306 : f32 to vector<16xf32>
        %mul3A_315 = arith.mulf %get3A_3, %mul3A_314 : vector<16xf32>
        %add3A_316 = arith.addf %mul3A_313, %mul3A_315 : vector<16xf32>
        %add3A_317 = arith.constant 3 : i32
        %add3A_318 = arith.addi %add3A_113, %add3A_317 : i32
        %swap3A_319 = arith.index_cast %add3A_318 : i32 to index
        %swap3A_320 = arith.constant 0 : index
        %swap3A_321 = tpu.vector_load %arg10[%swap3A_319, %swap3A_320] {strides = array<i32>} : memref<256x64xf32, #tpu.memory_space<vmem>>, vector<16xf32>,
        tpu.vector_store %arg10[%swap3A_319, %swap3A_320], %add3A_316 {strides = array<i32>} : memref<256x64xf32, #tpu.memory_space<vmem>>, vector<16xf32>,
        %add3A_322 = arith.constant 3 : i32
        %add3A_323 = arith.addi %add3A_113, %add3A_322 : i32
        %get3A_324 = arith.index_cast %add3A_323 : i32 to index
        %get3A_325 = arith.constant 16 : index
        %get3A_326 = tpu.vector_load %arg10[%get3A_324, %get3A_325] {strides = array<i32>} : memref<256x64xf32, #tpu.memory_space<vmem>>, vector<16xf32>,
        %mul3A_327 = vector.broadcast %squeeze3A_304 : f32 to vector<16xf32>
        %mul3A_328 = arith.mulf %get3A_326, %mul3A_327 : vector<16xf32>
        %mul3A_329 = vector.broadcast %squeeze3A_306 : f32 to vector<16xf32>
        %mul3A_330 = arith.mulf %get3A_7, %mul3A_329 : vector<16xf32>
        %add3A_331 = arith.addf %mul3A_328, %mul3A_330 : vector<16xf32>
        %add3A_332 = arith.constant 3 : i32
        %add3A_333 = arith.addi %add3A_113, %add3A_332 : i32
        %swap3A_334 = arith.index_cast %add3A_333 : i32 to index
        %swap3A_335 = arith.constant 16 : index
        %swap3A_336 = tpu.vector_load %arg10[%swap3A_334, %swap3A_335] {strides = array<i32>} : memref<256x64xf32, #tpu.memory_space<vmem>>, vector<16xf32>,
        tpu.vector_store %arg10[%swap3A_334, %swap3A_335], %add3A_331 {strides = array<i32>} : memref<256x64xf32, #tpu.memory_space<vmem>>, vector<16xf32>,
        %add3A_337 = arith.constant 3 : i32
        %add3A_338 = arith.addi %add3A_113, %add3A_337 : i32
        %get3A_339 = arith.index_cast %add3A_338 : i32 to index
        %get3A_340 = arith.constant 32 : index
        %get3A_341 = tpu.vector_load %arg10[%get3A_339, %get3A_340] {strides = array<i32>} : memref<256x64xf32, #tpu.memory_space<vmem>>, vector<16xf32>,
        %mul3A_342 = vector.broadcast %squeeze3A_304 : f32 to vector<16xf32>
        %mul3A_343 = arith.mulf %get3A_341, %mul3A_342 : vector<16xf32>
        %mul3A_344 = vector.broadcast %squeeze3A_306 : f32 to vector<16xf32>
        %mul3A_345 = arith.mulf %get3A_11, %mul3A_344 : vector<16xf32>
        %add3A_346 = arith.addf %mul3A_343, %mul3A_345 : vector<16xf32>
        %add3A_347 = arith.constant 3 : i32
        %add3A_348 = arith.addi %add3A_113, %add3A_347 : i32
        %swap3A_349 = arith.index_cast %add3A_348 : i32 to index
        %swap3A_350 = arith.constant 32 : index
        %swap3A_351 = tpu.vector_load %arg10[%swap3A_349, %swap3A_350] {strides = array<i32>} : memref<256x64xf32, #tpu.memory_space<vmem>>, vector<16xf32>,
        tpu.vector_store %arg10[%swap3A_349, %swap3A_350], %add3A_346 {strides = array<i32>} : memref<256x64xf32, #tpu.memory_space<vmem>>, vector<16xf32>,
        %add3A_352 = arith.constant 3 : i32
        %add3A_353 = arith.addi %add3A_113, %add3A_352 : i32
        %get3A_354 = arith.index_cast %add3A_353 : i32 to index
        %get3A_355 = arith.constant 48 : index
        %get3A_356 = tpu.vector_load %arg10[%get3A_354, %get3A_355] {strides = array<i32>} : memref<256x64xf32, #tpu.memory_space<vmem>>, vector<16xf32>,
        %mul3A_357 = vector.broadcast %squeeze3A_304 : f32 to vector<16xf32>
        %mul3A_358 = arith.mulf %get3A_356, %mul3A_357 : vector<16xf32>
        %mul3A_359 = vector.broadcast %squeeze3A_306 : f32 to vector<16xf32>
        %mul3A_360 = arith.mulf %get3A_15, %mul3A_359 : vector<16xf32>
        %add3A_361 = arith.addf %mul3A_358, %mul3A_360 : vector<16xf32>
        %add3A_362 = arith.constant 3 : i32
        %add3A_363 = arith.addi %add3A_113, %add3A_362 : i32
        %swap3A_364 = arith.index_cast %add3A_363 : i32 to index
        %swap3A_365 = arith.constant 48 : index
        %swap3A_366 = tpu.vector_load %arg10[%swap3A_364, %swap3A_365] {strides = array<i32>} : memref<256x64xf32, #tpu.memory_space<vmem>>, vector<16xf32>,
        tpu.vector_store %arg10[%swap3A_364, %swap3A_365], %add3A_361 {strides = array<i32>} : memref<256x64xf32, #tpu.memory_space<vmem>>, vector<16xf32>,
        %slice3A_367 = vector.extract_strided_slice %convert_element_type3A_105 {offsets = [4], sizes = [1], strides = [1]} : vector<16xf32> to vector<1xf32>
        %squeeze3A_368 = vector.extract %slice3A_367[0] : f32 from vector<1xf32>
        %slice3A_369 = vector.extract_strided_slice %convert_element_type3A_109 {offsets = [4], sizes = [1], strides = [1]} : vector<16xf32> to vector<1xf32>
        %squeeze3A_370 = vector.extract %slice3A_369[0] : f32 from vector<1xf32>
        %add3A_371 = arith.constant 4 : i32
        %add3A_372 = arith.addi %add3A_113, %add3A_371 : i32
        %get3A_373 = arith.index_cast %add3A_372 : i32 to index
        %get3A_374 = arith.constant 0 : index
        %get3A_375 = tpu.vector_load %arg10[%get3A_373, %get3A_374] {strides = array<i32>} : memref<256x64xf32, #tpu.memory_space<vmem>>, vector<16xf32>,
        %mul3A_376 = vector.broadcast %squeeze3A_368 : f32 to vector<16xf32>
        %mul3A_377 = arith.mulf %get3A_375, %mul3A_376 : vector<16xf32>
        %mul3A_378 = vector.broadcast %squeeze3A_370 : f32 to vector<16xf32>
        %mul3A_379 = arith.mulf %get3A_3, %mul3A_378 : vector<16xf32>
        %add3A_380 = arith.addf %mul3A_377, %mul3A_379 : vector<16xf32>
        %add3A_381 = arith.constant 4 : i32
        %add3A_382 = arith.addi %add3A_113, %add3A_381 : i32
        %swap3A_383 = arith.index_cast %add3A_382 : i32 to index
        %swap3A_384 = arith.constant 0 : index
        %swap3A_385 = tpu.vector_load %arg10[%swap3A_383, %swap3A_384] {strides = array<i32>} : memref<256x64xf32, #tpu.memory_space<vmem>>, vector<16xf32>,
        tpu.vector_store %arg10[%swap3A_383, %swap3A_384], %add3A_380 {strides = array<i32>} : memref<256x64xf32, #tpu.memory_space<vmem>>, vector<16xf32>,
        %add3A_386 = arith.constant 4 : i32
        %add3A_387 = arith.addi %add3A_113, %add3A_386 : i32
        %get3A_388 = arith.index_cast %add3A_387 : i32 to index
        %get3A_389 = arith.constant 16 : index
        %get3A_390 = tpu.vector_load %arg10[%get3A_388, %get3A_389] {strides = array<i32>} : memref<256x64xf32, #tpu.memory_space<vmem>>, vector<16xf32>,
        %mul3A_391 = vector.broadcast %squeeze3A_368 : f32 to vector<16xf32>
        %mul3A_392 = arith.mulf %get3A_390, %mul3A_391 : vector<16xf32>
        %mul3A_393 = vector.broadcast %squeeze3A_370 : f32 to vector<16xf32>
        %mul3A_394 = arith.mulf %get3A_7, %mul3A_393 : vector<16xf32>
        %add3A_395 = arith.addf %mul3A_392, %mul3A_394 : vector<16xf32>
        %add3A_396 = arith.constant 4 : i32
        %add3A_397 = arith.addi %add3A_113, %add3A_396 : i32
        %swap3A_398 = arith.index_cast %add3A_397 : i32 to index
        %swap3A_399 = arith.constant 16 : index
        %swap3A_400 = tpu.vector_load %arg10[%swap3A_398, %swap3A_399] {strides = array<i32>} : memref<256x64xf32, #tpu.memory_space<vmem>>, vector<16xf32>,
        tpu.vector_store %arg10[%swap3A_398, %swap3A_399], %add3A_395 {strides = array<i32>} : memref<256x64xf32, #tpu.memory_space<vmem>>, vector<16xf32>,
        %add3A_401 = arith.constant 4 : i32
        %add3A_402 = arith.addi %add3A_113, %add3A_401 : i32
        %get3A_403 = arith.index_cast %add3A_402 : i32 to index
        %get3A_404 = arith.constant 32 : index
        %get3A_405 = tpu.vector_load %arg10[%get3A_403, %get3A_404] {strides = array<i32>} : memref<256x64xf32, #tpu.memory_space<vmem>>, vector<16xf32>,
        %mul3A_406 = vector.broadcast %squeeze3A_368 : f32 to vector<16xf32>
        %mul3A_407 = arith.mulf %get3A_405, %mul3A_406 : vector<16xf32>
        %mul3A_408 = vector.broadcast %squeeze3A_370 : f32 to vector<16xf32>
        %mul3A_409 = arith.mulf %get3A_11, %mul3A_408 : vector<16xf32>
        %add3A_410 = arith.addf %mul3A_407, %mul3A_409 : vector<16xf32>
        %add3A_411 = arith.constant 4 : i32
        %add3A_412 = arith.addi %add3A_113, %add3A_411 : i32
        %swap3A_413 = arith.index_cast %add3A_412 : i32 to index
        %swap3A_414 = arith.constant 32 : index
        %swap3A_415 = tpu.vector_load %arg10[%swap3A_413, %swap3A_414] {strides = array<i32>} : memref<256x64xf32, #tpu.memory_space<vmem>>, vector<16xf32>,
        tpu.vector_store %arg10[%swap3A_413, %swap3A_414], %add3A_410 {strides = array<i32>} : memref<256x64xf32, #tpu.memory_space<vmem>>, vector<16xf32>,
        %add3A_416 = arith.constant 4 : i32
        %add3A_417 = arith.addi %add3A_113, %add3A_416 : i32
        %get3A_418 = arith.index_cast %add3A_417 : i32 to index
        %get3A_419 = arith.constant 48 : index
        %get3A_420 = tpu.vector_load %arg10[%get3A_418, %get3A_419] {strides = array<i32>} : memref<256x64xf32, #tpu.memory_space<vmem>>, vector<16xf32>,
        %mul3A_421 = vector.broadcast %squeeze3A_368 : f32 to vector<16xf32>
        %mul3A_422 = arith.mulf %get3A_420, %mul3A_421 : vector<16xf32>
        %mul3A_423 = vector.broadcast %squeeze3A_370 : f32 to vector<16xf32>
        %mul3A_424 = arith.mulf %get3A_15, %mul3A_423 : vector<16xf32>
        %add3A_425 = arith.addf %mul3A_422, %mul3A_424 : vector<16xf32>
        %add3A_426 = arith.constant 4 : i32
        %add3A_427 = arith.addi %add3A_113, %add3A_426 : i32
        %swap3A_428 = arith.index_cast %add3A_427 : i32 to index
        %swap3A_429 = arith.constant 48 : index
        %swap3A_430 = tpu.vector_load %arg10[%swap3A_428, %swap3A_429] {strides = array<i32>} : memref<256x64xf32, #tpu.memory_space<vmem>>, vector<16xf32>,
        tpu.vector_store %arg10[%swap3A_428, %swap3A_429], %add3A_425 {strides = array<i32>} : memref<256x64xf32, #tpu.memory_space<vmem>>, vector<16xf32>,
        %slice3A_431 = vector.extract_strided_slice %convert_element_type3A_105 {offsets = [5], sizes = [1], strides = [1]} : vector<16xf32> to vector<1xf32>
        %squeeze3A_432 = vector.extract %slice3A_431[0] : f32 from vector<1xf32>
        %slice3A_433 = vector.extract_strided_slice %convert_element_type3A_109 {offsets = [5], sizes = [1], strides = [1]} : vector<16xf32> to vector<1xf32>
        %squeeze3A_434 = vector.extract %slice3A_433[0] : f32 from vector<1xf32>
        %add3A_435 = arith.constant 5 : i32
        %add3A_436 = arith.addi %add3A_113, %add3A_435 : i32
        %get3A_437 = arith.index_cast %add3A_436 : i32 to index
        %get3A_438 = arith.constant 0 : index
        %get3A_439 = tpu.vector_load %arg10[%get3A_437, %get3A_438] {strides = array<i32>} : memref<256x64xf32, #tpu.memory_space<vmem>>, vector<16xf32>,
        %mul3A_440 = vector.broadcast %squeeze3A_432 : f32 to vector<16xf32>
        %mul3A_441 = arith.mulf %get3A_439, %mul3A_440 : vector<16xf32>
        %mul3A_442 = vector.broadcast %squeeze3A_434 : f32 to vector<16xf32>
        %mul3A_443 = arith.mulf %get3A_3, %mul3A_442 : vector<16xf32>
        %add3A_444 = arith.addf %mul3A_441, %mul3A_443 : vector<16xf32>
        %add3A_445 = arith.constant 5 : i32
        %add3A_446 = arith.addi %add3A_113, %add3A_445 : i32
        %swap3A_447 = arith.index_cast %add3A_446 : i32 to index
        %swap3A_448 = arith.constant 0 : index
        %swap3A_449 = tpu.vector_load %arg10[%swap3A_447, %swap3A_448] {strides = array<i32>} : memref<256x64xf32, #tpu.memory_space<vmem>>, vector<16xf32>,
        tpu.vector_store %arg10[%swap3A_447, %swap3A_448], %add3A_444 {strides = array<i32>} : memref<256x64xf32, #tpu.memory_space<vmem>>, vector<16xf32>,
        %add3A_450 = arith.constant 5 : i32
        %add3A_451 = arith.addi %add3A_113, %add3A_450 : i32
        %get3A_452 = arith.index_cast %add3A_451 : i32 to index
        %get3A_453 = arith.constant 16 : index
        %get3A_454 = tpu.vector_load %arg10[%get3A_452, %get3A_453] {strides = array<i32>} : memref<256x64xf32, #tpu.memory_space<vmem>>, vector<16xf32>,
        %mul3A_455 = vector.broadcast %squeeze3A_432 : f32 to vector<16xf32>
        %mul3A_456 = arith.mulf %get3A_454, %mul3A_455 : vector<16xf32>
        %mul3A_457 = vector.broadcast %squeeze3A_434 : f32 to vector<16xf32>
        %mul3A_458 = arith.mulf %get3A_7, %mul3A_457 : vector<16xf32>
        %add3A_459 = arith.addf %mul3A_456, %mul3A_458 : vector<16xf32>
        %add3A_460 = arith.constant 5 : i32
        %add3A_461 = arith.addi %add3A_113, %add3A_460 : i32
        %swap3A_462 = arith.index_cast %add3A_461 : i32 to index
        %swap3A_463 = arith.constant 16 : index
        %swap3A_464 = tpu.vector_load %arg10[%swap3A_462, %swap3A_463] {strides = array<i32>} : memref<256x64xf32, #tpu.memory_space<vmem>>, vector<16xf32>,
        tpu.vector_store %arg10[%swap3A_462, %swap3A_463], %add3A_459 {strides = array<i32>} : memref<256x64xf32, #tpu.memory_space<vmem>>, vector<16xf32>,
        %add3A_465 = arith.constant 5 : i32
        %add3A_466 = arith.addi %add3A_113, %add3A_465 : i32
        %get3A_467 = arith.index_cast %add3A_466 : i32 to index
        %get3A_468 = arith.constant 32 : index
        %get3A_469 = tpu.vector_load %arg10[%get3A_467, %get3A_468] {strides = array<i32>} : memref<256x64xf32, #tpu.memory_space<vmem>>, vector<16xf32>,
        %mul3A_470 = vector.broadcast %squeeze3A_432 : f32 to vector<16xf32>
        %mul3A_471 = arith.mulf %get3A_469, %mul3A_470 : vector<16xf32>
        %mul3A_472 = vector.broadcast %squeeze3A_434 : f32 to vector<16xf32>
        %mul3A_473 = arith.mulf %get3A_11, %mul3A_472 : vector<16xf32>
        %add3A_474 = arith.addf %mul3A_471, %mul3A_473 : vector<16xf32>
        %add3A_475 = arith.constant 5 : i32
        %add3A_476 = arith.addi %add3A_113, %add3A_475 : i32
        %swap3A_477 = arith.index_cast %add3A_476 : i32 to index
        %swap3A_478 = arith.constant 32 : index
        %swap3A_479 = tpu.vector_load %arg10[%swap3A_477, %swap3A_478] {strides = array<i32>} : memref<256x64xf32, #tpu.memory_space<vmem>>, vector<16xf32>,
        tpu.vector_store %arg10[%swap3A_477, %swap3A_478], %add3A_474 {strides = array<i32>} : memref<256x64xf32, #tpu.memory_space<vmem>>, vector<16xf32>,
        %add3A_480 = arith.constant 5 : i32
        %add3A_481 = arith.addi %add3A_113, %add3A_480 : i32
        %get3A_482 = arith.index_cast %add3A_481 : i32 to index
        %get3A_483 = arith.constant 48 : index
        %get3A_484 = tpu.vector_load %arg10[%get3A_482, %get3A_483] {strides = array<i32>} : memref<256x64xf32, #tpu.memory_space<vmem>>, vector<16xf32>,
        %mul3A_485 = vector.broadcast %squeeze3A_432 : f32 to vector<16xf32>
        %mul3A_486 = arith.mulf %get3A_484, %mul3A_485 : vector<16xf32>
        %mul3A_487 = vector.broadcast %squeeze3A_434 : f32 to vector<16xf32>
        %mul3A_488 = arith.mulf %get3A_15, %mul3A_487 : vector<16xf32>
        %add3A_489 = arith.addf %mul3A_486, %mul3A_488 : vector<16xf32>
        %add3A_490 = arith.constant 5 : i32
        %add3A_491 = arith.addi %add3A_113, %add3A_490 : i32
        %swap3A_492 = arith.index_cast %add3A_491 : i32 to index
        %swap3A_493 = arith.constant 48 : index
        %swap3A_494 = tpu.vector_load %arg10[%swap3A_492, %swap3A_493] {strides = array<i32>} : memref<256x64xf32, #tpu.memory_space<vmem>>, vector<16xf32>,
        tpu.vector_store %arg10[%swap3A_492, %swap3A_493], %add3A_489 {strides = array<i32>} : memref<256x64xf32, #tpu.memory_space<vmem>>, vector<16xf32>,
        %slice3A_495 = vector.extract_strided_slice %convert_element_type3A_105 {offsets = [6], sizes = [1], strides = [1]} : vector<16xf32> to vector<1xf32>
        %squeeze3A_496 = vector.extract %slice3A_495[0] : f32 from vector<1xf32>
        %slice3A_497 = vector.extract_strided_slice %convert_element_type3A_109 {offsets = [6], sizes = [1], strides = [1]} : vector<16xf32> to vector<1xf32>
        %squeeze3A_498 = vector.extract %slice3A_497[0] : f32 from vector<1xf32>
        %add3A_499 = arith.constant 6 : i32
        %add3A_500 = arith.addi %add3A_113, %add3A_499 : i32
        %get3A_501 = arith.index_cast %add3A_500 : i32 to index
        %get3A_502 = arith.constant 0 : index
        %get3A_503 = tpu.vector_load %arg10[%get3A_501, %get3A_502] {strides = array<i32>} : memref<256x64xf32, #tpu.memory_space<vmem>>, vector<16xf32>,
        %mul3A_504 = vector.broadcast %squeeze3A_496 : f32 to vector<16xf32>
        %mul3A_505 = arith.mulf %get3A_503, %mul3A_504 : vector<16xf32>
        %mul3A_506 = vector.broadcast %squeeze3A_498 : f32 to vector<16xf32>
        %mul3A_507 = arith.mulf %get3A_3, %mul3A_506 : vector<16xf32>
        %add3A_508 = arith.addf %mul3A_505, %mul3A_507 : vector<16xf32>
        %add3A_509 = arith.constant 6 : i32
        %add3A_510 = arith.addi %add3A_113, %add3A_509 : i32
        %swap3A_511 = arith.index_cast %add3A_510 : i32 to index
        %swap3A_512 = arith.constant 0 : index
        %swap3A_513 = tpu.vector_load %arg10[%swap3A_511, %swap3A_512] {strides = array<i32>} : memref<256x64xf32, #tpu.memory_space<vmem>>, vector<16xf32>,
        tpu.vector_store %arg10[%swap3A_511, %swap3A_512], %add3A_508 {strides = array<i32>} : memref<256x64xf32, #tpu.memory_space<vmem>>, vector<16xf32>,
        %add3A_514 = arith.constant 6 : i32
        %add3A_515 = arith.addi %add3A_113, %add3A_514 : i32
        %get3A_516 = arith.index_cast %add3A_515 : i32 to index
        %get3A_517 = arith.constant 16 : index
        %get3A_518 = tpu.vector_load %arg10[%get3A_516, %get3A_517] {strides = array<i32>} : memref<256x64xf32, #tpu.memory_space<vmem>>, vector<16xf32>,
        %mul3A_519 = vector.broadcast %squeeze3A_496 : f32 to vector<16xf32>
        %mul3A_520 = arith.mulf %get3A_518, %mul3A_519 : vector<16xf32>
        %mul3A_521 = vector.broadcast %squeeze3A_498 : f32 to vector<16xf32>
        %mul3A_522 = arith.mulf %get3A_7, %mul3A_521 : vector<16xf32>
        %add3A_523 = arith.addf %mul3A_520, %mul3A_522 : vector<16xf32>
        %add3A_524 = arith.constant 6 : i32
        %add3A_525 = arith.addi %add3A_113, %add3A_524 : i32
        %swap3A_526 = arith.index_cast %add3A_525 : i32 to index
        %swap3A_527 = arith.constant 16 : index
        %swap3A_528 = tpu.vector_load %arg10[%swap3A_526, %swap3A_527] {strides = array<i32>} : memref<256x64xf32, #tpu.memory_space<vmem>>, vector<16xf32>,
        tpu.vector_store %arg10[%swap3A_526, %swap3A_527], %add3A_523 {strides = array<i32>} : memref<256x64xf32, #tpu.memory_space<vmem>>, vector<16xf32>,
        %add3A_529 = arith.constant 6 : i32
        %add3A_530 = arith.addi %add3A_113, %add3A_529 : i32
        %get3A_531 = arith.index_cast %add3A_530 : i32 to index
        %get3A_532 = arith.constant 32 : index
        %get3A_533 = tpu.vector_load %arg10[%get3A_531, %get3A_532] {strides = array<i32>} : memref<256x64xf32, #tpu.memory_space<vmem>>, vector<16xf32>,
        %mul3A_534 = vector.broadcast %squeeze3A_496 : f32 to vector<16xf32>
        %mul3A_535 = arith.mulf %get3A_533, %mul3A_534 : vector<16xf32>
        %mul3A_536 = vector.broadcast %squeeze3A_498 : f32 to vector<16xf32>
        %mul3A_537 = arith.mulf %get3A_11, %mul3A_536 : vector<16xf32>
        %add3A_538 = arith.addf %mul3A_535, %mul3A_537 : vector<16xf32>
        %add3A_539 = arith.constant 6 : i32
        %add3A_540 = arith.addi %add3A_113, %add3A_539 : i32
        %swap3A_541 = arith.index_cast %add3A_540 : i32 to index
        %swap3A_542 = arith.constant 32 : index
        %swap3A_543 = tpu.vector_load %arg10[%swap3A_541, %swap3A_542] {strides = array<i32>} : memref<256x64xf32, #tpu.memory_space<vmem>>, vector<16xf32>,
        tpu.vector_store %arg10[%swap3A_541, %swap3A_542], %add3A_538 {strides = array<i32>} : memref<256x64xf32, #tpu.memory_space<vmem>>, vector<16xf32>,
        %add3A_544 = arith.constant 6 : i32
        %add3A_545 = arith.addi %add3A_113, %add3A_544 : i32
        %get3A_546 = arith.index_cast %add3A_545 : i32 to index
        %get3A_547 = arith.constant 48 : index
        %get3A_548 = tpu.vector_load %arg10[%get3A_546, %get3A_547] {strides = array<i32>} : memref<256x64xf32, #tpu.memory_space<vmem>>, vector<16xf32>,
        %mul3A_549 = vector.broadcast %squeeze3A_496 : f32 to vector<16xf32>
        %mul3A_550 = arith.mulf %get3A_548, %mul3A_549 : vector<16xf32>
        %mul3A_551 = vector.broadcast %squeeze3A_498 : f32 to vector<16xf32>
        %mul3A_552 = arith.mulf %get3A_15, %mul3A_551 : vector<16xf32>
        %add3A_553 = arith.addf %mul3A_550, %mul3A_552 : vector<16xf32>
        %add3A_554 = arith.constant 6 : i32
        %add3A_555 = arith.addi %add3A_113, %add3A_554 : i32
        %swap3A_556 = arith.index_cast %add3A_555 : i32 to index
        %swap3A_557 = arith.constant 48 : index
        %swap3A_558 = tpu.vector_load %arg10[%swap3A_556, %swap3A_557] {strides = array<i32>} : memref<256x64xf32, #tpu.memory_space<vmem>>, vector<16xf32>,
        tpu.vector_store %arg10[%swap3A_556, %swap3A_557], %add3A_553 {strides = array<i32>} : memref<256x64xf32, #tpu.memory_space<vmem>>, vector<16xf32>,
        %slice3A_559 = vector.extract_strided_slice %convert_element_type3A_105 {offsets = [7], sizes = [1], strides = [1]} : vector<16xf32> to vector<1xf32>
        %squeeze3A_560 = vector.extract %slice3A_559[0] : f32 from vector<1xf32>
        %slice3A_561 = vector.extract_strided_slice %convert_element_type3A_109 {offsets = [7], sizes = [1], strides = [1]} : vector<16xf32> to vector<1xf32>
        %squeeze3A_562 = vector.extract %slice3A_561[0] : f32 from vector<1xf32>
        %add3A_563 = arith.constant 7 : i32
        %add3A_564 = arith.addi %add3A_113, %add3A_563 : i32
        %get3A_565 = arith.index_cast %add3A_564 : i32 to index
        %get3A_566 = arith.constant 0 : index
        %get3A_567 = tpu.vector_load %arg10[%get3A_565, %get3A_566] {strides = array<i32>} : memref<256x64xf32, #tpu.memory_space<vmem>>, vector<16xf32>,
        %mul3A_568 = vector.broadcast %squeeze3A_560 : f32 to vector<16xf32>
        %mul3A_569 = arith.mulf %get3A_567, %mul3A_568 : vector<16xf32>
        %mul3A_570 = vector.broadcast %squeeze3A_562 : f32 to vector<16xf32>
        %mul3A_571 = arith.mulf %get3A_3, %mul3A_570 : vector<16xf32>
        %add3A_572 = arith.addf %mul3A_569, %mul3A_571 : vector<16xf32>
        %add3A_573 = arith.constant 7 : i32
        %add3A_574 = arith.addi %add3A_113, %add3A_573 : i32
        %swap3A_575 = arith.index_cast %add3A_574 : i32 to index
        %swap3A_576 = arith.constant 0 : index
        %swap3A_577 = tpu.vector_load %arg10[%swap3A_575, %swap3A_576] {strides = array<i32>} : memref<256x64xf32, #tpu.memory_space<vmem>>, vector<16xf32>,
        tpu.vector_store %arg10[%swap3A_575, %swap3A_576], %add3A_572 {strides = array<i32>} : memref<256x64xf32, #tpu.memory_space<vmem>>, vector<16xf32>,
        %add3A_578 = arith.constant 7 : i32
        %add3A_579 = arith.addi %add3A_113, %add3A_578 : i32
        %get3A_580 = arith.index_cast %add3A_579 : i32 to index
        %get3A_581 = arith.constant 16 : index
        %get3A_582 = tpu.vector_load %arg10[%get3A_580, %get3A_581] {strides = array<i32>} : memref<256x64xf32, #tpu.memory_space<vmem>>, vector<16xf32>,
        %mul3A_583 = vector.broadcast %squeeze3A_560 : f32 to vector<16xf32>
        %mul3A_584 = arith.mulf %get3A_582, %mul3A_583 : vector<16xf32>
        %mul3A_585 = vector.broadcast %squeeze3A_562 : f32 to vector<16xf32>
        %mul3A_586 = arith.mulf %get3A_7, %mul3A_585 : vector<16xf32>
        %add3A_587 = arith.addf %mul3A_584, %mul3A_586 : vector<16xf32>
        %add3A_588 = arith.constant 7 : i32
        %add3A_589 = arith.addi %add3A_113, %add3A_588 : i32
        %swap3A_590 = arith.index_cast %add3A_589 : i32 to index
        %swap3A_591 = arith.constant 16 : index
        %swap3A_592 = tpu.vector_load %arg10[%swap3A_590, %swap3A_591] {strides = array<i32>} : memref<256x64xf32, #tpu.memory_space<vmem>>, vector<16xf32>,
        tpu.vector_store %arg10[%swap3A_590, %swap3A_591], %add3A_587 {strides = array<i32>} : memref<256x64xf32, #tpu.memory_space<vmem>>, vector<16xf32>,
        %add3A_593 = arith.constant 7 : i32
        %add3A_594 = arith.addi %add3A_113, %add3A_593 : i32
        %get3A_595 = arith.index_cast %add3A_594 : i32 to index
        %get3A_596 = arith.constant 32 : index
        %get3A_597 = tpu.vector_load %arg10[%get3A_595, %get3A_596] {strides = array<i32>} : memref<256x64xf32, #tpu.memory_space<vmem>>, vector<16xf32>,
        %mul3A_598 = vector.broadcast %squeeze3A_560 : f32 to vector<16xf32>
        %mul3A_599 = arith.mulf %get3A_597, %mul3A_598 : vector<16xf32>
        %mul3A_600 = vector.broadcast %squeeze3A_562 : f32 to vector<16xf32>
        %mul3A_601 = arith.mulf %get3A_11, %mul3A_600 : vector<16xf32>
        %add3A_602 = arith.addf %mul3A_599, %mul3A_601 : vector<16xf32>
        %add3A_603 = arith.constant 7 : i32
        %add3A_604 = arith.addi %add3A_113, %add3A_603 : i32
        %swap3A_605 = arith.index_cast %add3A_604 : i32 to index
        %swap3A_606 = arith.constant 32 : index
        %swap3A_607 = tpu.vector_load %arg10[%swap3A_605, %swap3A_606] {strides = array<i32>} : memref<256x64xf32, #tpu.memory_space<vmem>>, vector<16xf32>,
        tpu.vector_store %arg10[%swap3A_605, %swap3A_606], %add3A_602 {strides = array<i32>} : memref<256x64xf32, #tpu.memory_space<vmem>>, vector<16xf32>,
        %add3A_608 = arith.constant 7 : i32
        %add3A_609 = arith.addi %add3A_113, %add3A_608 : i32
        %get3A_610 = arith.index_cast %add3A_609 : i32 to index
        %get3A_611 = arith.constant 48 : index
        %get3A_612 = tpu.vector_load %arg10[%get3A_610, %get3A_611] {strides = array<i32>} : memref<256x64xf32, #tpu.memory_space<vmem>>, vector<16xf32>,
        %mul3A_613 = vector.broadcast %squeeze3A_560 : f32 to vector<16xf32>
        %mul3A_614 = arith.mulf %get3A_612, %mul3A_613 : vector<16xf32>
        %mul3A_615 = vector.broadcast %squeeze3A_562 : f32 to vector<16xf32>
        %mul3A_616 = arith.mulf %get3A_15, %mul3A_615 : vector<16xf32>
        %add3A_617 = arith.addf %mul3A_614, %mul3A_616 : vector<16xf32>
        %add3A_618 = arith.constant 7 : i32
        %add3A_619 = arith.addi %add3A_113, %add3A_618 : i32
        %swap3A_620 = arith.index_cast %add3A_619 : i32 to index
        %swap3A_621 = arith.constant 48 : index
        %swap3A_622 = tpu.vector_load %arg10[%swap3A_620, %swap3A_621] {strides = array<i32>} : memref<256x64xf32, #tpu.memory_space<vmem>>, vector<16xf32>,
        tpu.vector_store %arg10[%swap3A_620, %swap3A_621], %add3A_617 {strides = array<i32>} : memref<256x64xf32, #tpu.memory_space<vmem>>, vector<16xf32>,
        %slice3A_623 = vector.extract_strided_slice %convert_element_type3A_105 {offsets = [8], sizes = [1], strides = [1]} : vector<16xf32> to vector<1xf32>
        %squeeze3A_624 = vector.extract %slice3A_623[0] : f32 from vector<1xf32>
        %slice3A_625 = vector.extract_strided_slice %convert_element_type3A_109 {offsets = [8], sizes = [1], strides = [1]} : vector<16xf32> to vector<1xf32>
        %squeeze3A_626 = vector.extract %slice3A_625[0] : f32 from vector<1xf32>
        %add3A_627 = arith.constant 8 : i32
        %add3A_628 = arith.addi %add3A_113, %add3A_627 : i32
        %get3A_629 = arith.index_cast %add3A_628 : i32 to index
        %get3A_630 = arith.constant 0 : index
        %get3A_631 = tpu.vector_load %arg10[%get3A_629, %get3A_630] {strides = array<i32>} : memref<256x64xf32, #tpu.memory_space<vmem>>, vector<16xf32>,
        %mul3A_632 = vector.broadcast %squeeze3A_624 : f32 to vector<16xf32>
        %mul3A_633 = arith.mulf %get3A_631, %mul3A_632 : vector<16xf32>
        %mul3A_634 = vector.broadcast %squeeze3A_626 : f32 to vector<16xf32>
        %mul3A_635 = arith.mulf %get3A_3, %mul3A_634 : vector<16xf32>
        %add3A_636 = arith.addf %mul3A_633, %mul3A_635 : vector<16xf32>
        %add3A_637 = arith.constant 8 : i32
        %add3A_638 = arith.addi %add3A_113, %add3A_637 : i32
        %swap3A_639 = arith.index_cast %add3A_638 : i32 to index
        %swap3A_640 = arith.constant 0 : index
        %swap3A_641 = tpu.vector_load %arg10[%swap3A_639, %swap3A_640] {strides = array<i32>} : memref<256x64xf32, #tpu.memory_space<vmem>>, vector<16xf32>,
        tpu.vector_store %arg10[%swap3A_639, %swap3A_640], %add3A_636 {strides = array<i32>} : memref<256x64xf32, #tpu.memory_space<vmem>>, vector<16xf32>,
        %add3A_642 = arith.constant 8 : i32
        %add3A_643 = arith.addi %add3A_113, %add3A_642 : i32
        %get3A_644 = arith.index_cast %add3A_643 : i32 to index
        %get3A_645 = arith.constant 16 : index
        %get3A_646 = tpu.vector_load %arg10[%get3A_644, %get3A_645] {strides = array<i32>} : memref<256x64xf32, #tpu.memory_space<vmem>>, vector<16xf32>,
        %mul3A_647 = vector.broadcast %squeeze3A_624 : f32 to vector<16xf32>
        %mul3A_648 = arith.mulf %get3A_646, %mul3A_647 : vector<16xf32>
        %mul3A_649 = vector.broadcast %squeeze3A_626 : f32 to vector<16xf32>
        %mul3A_650 = arith.mulf %get3A_7, %mul3A_649 : vector<16xf32>
        %add3A_651 = arith.addf %mul3A_648, %mul3A_650 : vector<16xf32>
        %add3A_652 = arith.constant 8 : i32
        %add3A_653 = arith.addi %add3A_113, %add3A_652 : i32
        %swap3A_654 = arith.index_cast %add3A_653 : i32 to index
        %swap3A_655 = arith.constant 16 : index
        %swap3A_656 = tpu.vector_load %arg10[%swap3A_654, %swap3A_655] {strides = array<i32>} : memref<256x64xf32, #tpu.memory_space<vmem>>, vector<16xf32>,
        tpu.vector_store %arg10[%swap3A_654, %swap3A_655], %add3A_651 {strides = array<i32>} : memref<256x64xf32, #tpu.memory_space<vmem>>, vector<16xf32>,
        %add3A_657 = arith.constant 8 : i32
        %add3A_658 = arith.addi %add3A_113, %add3A_657 : i32
        %get3A_659 = arith.index_cast %add3A_658 : i32 to index
        %get3A_660 = arith.constant 32 : index
        %get3A_661 = tpu.vector_load %arg10[%get3A_659, %get3A_660] {strides = array<i32>} : memref<256x64xf32, #tpu.memory_space<vmem>>, vector<16xf32>,
        %mul3A_662 = vector.broadcast %squeeze3A_624 : f32 to vector<16xf32>
        %mul3A_663 = arith.mulf %get3A_661, %mul3A_662 : vector<16xf32>
        %mul3A_664 = vector.broadcast %squeeze3A_626 : f32 to vector<16xf32>
        %mul3A_665 = arith.mulf %get3A_11, %mul3A_664 : vector<16xf32>
        %add3A_666 = arith.addf %mul3A_663, %mul3A_665 : vector<16xf32>
        %add3A_667 = arith.constant 8 : i32
        %add3A_668 = arith.addi %add3A_113, %add3A_667 : i32
        %swap3A_669 = arith.index_cast %add3A_668 : i32 to index
        %swap3A_670 = arith.constant 32 : index
        %swap3A_671 = tpu.vector_load %arg10[%swap3A_669, %swap3A_670] {strides = array<i32>} : memref<256x64xf32, #tpu.memory_space<vmem>>, vector<16xf32>,
        tpu.vector_store %arg10[%swap3A_669, %swap3A_670], %add3A_666 {strides = array<i32>} : memref<256x64xf32, #tpu.memory_space<vmem>>, vector<16xf32>,
        %add3A_672 = arith.constant 8 : i32
        %add3A_673 = arith.addi %add3A_113, %add3A_672 : i32
        %get3A_674 = arith.index_cast %add3A_673 : i32 to index
        %get3A_675 = arith.constant 48 : index
        %get3A_676 = tpu.vector_load %arg10[%get3A_674, %get3A_675] {strides = array<i32>} : memref<256x64xf32, #tpu.memory_space<vmem>>, vector<16xf32>,
        %mul3A_677 = vector.broadcast %squeeze3A_624 : f32 to vector<16xf32>
        %mul3A_678 = arith.mulf %get3A_676, %mul3A_677 : vector<16xf32>
        %mul3A_679 = vector.broadcast %squeeze3A_626 : f32 to vector<16xf32>
        %mul3A_680 = arith.mulf %get3A_15, %mul3A_679 : vector<16xf32>
        %add3A_681 = arith.addf %mul3A_678, %mul3A_680 : vector<16xf32>
        %add3A_682 = arith.constant 8 : i32
        %add3A_683 = arith.addi %add3A_113, %add3A_682 : i32
        %swap3A_684 = arith.index_cast %add3A_683 : i32 to index
        %swap3A_685 = arith.constant 48 : index
        %swap3A_686 = tpu.vector_load %arg10[%swap3A_684, %swap3A_685] {strides = array<i32>} : memref<256x64xf32, #tpu.memory_space<vmem>>, vector<16xf32>,
        tpu.vector_store %arg10[%swap3A_684, %swap3A_685], %add3A_681 {strides = array<i32>} : memref<256x64xf32, #tpu.memory_space<vmem>>, vector<16xf32>,
        %slice3A_687 = vector.extract_strided_slice %convert_element_type3A_105 {offsets = [9], sizes = [1], strides = [1]} : vector<16xf32> to vector<1xf32>
        %squeeze3A_688 = vector.extract %slice3A_687[0] : f32 from vector<1xf32>
        %slice3A_689 = vector.extract_strided_slice %convert_element_type3A_109 {offsets = [9], sizes = [1], strides = [1]} : vector<16xf32> to vector<1xf32>
        %squeeze3A_690 = vector.extract %slice3A_689[0] : f32 from vector<1xf32>
        %add3A_691 = arith.constant 9 : i32
        %add3A_692 = arith.addi %add3A_113, %add3A_691 : i32
        %get3A_693 = arith.index_cast %add3A_692 : i32 to index
        %get3A_694 = arith.constant 0 : index
        %get3A_695 = tpu.vector_load %arg10[%get3A_693, %get3A_694] {strides = array<i32>} : memref<256x64xf32, #tpu.memory_space<vmem>>, vector<16xf32>,
        %mul3A_696 = vector.broadcast %squeeze3A_688 : f32 to vector<16xf32>
        %mul3A_697 = arith.mulf %get3A_695, %mul3A_696 : vector<16xf32>
        %mul3A_698 = vector.broadcast %squeeze3A_690 : f32 to vector<16xf32>
        %mul3A_699 = arith.mulf %get3A_3, %mul3A_698 : vector<16xf32>
        %add3A_700 = arith.addf %mul3A_697, %mul3A_699 : vector<16xf32>
        %add3A_701 = arith.constant 9 : i32
        %add3A_702 = arith.addi %add3A_113, %add3A_701 : i32
        %swap3A_703 = arith.index_cast %add3A_702 : i32 to index
        %swap3A_704 = arith.constant 0 : index
        %swap3A_705 = tpu.vector_load %arg10[%swap3A_703, %swap3A_704] {strides = array<i32>} : memref<256x64xf32, #tpu.memory_space<vmem>>, vector<16xf32>,
        tpu.vector_store %arg10[%swap3A_703, %swap3A_704], %add3A_700 {strides = array<i32>} : memref<256x64xf32, #tpu.memory_space<vmem>>, vector<16xf32>,
        %add3A_706 = arith.constant 9 : i32
        %add3A_707 = arith.addi %add3A_113, %add3A_706 : i32
        %get3A_708 = arith.index_cast %add3A_707 : i32 to index
        %get3A_709 = arith.constant 16 : index
        %get3A_710 = tpu.vector_load %arg10[%get3A_708, %get3A_709] {strides = array<i32>} : memref<256x64xf32, #tpu.memory_space<vmem>>, vector<16xf32>,
        %mul3A_711 = vector.broadcast %squeeze3A_688 : f32 to vector<16xf32>
        %mul3A_712 = arith.mulf %get3A_710, %mul3A_711 : vector<16xf32>
        %mul3A_713 = vector.broadcast %squeeze3A_690 : f32 to vector<16xf32>
        %mul3A_714 = arith.mulf %get3A_7, %mul3A_713 : vector<16xf32>
        %add3A_715 = arith.addf %mul3A_712, %mul3A_714 : vector<16xf32>
        %add3A_716 = arith.constant 9 : i32
        %add3A_717 = arith.addi %add3A_113, %add3A_716 : i32
        %swap3A_718 = arith.index_cast %add3A_717 : i32 to index
        %swap3A_719 = arith.constant 16 : index
        %swap3A_720 = tpu.vector_load %arg10[%swap3A_718, %swap3A_719] {strides = array<i32>} : memref<256x64xf32, #tpu.memory_space<vmem>>, vector<16xf32>,
        tpu.vector_store %arg10[%swap3A_718, %swap3A_719], %add3A_715 {strides = array<i32>} : memref<256x64xf32, #tpu.memory_space<vmem>>, vector<16xf32>,
        %add3A_721 = arith.constant 9 : i32
        %add3A_722 = arith.addi %add3A_113, %add3A_721 : i32
        %get3A_723 = arith.index_cast %add3A_722 : i32 to index
        %get3A_724 = arith.constant 32 : index
        %get3A_725 = tpu.vector_load %arg10[%get3A_723, %get3A_724] {strides = array<i32>} : memref<256x64xf32, #tpu.memory_space<vmem>>, vector<16xf32>,
        %mul3A_726 = vector.broadcast %squeeze3A_688 : f32 to vector<16xf32>
        %mul3A_727 = arith.mulf %get3A_725, %mul3A_726 : vector<16xf32>
        %mul3A_728 = vector.broadcast %squeeze3A_690 : f32 to vector<16xf32>
        %mul3A_729 = arith.mulf %get3A_11, %mul3A_728 : vector<16xf32>
        %add3A_730 = arith.addf %mul3A_727, %mul3A_729 : vector<16xf32>
        %add3A_731 = arith.constant 9 : i32
        %add3A_732 = arith.addi %add3A_113, %add3A_731 : i32
        %swap3A_733 = arith.index_cast %add3A_732 : i32 to index
        %swap3A_734 = arith.constant 32 : index
        %swap3A_735 = tpu.vector_load %arg10[%swap3A_733, %swap3A_734] {strides = array<i32>} : memref<256x64xf32, #tpu.memory_space<vmem>>, vector<16xf32>,
        tpu.vector_store %arg10[%swap3A_733, %swap3A_734], %add3A_730 {strides = array<i32>} : memref<256x64xf32, #tpu.memory_space<vmem>>, vector<16xf32>,
        %add3A_736 = arith.constant 9 : i32
        %add3A_737 = arith.addi %add3A_113, %add3A_736 : i32
        %get3A_738 = arith.index_cast %add3A_737 : i32 to index
        %get3A_739 = arith.constant 48 : index
        %get3A_740 = tpu.vector_load %arg10[%get3A_738, %get3A_739] {strides = array<i32>} : memref<256x64xf32, #tpu.memory_space<vmem>>, vector<16xf32>,
        %mul3A_741 = vector.broadcast %squeeze3A_688 : f32 to vector<16xf32>
        %mul3A_742 = arith.mulf %get3A_740, %mul3A_741 : vector<16xf32>
        %mul3A_743 = vector.broadcast %squeeze3A_690 : f32 to vector<16xf32>
        %mul3A_744 = arith.mulf %get3A_15, %mul3A_743 : vector<16xf32>
        %add3A_745 = arith.addf %mul3A_742, %mul3A_744 : vector<16xf32>
        %add3A_746 = arith.constant 9 : i32
        %add3A_747 = arith.addi %add3A_113, %add3A_746 : i32
        %swap3A_748 = arith.index_cast %add3A_747 : i32 to index
        %swap3A_749 = arith.constant 48 : index
        %swap3A_750 = tpu.vector_load %arg10[%swap3A_748, %swap3A_749] {strides = array<i32>} : memref<256x64xf32, #tpu.memory_space<vmem>>, vector<16xf32>,
        tpu.vector_store %arg10[%swap3A_748, %swap3A_749], %add3A_745 {strides = array<i32>} : memref<256x64xf32, #tpu.memory_space<vmem>>, vector<16xf32>,
        %slice3A_751 = vector.extract_strided_slice %convert_element_type3A_105 {offsets = [10], sizes = [1], strides = [1]} : vector<16xf32> to vector<1xf32>
        %squeeze3A_752 = vector.extract %slice3A_751[0] : f32 from vector<1xf32>
        %slice3A_753 = vector.extract_strided_slice %convert_element_type3A_109 {offsets = [10], sizes = [1], strides = [1]} : vector<16xf32> to vector<1xf32>
        %squeeze3A_754 = vector.extract %slice3A_753[0] : f32 from vector<1xf32>
        %add3A_755 = arith.constant 10 : i32
        %add3A_756 = arith.addi %add3A_113, %add3A_755 : i32
        %get3A_757 = arith.index_cast %add3A_756 : i32 to index
        %get3A_758 = arith.constant 0 : index
        %get3A_759 = tpu.vector_load %arg10[%get3A_757, %get3A_758] {strides = array<i32>} : memref<256x64xf32, #tpu.memory_space<vmem>>, vector<16xf32>,
        %mul3A_760 = vector.broadcast %squeeze3A_752 : f32 to vector<16xf32>
        %mul3A_761 = arith.mulf %get3A_759, %mul3A_760 : vector<16xf32>
        %mul3A_762 = vector.broadcast %squeeze3A_754 : f32 to vector<16xf32>
        %mul3A_763 = arith.mulf %get3A_3, %mul3A_762 : vector<16xf32>
        %add3A_764 = arith.addf %mul3A_761, %mul3A_763 : vector<16xf32>
        %add3A_765 = arith.constant 10 : i32
        %add3A_766 = arith.addi %add3A_113, %add3A_765 : i32
        %swap3A_767 = arith.index_cast %add3A_766 : i32 to index
        %swap3A_768 = arith.constant 0 : index
        %swap3A_769 = tpu.vector_load %arg10[%swap3A_767, %swap3A_768] {strides = array<i32>} : memref<256x64xf32, #tpu.memory_space<vmem>>, vector<16xf32>,
        tpu.vector_store %arg10[%swap3A_767, %swap3A_768], %add3A_764 {strides = array<i32>} : memref<256x64xf32, #tpu.memory_space<vmem>>, vector<16xf32>,
        %add3A_770 = arith.constant 10 : i32
        %add3A_771 = arith.addi %add3A_113, %add3A_770 : i32
        %get3A_772 = arith.index_cast %add3A_771 : i32 to index
        %get3A_773 = arith.constant 16 : index
        %get3A_774 = tpu.vector_load %arg10[%get3A_772, %get3A_773] {strides = array<i32>} : memref<256x64xf32, #tpu.memory_space<vmem>>, vector<16xf32>,
        %mul3A_775 = vector.broadcast %squeeze3A_752 : f32 to vector<16xf32>
        %mul3A_776 = arith.mulf %get3A_774, %mul3A_775 : vector<16xf32>
        %mul3A_777 = vector.broadcast %squeeze3A_754 : f32 to vector<16xf32>
        %mul3A_778 = arith.mulf %get3A_7, %mul3A_777 : vector<16xf32>
        %add3A_779 = arith.addf %mul3A_776, %mul3A_778 : vector<16xf32>
        %add3A_780 = arith.constant 10 : i32
        %add3A_781 = arith.addi %add3A_113, %add3A_780 : i32
        %swap3A_782 = arith.index_cast %add3A_781 : i32 to index
        %swap3A_783 = arith.constant 16 : index
        %swap3A_784 = tpu.vector_load %arg10[%swap3A_782, %swap3A_783] {strides = array<i32>} : memref<256x64xf32, #tpu.memory_space<vmem>>, vector<16xf32>,
        tpu.vector_store %arg10[%swap3A_782, %swap3A_783], %add3A_779 {strides = array<i32>} : memref<256x64xf32, #tpu.memory_space<vmem>>, vector<16xf32>,
        %add3A_785 = arith.constant 10 : i32
        %add3A_786 = arith.addi %add3A_113, %add3A_785 : i32
        %get3A_787 = arith.index_cast %add3A_786 : i32 to index
        %get3A_788 = arith.constant 32 : index
        %get3A_789 = tpu.vector_load %arg10[%get3A_787, %get3A_788] {strides = array<i32>} : memref<256x64xf32, #tpu.memory_space<vmem>>, vector<16xf32>,
        %mul3A_790 = vector.broadcast %squeeze3A_752 : f32 to vector<16xf32>
        %mul3A_791 = arith.mulf %get3A_789, %mul3A_790 : vector<16xf32>
        %mul3A_792 = vector.broadcast %squeeze3A_754 : f32 to vector<16xf32>
        %mul3A_793 = arith.mulf %get3A_11, %mul3A_792 : vector<16xf32>
        %add3A_794 = arith.addf %mul3A_791, %mul3A_793 : vector<16xf32>
        %add3A_795 = arith.constant 10 : i32
        %add3A_796 = arith.addi %add3A_113, %add3A_795 : i32
        %swap3A_797 = arith.index_cast %add3A_796 : i32 to index
        %swap3A_798 = arith.constant 32 : index
        %swap3A_799 = tpu.vector_load %arg10[%swap3A_797, %swap3A_798] {strides = array<i32>} : memref<256x64xf32, #tpu.memory_space<vmem>>, vector<16xf32>,
        tpu.vector_store %arg10[%swap3A_797, %swap3A_798], %add3A_794 {strides = array<i32>} : memref<256x64xf32, #tpu.memory_space<vmem>>, vector<16xf32>,
        %add3A_800 = arith.constant 10 : i32
        %add3A_801 = arith.addi %add3A_113, %add3A_800 : i32
        %get3A_802 = arith.index_cast %add3A_801 : i32 to index
        %get3A_803 = arith.constant 48 : index
        %get3A_804 = tpu.vector_load %arg10[%get3A_802, %get3A_803] {strides = array<i32>} : memref<256x64xf32, #tpu.memory_space<vmem>>, vector<16xf32>,
        %mul3A_805 = vector.broadcast %squeeze3A_752 : f32 to vector<16xf32>
        %mul3A_806 = arith.mulf %get3A_804, %mul3A_805 : vector<16xf32>
        %mul3A_807 = vector.broadcast %squeeze3A_754 : f32 to vector<16xf32>
        %mul3A_808 = arith.mulf %get3A_15, %mul3A_807 : vector<16xf32>
        %add3A_809 = arith.addf %mul3A_806, %mul3A_808 : vector<16xf32>
        %add3A_810 = arith.constant 10 : i32
        %add3A_811 = arith.addi %add3A_113, %add3A_810 : i32
        %swap3A_812 = arith.index_cast %add3A_811 : i32 to index
        %swap3A_813 = arith.constant 48 : index
        %swap3A_814 = tpu.vector_load %arg10[%swap3A_812, %swap3A_813] {strides = array<i32>} : memref<256x64xf32, #tpu.memory_space<vmem>>, vector<16xf32>,
        tpu.vector_store %arg10[%swap3A_812, %swap3A_813], %add3A_809 {strides = array<i32>} : memref<256x64xf32, #tpu.memory_space<vmem>>, vector<16xf32>,
        %slice3A_815 = vector.extract_strided_slice %convert_element_type3A_105 {offsets = [11], sizes = [1], strides = [1]} : vector<16xf32> to vector<1xf32>
        %squeeze3A_816 = vector.extract %slice3A_815[0] : f32 from vector<1xf32>
        %slice3A_817 = vector.extract_strided_slice %convert_element_type3A_109 {offsets = [11], sizes = [1], strides = [1]} : vector<16xf32> to vector<1xf32>
        %squeeze3A_818 = vector.extract %slice3A_817[0] : f32 from vector<1xf32>
        %add3A_819 = arith.constant 11 : i32
        %add3A_820 = arith.addi %add3A_113, %add3A_819 : i32
        %get3A_821 = arith.index_cast %add3A_820 : i32 to index
        %get3A_822 = arith.constant 0 : index
        %get3A_823 = tpu.vector_load %arg10[%get3A_821, %get3A_822] {strides = array<i32>} : memref<256x64xf32, #tpu.memory_space<vmem>>, vector<16xf32>,
        %mul3A_824 = vector.broadcast %squeeze3A_816 : f32 to vector<16xf32>
        %mul3A_825 = arith.mulf %get3A_823, %mul3A_824 : vector<16xf32>
        %mul3A_826 = vector.broadcast %squeeze3A_818 : f32 to vector<16xf32>
        %mul3A_827 = arith.mulf %get3A_3, %mul3A_826 : vector<16xf32>
        %add3A_828 = arith.addf %mul3A_825, %mul3A_827 : vector<16xf32>
        %add3A_829 = arith.constant 11 : i32
        %add3A_830 = arith.addi %add3A_113, %add3A_829 : i32
        %swap3A_831 = arith.index_cast %add3A_830 : i32 to index
        %swap3A_832 = arith.constant 0 : index
        %swap3A_833 = tpu.vector_load %arg10[%swap3A_831, %swap3A_832] {strides = array<i32>} : memref<256x64xf32, #tpu.memory_space<vmem>>, vector<16xf32>,
        tpu.vector_store %arg10[%swap3A_831, %swap3A_832], %add3A_828 {strides = array<i32>} : memref<256x64xf32, #tpu.memory_space<vmem>>, vector<16xf32>,
        %add3A_834 = arith.constant 11 : i32
        %add3A_835 = arith.addi %add3A_113, %add3A_834 : i32
        %get3A_836 = arith.index_cast %add3A_835 : i32 to index
        %get3A_837 = arith.constant 16 : index
        %get3A_838 = tpu.vector_load %arg10[%get3A_836, %get3A_837] {strides = array<i32>} : memref<256x64xf32, #tpu.memory_space<vmem>>, vector<16xf32>,
        %mul3A_839 = vector.broadcast %squeeze3A_816 : f32 to vector<16xf32>
        %mul3A_840 = arith.mulf %get3A_838, %mul3A_839 : vector<16xf32>
        %mul3A_841 = vector.broadcast %squeeze3A_818 : f32 to vector<16xf32>
        %mul3A_842 = arith.mulf %get3A_7, %mul3A_841 : vector<16xf32>
        %add3A_843 = arith.addf %mul3A_840, %mul3A_842 : vector<16xf32>
        %add3A_844 = arith.constant 11 : i32
        %add3A_845 = arith.addi %add3A_113, %add3A_844 : i32
        %swap3A_846 = arith.index_cast %add3A_845 : i32 to index
        %swap3A_847 = arith.constant 16 : index
        %swap3A_848 = tpu.vector_load %arg10[%swap3A_846, %swap3A_847] {strides = array<i32>} : memref<256x64xf32, #tpu.memory_space<vmem>>, vector<16xf32>,
        tpu.vector_store %arg10[%swap3A_846, %swap3A_847], %add3A_843 {strides = array<i32>} : memref<256x64xf32, #tpu.memory_space<vmem>>, vector<16xf32>,
        %add3A_849 = arith.constant 11 : i32
        %add3A_850 = arith.addi %add3A_113, %add3A_849 : i32
        %get3A_851 = arith.index_cast %add3A_850 : i32 to index
        %get3A_852 = arith.constant 32 : index
        %get3A_853 = tpu.vector_load %arg10[%get3A_851, %get3A_852] {strides = array<i32>} : memref<256x64xf32, #tpu.memory_space<vmem>>, vector<16xf32>,
        %mul3A_854 = vector.broadcast %squeeze3A_816 : f32 to vector<16xf32>
        %mul3A_855 = arith.mulf %get3A_853, %mul3A_854 : vector<16xf32>
        %mul3A_856 = vector.broadcast %squeeze3A_818 : f32 to vector<16xf32>
        %mul3A_857 = arith.mulf %get3A_11, %mul3A_856 : vector<16xf32>
        %add3A_858 = arith.addf %mul3A_855, %mul3A_857 : vector<16xf32>
        %add3A_859 = arith.constant 11 : i32
        %add3A_860 = arith.addi %add3A_113, %add3A_859 : i32
        %swap3A_861 = arith.index_cast %add3A_860 : i32 to index
        %swap3A_862 = arith.constant 32 : index
        %swap3A_863 = tpu.vector_load %arg10[%swap3A_861, %swap3A_862] {strides = array<i32>} : memref<256x64xf32, #tpu.memory_space<vmem>>, vector<16xf32>,
        tpu.vector_store %arg10[%swap3A_861, %swap3A_862], %add3A_858 {strides = array<i32>} : memref<256x64xf32, #tpu.memory_space<vmem>>, vector<16xf32>,
        %add3A_864 = arith.constant 11 : i32
        %add3A_865 = arith.addi %add3A_113, %add3A_864 : i32
        %get3A_866 = arith.index_cast %add3A_865 : i32 to index
        %get3A_867 = arith.constant 48 : index
        %get3A_868 = tpu.vector_load %arg10[%get3A_866, %get3A_867] {strides = array<i32>} : memref<256x64xf32, #tpu.memory_space<vmem>>, vector<16xf32>,
        %mul3A_869 = vector.broadcast %squeeze3A_816 : f32 to vector<16xf32>
        %mul3A_870 = arith.mulf %get3A_868, %mul3A_869 : vector<16xf32>
        %mul3A_871 = vector.broadcast %squeeze3A_818 : f32 to vector<16xf32>
        %mul3A_872 = arith.mulf %get3A_15, %mul3A_871 : vector<16xf32>
        %add3A_873 = arith.addf %mul3A_870, %mul3A_872 : vector<16xf32>
        %add3A_874 = arith.constant 11 : i32
        %add3A_875 = arith.addi %add3A_113, %add3A_874 : i32
        %swap3A_876 = arith.index_cast %add3A_875 : i32 to index
        %swap3A_877 = arith.constant 48 : index
        %swap3A_878 = tpu.vector_load %arg10[%swap3A_876, %swap3A_877] {strides = array<i32>} : memref<256x64xf32, #tpu.memory_space<vmem>>, vector<16xf32>,
        tpu.vector_store %arg10[%swap3A_876, %swap3A_877], %add3A_873 {strides = array<i32>} : memref<256x64xf32, #tpu.memory_space<vmem>>, vector<16xf32>,
        %slice3A_879 = vector.extract_strided_slice %convert_element_type3A_105 {offsets = [12], sizes = [1], strides = [1]} : vector<16xf32> to vector<1xf32>
        %squeeze3A_880 = vector.extract %slice3A_879[0] : f32 from vector<1xf32>
        %slice3A_881 = vector.extract_strided_slice %convert_element_type3A_109 {offsets = [12], sizes = [1], strides = [1]} : vector<16xf32> to vector<1xf32>
        %squeeze3A_882 = vector.extract %slice3A_881[0] : f32 from vector<1xf32>
        %add3A_883 = arith.constant 12 : i32
        %add3A_884 = arith.addi %add3A_113, %add3A_883 : i32
        %get3A_885 = arith.index_cast %add3A_884 : i32 to index
        %get3A_886 = arith.constant 0 : index
        %get3A_887 = tpu.vector_load %arg10[%get3A_885, %get3A_886] {strides = array<i32>} : memref<256x64xf32, #tpu.memory_space<vmem>>, vector<16xf32>,
        %mul3A_888 = vector.broadcast %squeeze3A_880 : f32 to vector<16xf32>
        %mul3A_889 = arith.mulf %get3A_887, %mul3A_888 : vector<16xf32>
        %mul3A_890 = vector.broadcast %squeeze3A_882 : f32 to vector<16xf32>
        %mul3A_891 = arith.mulf %get3A_3, %mul3A_890 : vector<16xf32>
        %add3A_892 = arith.addf %mul3A_889, %mul3A_891 : vector<16xf32>
        %add3A_893 = arith.constant 12 : i32
        %add3A_894 = arith.addi %add3A_113, %add3A_893 : i32
        %swap3A_895 = arith.index_cast %add3A_894 : i32 to index
        %swap3A_896 = arith.constant 0 : index
        %swap3A_897 = tpu.vector_load %arg10[%swap3A_895, %swap3A_896] {strides = array<i32>} : memref<256x64xf32, #tpu.memory_space<vmem>>, vector<16xf32>,
        tpu.vector_store %arg10[%swap3A_895, %swap3A_896], %add3A_892 {strides = array<i32>} : memref<256x64xf32, #tpu.memory_space<vmem>>, vector<16xf32>,
        %add3A_898 = arith.constant 12 : i32
        %add3A_899 = arith.addi %add3A_113, %add3A_898 : i32
        %get3A_900 = arith.index_cast %add3A_899 : i32 to index
        %get3A_901 = arith.constant 16 : index
        %get3A_902 = tpu.vector_load %arg10[%get3A_900, %get3A_901] {strides = array<i32>} : memref<256x64xf32, #tpu.memory_space<vmem>>, vector<16xf32>,
        %mul3A_903 = vector.broadcast %squeeze3A_880 : f32 to vector<16xf32>
        %mul3A_904 = arith.mulf %get3A_902, %mul3A_903 : vector<16xf32>
        %mul3A_905 = vector.broadcast %squeeze3A_882 : f32 to vector<16xf32>
        %mul3A_906 = arith.mulf %get3A_7, %mul3A_905 : vector<16xf32>
        %add3A_907 = arith.addf %mul3A_904, %mul3A_906 : vector<16xf32>
        %add3A_908 = arith.constant 12 : i32
        %add3A_909 = arith.addi %add3A_113, %add3A_908 : i32
        %swap3A_910 = arith.index_cast %add3A_909 : i32 to index
        %swap3A_911 = arith.constant 16 : index
        %swap3A_912 = tpu.vector_load %arg10[%swap3A_910, %swap3A_911] {strides = array<i32>} : memref<256x64xf32, #tpu.memory_space<vmem>>, vector<16xf32>,
        tpu.vector_store %arg10[%swap3A_910, %swap3A_911], %add3A_907 {strides = array<i32>} : memref<256x64xf32, #tpu.memory_space<vmem>>, vector<16xf32>,
        %add3A_913 = arith.constant 12 : i32
        %add3A_914 = arith.addi %add3A_113, %add3A_913 : i32
        %get3A_915 = arith.index_cast %add3A_914 : i32 to index
        %get3A_916 = arith.constant 32 : index
        %get3A_917 = tpu.vector_load %arg10[%get3A_915, %get3A_916] {strides = array<i32>} : memref<256x64xf32, #tpu.memory_space<vmem>>, vector<16xf32>,
        %mul3A_918 = vector.broadcast %squeeze3A_880 : f32 to vector<16xf32>
        %mul3A_919 = arith.mulf %get3A_917, %mul3A_918 : vector<16xf32>
        %mul3A_920 = vector.broadcast %squeeze3A_882 : f32 to vector<16xf32>
        %mul3A_921 = arith.mulf %get3A_11, %mul3A_920 : vector<16xf32>
        %add3A_922 = arith.addf %mul3A_919, %mul3A_921 : vector<16xf32>
        %add3A_923 = arith.constant 12 : i32
        %add3A_924 = arith.addi %add3A_113, %add3A_923 : i32
        %swap3A_925 = arith.index_cast %add3A_924 : i32 to index
        %swap3A_926 = arith.constant 32 : index
        %swap3A_927 = tpu.vector_load %arg10[%swap3A_925, %swap3A_926] {strides = array<i32>} : memref<256x64xf32, #tpu.memory_space<vmem>>, vector<16xf32>,
        tpu.vector_store %arg10[%swap3A_925, %swap3A_926], %add3A_922 {strides = array<i32>} : memref<256x64xf32, #tpu.memory_space<vmem>>, vector<16xf32>,
        %add3A_928 = arith.constant 12 : i32
        %add3A_929 = arith.addi %add3A_113, %add3A_928 : i32
        %get3A_930 = arith.index_cast %add3A_929 : i32 to index
        %get3A_931 = arith.constant 48 : index
        %get3A_932 = tpu.vector_load %arg10[%get3A_930, %get3A_931] {strides = array<i32>} : memref<256x64xf32, #tpu.memory_space<vmem>>, vector<16xf32>,
        %mul3A_933 = vector.broadcast %squeeze3A_880 : f32 to vector<16xf32>
        %mul3A_934 = arith.mulf %get3A_932, %mul3A_933 : vector<16xf32>
        %mul3A_935 = vector.broadcast %squeeze3A_882 : f32 to vector<16xf32>
        %mul3A_936 = arith.mulf %get3A_15, %mul3A_935 : vector<16xf32>
        %add3A_937 = arith.addf %mul3A_934, %mul3A_936 : vector<16xf32>
        %add3A_938 = arith.constant 12 : i32
        %add3A_939 = arith.addi %add3A_113, %add3A_938 : i32
        %swap3A_940 = arith.index_cast %add3A_939 : i32 to index
        %swap3A_941 = arith.constant 48 : index
        %swap3A_942 = tpu.vector_load %arg10[%swap3A_940, %swap3A_941] {strides = array<i32>} : memref<256x64xf32, #tpu.memory_space<vmem>>, vector<16xf32>,
        tpu.vector_store %arg10[%swap3A_940, %swap3A_941], %add3A_937 {strides = array<i32>} : memref<256x64xf32, #tpu.memory_space<vmem>>, vector<16xf32>,
        %slice3A_943 = vector.extract_strided_slice %convert_element_type3A_105 {offsets = [13], sizes = [1], strides = [1]} : vector<16xf32> to vector<1xf32>
        %squeeze3A_944 = vector.extract %slice3A_943[0] : f32 from vector<1xf32>
        %slice3A_945 = vector.extract_strided_slice %convert_element_type3A_109 {offsets = [13], sizes = [1], strides = [1]} : vector<16xf32> to vector<1xf32>
        %squeeze3A_946 = vector.extract %slice3A_945[0] : f32 from vector<1xf32>
        %add3A_947 = arith.constant 13 : i32
        %add3A_948 = arith.addi %add3A_113, %add3A_947 : i32
        %get3A_949 = arith.index_cast %add3A_948 : i32 to index
        %get3A_950 = arith.constant 0 : index
        %get3A_951 = tpu.vector_load %arg10[%get3A_949, %get3A_950] {strides = array<i32>} : memref<256x64xf32, #tpu.memory_space<vmem>>, vector<16xf32>,
        %mul3A_952 = vector.broadcast %squeeze3A_944 : f32 to vector<16xf32>
        %mul3A_953 = arith.mulf %get3A_951, %mul3A_952 : vector<16xf32>
        %mul3A_954 = vector.broadcast %squeeze3A_946 : f32 to vector<16xf32>
        %mul3A_955 = arith.mulf %get3A_3, %mul3A_954 : vector<16xf32>
        %add3A_956 = arith.addf %mul3A_953, %mul3A_955 : vector<16xf32>
        %add3A_957 = arith.constant 13 : i32
        %add3A_958 = arith.addi %add3A_113, %add3A_957 : i32
        %swap3A_959 = arith.index_cast %add3A_958 : i32 to index
        %swap3A_960 = arith.constant 0 : index
        %swap3A_961 = tpu.vector_load %arg10[%swap3A_959, %swap3A_960] {strides = array<i32>} : memref<256x64xf32, #tpu.memory_space<vmem>>, vector<16xf32>,
        tpu.vector_store %arg10[%swap3A_959, %swap3A_960], %add3A_956 {strides = array<i32>} : memref<256x64xf32, #tpu.memory_space<vmem>>, vector<16xf32>,
        %add3A_962 = arith.constant 13 : i32
        %add3A_963 = arith.addi %add3A_113, %add3A_962 : i32
        %get3A_964 = arith.index_cast %add3A_963 : i32 to index
        %get3A_965 = arith.constant 16 : index
        %get3A_966 = tpu.vector_load %arg10[%get3A_964, %get3A_965] {strides = array<i32>} : memref<256x64xf32, #tpu.memory_space<vmem>>, vector<16xf32>,
        %mul3A_967 = vector.broadcast %squeeze3A_944 : f32 to vector<16xf32>
        %mul3A_968 = arith.mulf %get3A_966, %mul3A_967 : vector<16xf32>
        %mul3A_969 = vector.broadcast %squeeze3A_946 : f32 to vector<16xf32>
        %mul3A_970 = arith.mulf %get3A_7, %mul3A_969 : vector<16xf32>
        %add3A_971 = arith.addf %mul3A_968, %mul3A_970 : vector<16xf32>
        %add3A_972 = arith.constant 13 : i32
        %add3A_973 = arith.addi %add3A_113, %add3A_972 : i32
        %swap3A_974 = arith.index_cast %add3A_973 : i32 to index
        %swap3A_975 = arith.constant 16 : index
        %swap3A_976 = tpu.vector_load %arg10[%swap3A_974, %swap3A_975] {strides = array<i32>} : memref<256x64xf32, #tpu.memory_space<vmem>>, vector<16xf32>,
        tpu.vector_store %arg10[%swap3A_974, %swap3A_975], %add3A_971 {strides = array<i32>} : memref<256x64xf32, #tpu.memory_space<vmem>>, vector<16xf32>,
        %add3A_977 = arith.constant 13 : i32
        %add3A_978 = arith.addi %add3A_113, %add3A_977 : i32
        %get3A_979 = arith.index_cast %add3A_978 : i32 to index
        %get3A_980 = arith.constant 32 : index
        %get3A_981 = tpu.vector_load %arg10[%get3A_979, %get3A_980] {strides = array<i32>} : memref<256x64xf32, #tpu.memory_space<vmem>>, vector<16xf32>,
        %mul3A_982 = vector.broadcast %squeeze3A_944 : f32 to vector<16xf32>
        %mul3A_983 = arith.mulf %get3A_981, %mul3A_982 : vector<16xf32>
        %mul3A_984 = vector.broadcast %squeeze3A_946 : f32 to vector<16xf32>
        %mul3A_985 = arith.mulf %get3A_11, %mul3A_984 : vector<16xf32>
        %add3A_986 = arith.addf %mul3A_983, %mul3A_985 : vector<16xf32>
        %add3A_987 = arith.constant 13 : i32
        %add3A_988 = arith.addi %add3A_113, %add3A_987 : i32
        %swap3A_989 = arith.index_cast %add3A_988 : i32 to index
        %swap3A_990 = arith.constant 32 : index
        %swap3A_991 = tpu.vector_load %arg10[%swap3A_989, %swap3A_990] {strides = array<i32>} : memref<256x64xf32, #tpu.memory_space<vmem>>, vector<16xf32>,
        tpu.vector_store %arg10[%swap3A_989, %swap3A_990], %add3A_986 {strides = array<i32>} : memref<256x64xf32, #tpu.memory_space<vmem>>, vector<16xf32>,
        %add3A_992 = arith.constant 13 : i32
        %add3A_993 = arith.addi %add3A_113, %add3A_992 : i32
        %get3A_994 = arith.index_cast %add3A_993 : i32 to index
        %get3A_995 = arith.constant 48 : index
        %get3A_996 = tpu.vector_load %arg10[%get3A_994, %get3A_995] {strides = array<i32>} : memref<256x64xf32, #tpu.memory_space<vmem>>, vector<16xf32>,
        %mul3A_997 = vector.broadcast %squeeze3A_944 : f32 to vector<16xf32>
        %mul3A_998 = arith.mulf %get3A_996, %mul3A_997 : vector<16xf32>
        %mul3A_999 = vector.broadcast %squeeze3A_946 : f32 to vector<16xf32>
        %mul3A_1000 = arith.mulf %get3A_15, %mul3A_999 : vector<16xf32>
        %add3A_1001 = arith.addf %mul3A_998, %mul3A_1000 : vector<16xf32>
        %add3A_1002 = arith.constant 13 : i32
        %add3A_1003 = arith.addi %add3A_113, %add3A_1002 : i32
        %swap3A_1004 = arith.index_cast %add3A_1003 : i32 to index
        %swap3A_1005 = arith.constant 48 : index
        %swap3A_1006 = tpu.vector_load %arg10[%swap3A_1004, %swap3A_1005] {strides = array<i32>} : memref<256x64xf32, #tpu.memory_space<vmem>>, vector<16xf32>,
        tpu.vector_store %arg10[%swap3A_1004, %swap3A_1005], %add3A_1001 {strides = array<i32>} : memref<256x64xf32, #tpu.memory_space<vmem>>, vector<16xf32>,
        %slice3A_1007 = vector.extract_strided_slice %convert_element_type3A_105 {offsets = [14], sizes = [1], strides = [1]} : vector<16xf32> to vector<1xf32>
        %squeeze3A_1008 = vector.extract %slice3A_1007[0] : f32 from vector<1xf32>
        %slice3A_1009 = vector.extract_strided_slice %convert_element_type3A_109 {offsets = [14], sizes = [1], strides = [1]} : vector<16xf32> to vector<1xf32>
        %squeeze3A_1010 = vector.extract %slice3A_1009[0] : f32 from vector<1xf32>
        %add3A_1011 = arith.constant 14 : i32
        %add3A_1012 = arith.addi %add3A_113, %add3A_1011 : i32
        %get3A_1013 = arith.index_cast %add3A_1012 : i32 to index
        %get3A_1014 = arith.constant 0 : index
        %get3A_1015 = tpu.vector_load %arg10[%get3A_1013, %get3A_1014] {strides = array<i32>} : memref<256x64xf32, #tpu.memory_space<vmem>>, vector<16xf32>,
        %mul3A_1016 = vector.broadcast %squeeze3A_1008 : f32 to vector<16xf32>
        %mul3A_1017 = arith.mulf %get3A_1015, %mul3A_1016 : vector<16xf32>
        %mul3A_1018 = vector.broadcast %squeeze3A_1010 : f32 to vector<16xf32>
        %mul3A_1019 = arith.mulf %get3A_3, %mul3A_1018 : vector<16xf32>
        %add3A_1020 = arith.addf %mul3A_1017, %mul3A_1019 : vector<16xf32>
        %add3A_1021 = arith.constant 14 : i32
        %add3A_1022 = arith.addi %add3A_113, %add3A_1021 : i32
        %swap3A_1023 = arith.index_cast %add3A_1022 : i32 to index
        %swap3A_1024 = arith.constant 0 : index
        %swap3A_1025 = tpu.vector_load %arg10[%swap3A_1023, %swap3A_1024] {strides = array<i32>} : memref<256x64xf32, #tpu.memory_space<vmem>>, vector<16xf32>,
        tpu.vector_store %arg10[%swap3A_1023, %swap3A_1024], %add3A_1020 {strides = array<i32>} : memref<256x64xf32, #tpu.memory_space<vmem>>, vector<16xf32>,
        %add3A_1026 = arith.constant 14 : i32
        %add3A_1027 = arith.addi %add3A_113, %add3A_1026 : i32
        %get3A_1028 = arith.index_cast %add3A_1027 : i32 to index
        %get3A_1029 = arith.constant 16 : index
        %get3A_1030 = tpu.vector_load %arg10[%get3A_1028, %get3A_1029] {strides = array<i32>} : memref<256x64xf32, #tpu.memory_space<vmem>>, vector<16xf32>,
        %mul3A_1031 = vector.broadcast %squeeze3A_1008 : f32 to vector<16xf32>
        %mul3A_1032 = arith.mulf %get3A_1030, %mul3A_1031 : vector<16xf32>
        %mul3A_1033 = vector.broadcast %squeeze3A_1010 : f32 to vector<16xf32>
        %mul3A_1034 = arith.mulf %get3A_7, %mul3A_1033 : vector<16xf32>
        %add3A_1035 = arith.addf %mul3A_1032, %mul3A_1034 : vector<16xf32>
        %add3A_1036 = arith.constant 14 : i32
        %add3A_1037 = arith.addi %add3A_113, %add3A_1036 : i32
        %swap3A_1038 = arith.index_cast %add3A_1037 : i32 to index
        %swap3A_1039 = arith.constant 16 : index
        %swap3A_1040 = tpu.vector_load %arg10[%swap3A_1038, %swap3A_1039] {strides = array<i32>} : memref<256x64xf32, #tpu.memory_space<vmem>>, vector<16xf32>,
        tpu.vector_store %arg10[%swap3A_1038, %swap3A_1039], %add3A_1035 {strides = array<i32>} : memref<256x64xf32, #tpu.memory_space<vmem>>, vector<16xf32>,
        %add3A_1041 = arith.constant 14 : i32
        %add3A_1042 = arith.addi %add3A_113, %add3A_1041 : i32
        %get3A_1043 = arith.index_cast %add3A_1042 : i32 to index
        %get3A_1044 = arith.constant 32 : index
        %get3A_1045 = tpu.vector_load %arg10[%get3A_1043, %get3A_1044] {strides = array<i32>} : memref<256x64xf32, #tpu.memory_space<vmem>>, vector<16xf32>,
        %mul3A_1046 = vector.broadcast %squeeze3A_1008 : f32 to vector<16xf32>
        %mul3A_1047 = arith.mulf %get3A_1045, %mul3A_1046 : vector<16xf32>
        %mul3A_1048 = vector.broadcast %squeeze3A_1010 : f32 to vector<16xf32>
        %mul3A_1049 = arith.mulf %get3A_11, %mul3A_1048 : vector<16xf32>
        %add3A_1050 = arith.addf %mul3A_1047, %mul3A_1049 : vector<16xf32>
        %add3A_1051 = arith.constant 14 : i32
        %add3A_1052 = arith.addi %add3A_113, %add3A_1051 : i32
        %swap3A_1053 = arith.index_cast %add3A_1052 : i32 to index
        %swap3A_1054 = arith.constant 32 : index
        %swap3A_1055 = tpu.vector_load %arg10[%swap3A_1053, %swap3A_1054] {strides = array<i32>} : memref<256x64xf32, #tpu.memory_space<vmem>>, vector<16xf32>,
        tpu.vector_store %arg10[%swap3A_1053, %swap3A_1054], %add3A_1050 {strides = array<i32>} : memref<256x64xf32, #tpu.memory_space<vmem>>, vector<16xf32>,
        %add3A_1056 = arith.constant 14 : i32
        %add3A_1057 = arith.addi %add3A_113, %add3A_1056 : i32
        %get3A_1058 = arith.index_cast %add3A_1057 : i32 to index
        %get3A_1059 = arith.constant 48 : index
        %get3A_1060 = tpu.vector_load %arg10[%get3A_1058, %get3A_1059] {strides = array<i32>} : memref<256x64xf32, #tpu.memory_space<vmem>>, vector<16xf32>,
        %mul3A_1061 = vector.broadcast %squeeze3A_1008 : f32 to vector<16xf32>
        %mul3A_1062 = arith.mulf %get3A_1060, %mul3A_1061 : vector<16xf32>
        %mul3A_1063 = vector.broadcast %squeeze3A_1010 : f32 to vector<16xf32>
        %mul3A_1064 = arith.mulf %get3A_15, %mul3A_1063 : vector<16xf32>
        %add3A_1065 = arith.addf %mul3A_1062, %mul3A_1064 : vector<16xf32>
        %add3A_1066 = arith.constant 14 : i32
        %add3A_1067 = arith.addi %add3A_113, %add3A_1066 : i32
        %swap3A_1068 = arith.index_cast %add3A_1067 : i32 to index
        %swap3A_1069 = arith.constant 48 : index
        %swap3A_1070 = tpu.vector_load %arg10[%swap3A_1068, %swap3A_1069] {strides = array<i32>} : memref<256x64xf32, #tpu.memory_space<vmem>>, vector<16xf32>,
        tpu.vector_store %arg10[%swap3A_1068, %swap3A_1069], %add3A_1065 {strides = array<i32>} : memref<256x64xf32, #tpu.memory_space<vmem>>, vector<16xf32>,
        %slice3A_1071 = vector.extract_strided_slice %convert_element_type3A_105 {offsets = [15], sizes = [1], strides = [1]} : vector<16xf32> to vector<1xf32>
        %squeeze3A_1072 = vector.extract %slice3A_1071[0] : f32 from vector<1xf32>
        %slice3A_1073 = vector.extract_strided_slice %convert_element_type3A_109 {offsets = [15], sizes = [1], strides = [1]} : vector<16xf32> to vector<1xf32>
        %squeeze3A_1074 = vector.extract %slice3A_1073[0] : f32 from vector<1xf32>
        %add3A_1075 = arith.constant 15 : i32
        %add3A_1076 = arith.addi %add3A_113, %add3A_1075 : i32
        %get3A_1077 = arith.index_cast %add3A_1076 : i32 to index
        %get3A_1078 = arith.constant 0 : index
        %get3A_1079 = tpu.vector_load %arg10[%get3A_1077, %get3A_1078] {strides = array<i32>} : memref<256x64xf32, #tpu.memory_space<vmem>>, vector<16xf32>,
        %mul3A_1080 = vector.broadcast %squeeze3A_1072 : f32 to vector<16xf32>
        %mul3A_1081 = arith.mulf %get3A_1079, %mul3A_1080 : vector<16xf32>
        %mul3A_1082 = vector.broadcast %squeeze3A_1074 : f32 to vector<16xf32>
        %mul3A_1083 = arith.mulf %get3A_3, %mul3A_1082 : vector<16xf32>
        %add3A_1084 = arith.addf %mul3A_1081, %mul3A_1083 : vector<16xf32>
        %add3A_1085 = arith.constant 15 : i32
        %add3A_1086 = arith.addi %add3A_113, %add3A_1085 : i32
        %swap3A_1087 = arith.index_cast %add3A_1086 : i32 to index
        %swap3A_1088 = arith.constant 0 : index
        %swap3A_1089 = tpu.vector_load %arg10[%swap3A_1087, %swap3A_1088] {strides = array<i32>} : memref<256x64xf32, #tpu.memory_space<vmem>>, vector<16xf32>,
        tpu.vector_store %arg10[%swap3A_1087, %swap3A_1088], %add3A_1084 {strides = array<i32>} : memref<256x64xf32, #tpu.memory_space<vmem>>, vector<16xf32>,
        %add3A_1090 = arith.constant 15 : i32
        %add3A_1091 = arith.addi %add3A_113, %add3A_1090 : i32
        %get3A_1092 = arith.index_cast %add3A_1091 : i32 to index
        %get3A_1093 = arith.constant 16 : index
        %get3A_1094 = tpu.vector_load %arg10[%get3A_1092, %get3A_1093] {strides = array<i32>} : memref<256x64xf32, #tpu.memory_space<vmem>>, vector<16xf32>,
        %mul3A_1095 = vector.broadcast %squeeze3A_1072 : f32 to vector<16xf32>
        %mul3A_1096 = arith.mulf %get3A_1094, %mul3A_1095 : vector<16xf32>
        %mul3A_1097 = vector.broadcast %squeeze3A_1074 : f32 to vector<16xf32>
        %mul3A_1098 = arith.mulf %get3A_7, %mul3A_1097 : vector<16xf32>
        %add3A_1099 = arith.addf %mul3A_1096, %mul3A_1098 : vector<16xf32>
        %add3A_1100 = arith.constant 15 : i32
        %add3A_1101 = arith.addi %add3A_113, %add3A_1100 : i32
        %swap3A_1102 = arith.index_cast %add3A_1101 : i32 to index
        %swap3A_1103 = arith.constant 16 : index
        %swap3A_1104 = tpu.vector_load %arg10[%swap3A_1102, %swap3A_1103] {strides = array<i32>} : memref<256x64xf32, #tpu.memory_space<vmem>>, vector<16xf32>,
        tpu.vector_store %arg10[%swap3A_1102, %swap3A_1103], %add3A_1099 {strides = array<i32>} : memref<256x64xf32, #tpu.memory_space<vmem>>, vector<16xf32>,
        %add3A_1105 = arith.constant 15 : i32
        %add3A_1106 = arith.addi %add3A_113, %add3A_1105 : i32
        %get3A_1107 = arith.index_cast %add3A_1106 : i32 to index
        %get3A_1108 = arith.constant 32 : index
        %get3A_1109 = tpu.vector_load %arg10[%get3A_1107, %get3A_1108] {strides = array<i32>} : memref<256x64xf32, #tpu.memory_space<vmem>>, vector<16xf32>,
        %mul3A_1110 = vector.broadcast %squeeze3A_1072 : f32 to vector<16xf32>
        %mul3A_1111 = arith.mulf %get3A_1109, %mul3A_1110 : vector<16xf32>
        %mul3A_1112 = vector.broadcast %squeeze3A_1074 : f32 to vector<16xf32>
        %mul3A_1113 = arith.mulf %get3A_11, %mul3A_1112 : vector<16xf32>
        %add3A_1114 = arith.addf %mul3A_1111, %mul3A_1113 : vector<16xf32>
        %add3A_1115 = arith.constant 15 : i32
        %add3A_1116 = arith.addi %add3A_113, %add3A_1115 : i32
        %swap3A_1117 = arith.index_cast %add3A_1116 : i32 to index
        %swap3A_1118 = arith.constant 32 : index
        %swap3A_1119 = tpu.vector_load %arg10[%swap3A_1117, %swap3A_1118] {strides = array<i32>} : memref<256x64xf32, #tpu.memory_space<vmem>>, vector<16xf32>,
        tpu.vector_store %arg10[%swap3A_1117, %swap3A_1118], %add3A_1114 {strides = array<i32>} : memref<256x64xf32, #tpu.memory_space<vmem>>, vector<16xf32>,
        %add3A_1120 = arith.constant 15 : i32
        %add3A_1121 = arith.addi %add3A_113, %add3A_1120 : i32
        %get3A_1122 = arith.index_cast %add3A_1121 : i32 to index
        %get3A_1123 = arith.constant 48 : index
        %get3A_1124 = tpu.vector_load %arg10[%get3A_1122, %get3A_1123] {strides = array<i32>} : memref<256x64xf32, #tpu.memory_space<vmem>>, vector<16xf32>,
        %mul3A_1125 = vector.broadcast %squeeze3A_1072 : f32 to vector<16xf32>
        %mul3A_1126 = arith.mulf %get3A_1124, %mul3A_1125 : vector<16xf32>
        %mul3A_1127 = vector.broadcast %squeeze3A_1074 : f32 to vector<16xf32>
        %mul3A_1128 = arith.mulf %get3A_15, %mul3A_1127 : vector<16xf32>
        %add3A_1129 = arith.addf %mul3A_1126, %mul3A_1128 : vector<16xf32>
        %add3A_1130 = arith.constant 15 : i32
        %add3A_1131 = arith.addi %add3A_113, %add3A_1130 : i32
        %swap3A_1132 = arith.index_cast %add3A_1131 : i32 to index
        %swap3A_1133 = arith.constant 48 : index
        %swap3A_1134 = tpu.vector_load %arg10[%swap3A_1132, %swap3A_1133] {strides = array<i32>} : memref<256x64xf32, #tpu.memory_space<vmem>>, vector<16xf32>,
        tpu.vector_store %arg10[%swap3A_1132, %swap3A_1133], %add3A_1129 {strides = array<i32>} : memref<256x64xf32, #tpu.memory_space<vmem>>, vector<16xf32>,
      }
      %scan3A_82 = arith.constant 8 : i32
      "tpu.region"() ({
        %run_scoped3A = tpu.sem_alloc : memref<!tpu.dma_semaphore, #tpu.memory_space<semaphore_mem>>
        %dma_start3A_83 = arith.constant 0 : i32
        %dma_start3A_84 = tpu.memref_slice %arg7[%add3A_29, %dma_start3A_83] : memref<204800x192xf32, #tpu.memory_space<hbm>> -> memref<256x128xf32, #tpu.memory_space<hbm>>
        %dma_start3A_85 = arith.constant 0 : i32
        %dma_start3A_86 = tpu.memref_slice %arg7[%add3A_29, %dma_start3A_85] : memref<204800x192xf32, #tpu.memory_space<hbm>> -> memref<256x128xf32, #tpu.memory_space<hbm>>
        tpu.enqueue_dma source(%arg11 : memref<256x128xf32, #tpu.memory_space<vmem>>) target(%dma_start3A_86 : memref<256x128xf32, #tpu.memory_space<hbm>>) target_semaphore(%run_scoped3A : memref<!tpu.dma_semaphore, #tpu.memory_space<semaphore_mem>>)
        %dma_wait3A_87 = arith.constant 0 : i32
        %dma_wait3A_88 = tpu.memref_slice %arg7[%add3A_29, %dma_wait3A_87] : memref<204800x192xf32, #tpu.memory_space<hbm>> -> memref<256x128xf32, #tpu.memory_space<hbm>>
        %dma_wait3A_89 = arith.constant 0 : i32
        %dma_wait3A_90 = tpu.memref_slice %arg7[%add3A_29, %dma_wait3A_89] : memref<204800x192xf32, #tpu.memory_space<hbm>> -> memref<256x128xf32, #tpu.memory_space<hbm>>
        tpu.wait_dma2 semaphore(%run_scoped3A : memref<!tpu.dma_semaphore, #tpu.memory_space<semaphore_mem>>) src(%arg11 : memref<256x128xf32, #tpu.memory_space<vmem>>) dst(%dma_wait3A_90 : memref<256x128xf32, #tpu.memory_space<hbm>>)
        tpu.yield
      }) : () -> ()
      "tpu.region"() ({
        %run_scoped3A = tpu.sem_alloc : memref<!tpu.dma_semaphore, #tpu.memory_space<semaphore_mem>>
        %dma_start3A_83 = arith.constant 128 : i32
        %dma_start3A_84 = tpu.memref_slice %arg7[%add3A_29, %dma_start3A_83] : memref<204800x192xf32, #tpu.memory_space<hbm>> -> memref<256x64xf32, #tpu.memory_space<hbm>>
        %dma_start3A_85 = arith.constant 128 : i32
        %dma_start3A_86 = tpu.memref_slice %arg7[%add3A_29, %dma_start3A_85] : memref<204800x192xf32, #tpu.memory_space<hbm>> -> memref<256x64xf32, #tpu.memory_space<hbm>>
        tpu.enqueue_dma source(%arg10 : memref<256x64xf32, #tpu.memory_space<vmem>>) target(%dma_start3A_86 : memref<256x64xf32, #tpu.memory_space<hbm>>) target_semaphore(%run_scoped3A : memref<!tpu.dma_semaphore, #tpu.memory_space<semaphore_mem>>)
        %dma_wait3A_87 = arith.constant 128 : i32
        %dma_wait3A_88 = tpu.memref_slice %arg7[%add3A_29, %dma_wait3A_87] : memref<204800x192xf32, #tpu.memory_space<hbm>> -> memref<256x64xf32, #tpu.memory_space<hbm>>
        %dma_wait3A_89 = arith.constant 128 : i32
        %dma_wait3A_90 = tpu.memref_slice %arg7[%add3A_29, %dma_wait3A_89] : memref<204800x192xf32, #tpu.memory_space<hbm>> -> memref<256x64xf32, #tpu.memory_space<hbm>>
        tpu.wait_dma2 semaphore(%run_scoped3A : memref<!tpu.dma_semaphore, #tpu.memory_space<semaphore_mem>>) src(%arg10 : memref<256x64xf32, #tpu.memory_space<vmem>>) dst(%dma_wait3A_90 : memref<256x64xf32, #tpu.memory_space<hbm>>)
        tpu.yield
      }) : () -> ()
    }
    %scan3A_19 = arith.constant 25 : i32
    return
  }
}

</mosaic_0001>

<sc_bundles>
// kernel: kernel.3.cloned.1.call-start
scs
__scs_entry_jumppad:
0x0: {  	(pc) =	sbr.rel $0x88, $3  }
0x1: {  	(tag) =	ssettag $0x0;
	lr =	simm.s32 $0x1  }
0x2: {  	[smem:$0x3F9C] =	sst lr;
	_ =	strace $0xD0000000  }
0x3: {  	_ = 	snop  }
0x4: {  	_ = 	snop  }
0x5: {  	_ = 	snop  }
0x6: {  	_ = 	snop  }
0x7: {  	_ = 	snop  }
__scs_overlays_trampoline_lowered:
0x8: {  	[smem:$0x3FAB] =	sst s0  }
0x9: {  	[smem:$0x3FAC] =	sst s1  }
0xa: {  	[smem:$0x3FAD] =	sst s2  }
0xb: {  	[smem:$0x3FAE] =	sst s3  }
0xc: {  	[smem:$0x3FAF] =	sst s4  }
0xd: {  	[smem:$0x3FB0] =	sst s5  }
0xe: {  	[smem:$0x3FB1] =	sst s6  }
0xf: {  	[smem:$0x3FB2] =	sst s7  }
0x10: {  	[smem:$0x3FB3] =	sst s8  }
0x11: {  	[smem:$0x3FB4] =	sst s9;
	s0 =	simm.s32 @!p0 $0x0  }
0x12: {  	s1 =	sld [smem:$0x3F9A];
	s0 =	simm.s32 @p0 $0x1  }
0x13: {  	[smem:$0x3FB5] =	sst s0;
	s0 =	simm.s32 @!p1 $0x0  }
0x14: {  	s2 =	sld [smem:$0x3F99];
	s0 =	simm.s32 @p1 $0x1  }
0x15: {  	[smem:$0x3FB6] =	sst s0;
	s0 =	simm.s32 @!p2 $0x0  }
0x16: {  	s3 =	sld [smem:$0x3FDB];
	s0 =	simm.s32 @p2 $0x1  }
0x17: {  	s4 =	simm.s32 $0x1BF5;
	[smem:$0x3FB8] =	sst s0  }
0x18: {  	s0 =	sld [smem:$0x3F9B];
	_ =	swait.ge [sflag:s4], $0x0  }
0x19: {  	s7 =	sld [smem:$0x3F9C]  }
0x1a: {  	s8 =	sadd.s32 $0xFFFFE003, lr  }
0x1b: {  	s9 =	sadd.s32 $0xFFFFFEF7, lr;
	s5 =	simm.s32 $0xFFFFFFFF;
	p2 =	slt.u32 s8, $0xFFFFF086  }
0x1c: {  	p1 =	slt.u32 s9, $0xF7A;
	s5 =	simm.s32 @!p2 $0x0  }
0x1d: {  	s5 =	simm.s32 @p1 $0x1;
	p0 =	seq.s32 s7, s2  }
0x1e: {  	s7 =	smul.u32 @!p0 $0xF7A, s2;
	p2 =	seq.s32 @!p0 s5, $0x0  }
0x1f: {  	s9 =	smul.u32 $0xF7A, s1;
	s8 =	simm.s32 @!p0 $0x1BF5;
	p2 =	por !p2, p0  }
0x20: {  	[sflag:s8] =	ssyncset.s32 @!p0 $0xFFFFF086;
	s6 =	sadd.s32 @!p0 s3, s7;
	s7 =	simm.s32 @!p0 $0x108  }
0x21: {  	s3 =	sadd.s32 s3, s9;
	s6 =	sadd.s32 @!p0 $0x88, s6;
	s7 =	simm.s32 @p2 $0x1082  }
0x22: {  	[simem:s7], [sflag:s8] =	dma.local @!p0 [hbm:s6], $0xF7A  }
0x23: {  	s9 =	sor.u32 $0xD0000000, s2;
	s6 =	simm.s32 $0x108;
	_ =	swait.ge @!p0 [sflag:s8], $0x0  }
0x24: {  	s3 =	sadd.s32 $0x88, s3;
	s6 =	simm.s32 @!p1 $0x1082;
	[sflag:s4] =	ssyncset.s32 $0xFFFFF086  }
0x25: {  	[simem:s6], [sflag:s4] =	dma.local [hbm:s3], $0xF7A  }
0x26: {  	[smem:$0x3F9C] =	sst s1;
	(tag) =	ssettag s2;
	_ =	strace s9  }
0x27: {  	s1 =	sld [smem:$0x3FAC]  }
0x28: {  	s2 =	sld [smem:$0x3FAD]  }
0x29: {  	s4 =	sld [smem:$0x3FAF]  }
0x2a: {  	p0 =	seq.s32 s5, $0x0;
	s5 =	sld [smem:$0x3FB0]  }
0x2b: {  	s6 =	sld [smem:$0x3FB1]  }
0x2c: {  	s7 =	sld [smem:$0x3FB2]  }
0x2d: {  	s3 =	simm.s32 $0x108;
	s8 =	sld [smem:$0x3FB3]  }
0x2e: {  	s3 =	simm.s32 @!p0 $0x1082;
	s9 =	sld [smem:$0x3FB4]  }
0x2f: {  	lr =	sadd.s32 s0, s3;
	s0 =	sld [smem:$0x3FAB]  }
0x30: {  	s3 =	sld [smem:$0x3FAE]  }
0x31: {  	[smem:$0x3FB7] =	sst s10  }
0x32: {  	s10 =	sld [smem:$0x3FB5];
	_ =	sdelay $0x3  }
0x33: {  	p0 =	seq.s32 s10, $0x1;
	s10 =	sld [smem:$0x3FB7];
	_ =	sdelay $0x3  }
0x34: {  	[smem:$0x3FB7] =	sst s10  }
0x35: {  	s10 =	sld [smem:$0x3FB6];
	_ =	sdelay $0x3  }
0x36: {  	p1 =	seq.s32 s10, $0x1;
	s10 =	sld [smem:$0x3FB7];
	_ =	sdelay $0x3  }
0x37: {  	[smem:$0x3FB7] =	sst s10  }
0x38: {  	s10 =	sld [smem:$0x3FB8]  }
0x39: {  	_ = 	snop;
	(pc) =	sbr.ind lr, $3  }
0x3a: {  	_ = 	snop  }
0x3b: {  	_ = 	snop  }
0x3c: {  	p2 =	seq.s32 s10, $0x1;
	s10 =	sld [smem:$0x3FB7]  }
0x3d: {  	_ =	shalt  }
0x3e: {  	_ =	shalt  }
0x3f: {  	_ =	shalt  }
0x40: {  	_ =	shalt  }
0x41: {  	_ =	shalt  }
0x42: {  	_ =	shalt  }
0x43: {  	_ =	shalt  }
0x44: {  	_ =	shalt  }
0x45: {  	_ =	shalt  }
0x46: {  	_ =	shalt  }
0x47: {  	_ =	shalt  }
0x48: {  	_ =	shalt  }
0x49: {  	_ =	shalt  }
0x4a: {  	_ =	shalt  }
0x4b: {  	_ =	shalt  }
0x4c: {  	_ =	shalt  }
0x4d: {  	_ =	shalt  }
0x4e: {  	_ =	shalt  }
0x4f: {  	_ =	shalt  }
0x50: {  	_ =	shalt  }
0x51: {  	_ =	shalt  }
0x52: {  	_ =	shalt  }
0x53: {  	_ =	shalt  }
0x54: {  	_ =	shalt  }
0x55: {  	_ =	shalt  }
0x56: {  	_ =	shalt  }
0x57: {  	_ =	shalt  }
0x58: {  	_ =	shalt  }
0x59: {  	_ =	shalt  }
0x5a: {  	_ =	shalt  }
0x5b: {  	_ =	shalt  }
0x5c: {  	_ =	shalt  }
0x5d: {  	_ =	shalt  }
0x5e: {  	_ =	shalt  }
0x5f: {  	_ =	shalt  }
0x60: {  	_ =	shalt  }
0x61: {  	_ =	shalt  }
0x62: {  	_ =	shalt  }
0x63: {  	_ =	shalt  }
0x64: {  	_ =	shalt  }
0x65: {  	_ =	shalt  }
0x66: {  	_ =	shalt  }
0x67: {  	_ =	shalt  }
0x68: {  	_ =	shalt  }
0x69: {  	_ =	shalt  }
0x6a: {  	_ =	shalt  }
0x6b: {  	_ =	shalt  }
0x6c: {  	_ =	shalt  }
0x6d: {  	_ =	shalt  }
0x6e: {  	_ =	shalt  }
0x6f: {  	_ =	shalt  }
0x70: {  	_ =	shalt  }
0x71: {  	_ =	shalt  }
0x72: {  	_ =	shalt  }
0x73: {  	_ =	shalt  }
0x74: {  	_ =	shalt  }
0x75: {  	_ =	shalt  }
0x76: {  	_ =	shalt  }
0x77: {  	_ =	shalt  }
0x78: {  	_ =	shalt  }
0x79: {  	_ =	shalt  }
0x7a: {  	_ =	shalt  }
0x7b: {  	_ =	shalt  }
0x7c: {  	_ =	shalt  }
0x7d: {  	_ =	shalt  }
0x7e: {  	_ =	shalt  }
0x7f: {  	_ =	shalt  }
0x80: {  	_ =	shalt  }
0x81: {  	_ =	shalt  }
0x82: {  	_ =	shalt  }
0x83: {  	_ =	shalt  }
0x84: {  	_ =	shalt  }
0x85: {  	_ =	shalt  }
0x86: {  	_ =	shalt  }
0x87: {  	_ =	shalt  }
.Lfunc_end0:
.L_simem_size_0:
called_computation.1_lowered:
.L_overlay_start_0:
0x88: {  	s2 =	sld [smem:$0x3FD9]  }
0x89: {  	s3 =	sld [smem:$0x3FFE];
	_ =	sdelay $0x1  }
0x8a: {  	s1 =	srdreg.scid  }
0x8b: {  	s0 =	sand.u32 $0x1, s1  }
0x8c: {  	s17 =	sshll.u32 s0, $0xA;
	s2 =	sadd.s32 s3, s2  }
0x8d: {  	s2 =	sadd.s32 s2, s17  }
0x8e: {  	[smem:$0x3FC3] =	sst s2  }
0x8f: {  	_ = 	snop  }
0x90: {  	s2 =	sld [smem:$0x3FC5]  }
0x91: {  	s18 =	sld [smem:$0x3FD0];
	(tm) =	ssettm $0x1  }
0x92: {  	s4 =	sld [smem:$0x3FFB];
	_ =	sdelay $0x3  }
0x93: {  	_ =	strace s4  }
0x94: {  	s4 =	sld [smem:$0x3FFC];
	_ =	sdelay $0x3  }
0x95: {  	_ =	strace s4  }
0x96: {  	s4 =	sld [smem:$0x3FFD];
	_ =	sdelay $0x3  }
0x97: {  	_ =	strace s4  }
0x98: {  	_ =	strace $0x8FFFFFFF  }
0x99: {  	s19 =	sld [smem:$0x3FDB];
	_ =	sdelay $0x1  }
0x9a: {  	s5 =	simm.s32 $_scs_section_size  }
0x9b: {  	s6 =	simm.s32 $_size__tile_overlayer_lowered;
	s7 =	simm.s32 $_tile_overlayer_lowered  }
0x9c: {  	s22 =	simm.s32 $0x1BFF;
	s21 =	sshll.u32 s7, $0x1;
	s4 =	sadd.s32 s5, s19  }
0x9d: {  	s8 =	simm.s32 $0x0;
	s20 =	sshll.u32 s6, $0x1;
	s6 =	sadd.s32 s21, s4  }
0x9e: {  	[timem:s8], [sflag:s22] =	dma.local [hbm:s6], s20  }
0x9f: {  	_ =	swait.ge [sflag:s22], s20  }
0xa0: {  	s5 =	ssub.s32 $0x0, s20;
	[sflag:s22] =	ssyncset.done $0x0  }
0xa1: {  	[sflag:s22] =	ssyncadd.s32 s5;
	_ =	sdelay $0x1  }
0xa2: {  	s23 =	simm.s32 $0x1B8B  }
0xa3: {  	_ =	swait.ge [sflag:s23], $0x1  }
0xa4: {  	[sflag:s23] =	ssyncset.done $0x0  }
0xa5: {  	s25 =	simm.s32 $0x1B8E;
	s24 =	sld [smem:$0x3FFE];
	[sflag:s23] =	ssyncadd.s32 $0xFFFFFFFF  }
0xa6: {  	s26 =	simm.s32 $execute0_lowered;
	[smem:$0x3FD2] =	sst s25  }
0xa7: {  	s6 =	sshll.u32 s26, $0x1;
	_ =	strace $0x80000046;
	[dreg:$0x1] =	wrdreg $0xFFFFFFFF  }
0xa8: {  	s28 =	simm.s32 $_size_execute0_lowered;
	s4 =	sadd.s32 s4, s6;
	[dreg:$0x0] =	wrdreg $0x0  }
0xa9: {  	s6 =	sshll.u32 s28, $0x1;
	[dreg:$0x2] =	wrdreg s4  }
0xaa: {  	[dreg:$0x3] =	wrdreg s6  }
0xab: {  	[dreg:$0x4] =	wrdreg $0xC0  }
0xac: {  	_ =	task [dreg:s8], $0x5FFFF  }
0xad: {  	[dreg:$0x1] =	wrdreg $0xFFFFFFFF  }
0xae: {  	[dreg:$0x0] =	wrdreg $0x60  }
0xaf: {  	[dreg:$0x2] =	wrdreg s24  }
0xb0: {  	[dreg:$0x3] =	wrdreg s2  }
0xb1: {  	[dreg:$0x4] =	wrdreg s18  }
0xb2: {  	[dreg:$0x5] =	wrdreg $0x9  }
0xb3: {  	_ =	task.clear_ibuf [dreg:s8], $0x6FFFF;
	_ =	strace $0x90000046  }
0xb4: {  	s29 =	simm.s32 $0x9;
	_ =	strace $0x80000048  }
0xb5: {  	_ =	swait.ge [sflag:s29], $0x1  }
0xb6: {  	[sflag:s29] =	ssyncadd.s32 $0xFFFFFFFF  }
0xb7: {  	_ =	strace $0x90000048  }
0xb8: {  	_ =	sfence  }
0xb9: {  	s30 =	sld [smem:$0x0];
	_ =	sdelay $0x2  }
0xba: {  	s31 =	sshll.u32 s1, $0xD;
	s1 =	sshrl.u32 s1, $0x2  }
0xbb: {  	s3 =	sand.u32 $0x4000, s31;
	s1 =	sadd.s32 s1, s30  }
0xbc: {  	s0 =	sor.u32 s3, s0;
	s1 =	sshll.u32 s1, $0x11  }
0xbd: {  	s0 =	sor.u32 s1, s0  }
0xbe: {  	s0 =	sadd.s32 $0x8F2B, s0  }
0xbf: {  	[sflag:s0] =	ssyncadd.remote.s32 $0x1  }
0xc0: {  	_ =	sfence.sel $0xFFFF  }
0xc1: {  	[dreg:$0x0] =	wrdreg $0xFFFFFFFF;
	(pc) =	sbr.abs _section_cstart, $3  }
0xc2: {  	[dreg:$0x1] =	wrdreg $0xFFFFFFFF  }
0xc3: {  	_ =	task.clear_ibuf [dreg:s8], $0x2FFFF;
	_ =	strace $0x9FFFFFFF  }
0xc4: {  	(tm) =	ssettm $0x7FFFFFFF  }
0xc5: {  	_ =	shalt  }
tec
execute0_lowered:
.L_overlay_start_1:
0x0: {  	(tag) =	ssettag $0x1  }
0x1: {  	s8 =	rddreg [dreg:$0x0]  }
0x2: {  	s1 =	rddreg [dreg:$0x1]  }
0x3: {  	s2 =	rddreg [dreg:$0x2]  }
0x4: {  	s0 =	rddreg [dreg:$0x3];
	s3 =	simm.s32 $0x0;
	s7 =	srdreg.scid  }
0x5: {  	s4 =	stileid.u32;
	s13 =	simm.s32 $0x2;
	s14 =	simm.s32 $0x100  }
0x6: {  	s15 =	simm.s32 $0x80;
	s16 =	simm.s32 $0x200;
	s17 =	simm.s32 $0x2200  }
0x7: {  	s18 =	simm.s32 $0x4200;
	s19 =	simm.s32 $0x1;
	s20 =	simm.s32 $0xC0  }
0x8: {  	s21 =	simm.s32 $0x40;
	s22 =	simm.s32 $0x0;
	[smem:$0x7FF] =	sst s3  }
0x9: {  	s5 =	sadd.s32 $0xD0600, s8;
	s6 =	sadd.s32 $0x800, s8;
	s9 =	sand.u32 $0x1, s7  }
0xa: {  	s7 =	sadd.s32 $0x6C00, s8;
	s11 =	sshll.u32 s4, $0x1;
	s10 =	ssub.s32 $0x2, s9  }
0xb: {  	s8 =	sadd.s32 $0xD000, s8;
	s9 =	sor.u32 s9, s11;
	s12 =	sshrl.u32 s10, $0x1  }
0xc: {  	_ =	strace $0x80000047;
	s9 =	smul.u32 $0x1900, s9;
	s31 =	ssub.s32 s10, s12  }
0xd: {  	v0 =	vimm.s32 $0x0;
	s10 =	sadd.s32 $0x10, s2;
	s12 =	simm.s32 $0xC200;
	s11 =	smax.u32 s31, $0x1  }
.LBB2_1:
0xe: {  	[tilespmem:s12], [sflag:$0x2] =	stream.linear.gather [hbm4b:s1+s3], $0x40, $0x38;
	[tilespmem:$0xC240] =	vst v63  }
0xf: {  	_ =	swait.ge [sflag:s13], $0x40  }
0x10: {  	[sflag:s13] =	ssyncset.done $0x0  }
0x11: {  	[sflag:s13] =	ssyncadd.s32 $0xFFFFFFC0  }
0x12: {  	v1 =	vld [tilespmem:$0xC200]  }
0x13: {  	v2 =	vld [tilespmem:$0xC210]  }
0x14: {  	v3 =	vld [tilespmem:$0xC220]  }
0x15: {  	s23 =	simm.s32 $0x0;
	v4 =	vld [tilespmem:$0xC230]  }
.LBB2_2:
0x16: {  	s24 =	sshll.u32 s23, $0x8  }
0x17: {  	s24 =	sadd.s32 s9, s24  }
0x18: {  	s26 =	sshrl.u32 s24, $0x3  }
0x19: {  	s25 =	simm.s32 $0x0;
	s28 =	sadd.s32 s6, s26  }
0x1a: {  	[tilespmem:s25], [sflag:$0x2] =	stream.linear.gather [hbm4b:s28+s25], $0x100, $0x38;
	[tilespmem:$0xC240] =	vst v63  }
0x1b: {  	_ =	swait.ge [sflag:s13], $0x100  }
0x1c: {  	[sflag:s13] =	ssyncset.done $0x0  }
0x1d: {  	s26 =	sadd.s32 s7, s26;
	[sflag:s13] =	ssyncadd.s32 $0xFFFFFF00  }
0x1e: {  	[tilespmem:s14], [sflag:$0x2] =	stream.linear.gather [hbm4b:s26+s25], $0x100, $0x38;
	[tilespmem:$0xC240] =	vst v63  }
0x1f: {  	_ =	swait.ge [sflag:s13], $0x100  }
0x20: {  	[sflag:s13] =	ssyncset.done $0x0  }
0x21: {  	[sflag:s13] =	ssyncadd.s32 $0xFFFFFF00  }
0x22: {  	[tilespmem:s16], [sflag:$0x1] =	stream.indirect.gather [hbm4b:s8+s15], $0x40, s25, s15, $0xb8;
	[tilespmem:$0xC240] =	vst v63  }
0x23: {  	s31 =	sshll.u32 s24, $0x4  }
0x24: {  	[tilespmem:s17], [sflag:$0x1] =	stream.indirect.gather [hbm4b:s8+s15], $0x40, s15, s15, $0xb8;
	[tilespmem:$0xC240] =	vst v63  }
0x25: {  	s26 =	sadd.s32 s5, s31  }
0x26: {  	[tilespmem:s18], [sflag:$0x2] =	stream.linear.gather [hbm4b:s26+s25], $0x8000, $0x38;
	[tilespmem:$0xC240] =	vst v63  }
0x27: {  	_ =	swait.ge [sflag:s13], $0x8000  }
0x28: {  	[sflag:s13] =	ssyncset.done $0x0  }
0x29: {  	[sflag:s13] =	ssyncadd.s32 $0xFFFF8000  }
0x2a: {  	_ =	swait.ge [sflag:s19], $0x2000  }
0x2b: {  	[sflag:s19] =	ssyncset.done $0x0  }
0x2c: {  	[sflag:s19] =	ssyncadd.s32 $0xFFFFE000  }
0x2d: {  	_ =	swait.ge [sflag:s19], $0x2000  }
0x2e: {  	[sflag:s19] =	ssyncset.done $0x0  }
0x2f: {  	s28 =	simm.s32 $0x0;
	s26 =	simm.s32 $0x400;
	[sflag:s19] =	ssyncadd.s32 $0xFFFFE000  }
.LBB2_3:
0x30: {  	s29 =	sshra.s32 s28, $0x2  }
0x31: {  	v5 =	vld [tilespmem:s29+$0x0]  }
0x32: {  	v6 =	vld [tilespmem:s29+$0x100];
	_ =	sdelay $0x4  }
0x33: {  	v7 =	vld [tilespmem:s26+$0xFFFFFE00];
	vm0 =	vne.s32 v5, $0x0;
	vm1 =	vne.s32 v6, $0x1  }
0x34: {  	vm15 =	veq.s32 v6, $0x1;
	vm0 =	vmand vm0, vm1  }
0x35: {  	v6 =	vsel vm15, $0x3F800000, v0;
	v5 =	vsel vm0, $0x3F800000, v0  }
0x36: {  	v9 =	vbroadcast v6, $0x0;
	v8 =	vbroadcast v5, $0x0;
	_ =	sdelay $0x1  }
0x37: {  	v10 =	vmul.f32 v9, v1;
	v7 =	vmul.f32 v8, v7;
	_ =	sdelay $0x1  }
0x38: {  	v7 =	vadd.f32 v7, v10;
	_ =	sdelay $0x1  }
0x39: {  	[tilespmem:s26+$0xFFFFFE00] =	vst v7;
	v7 =	vld [tilespmem:s26+$0xFFFFFE10];
	_ =	sdelay $0x4  }
0x3a: {  	v26 =	vmul.f32 v9, v2;
	v7 =	vmul.f32 v8, v7;
	_ =	sdelay $0x1  }
0x3b: {  	v7 =	vadd.f32 v7, v26;
	_ =	sdelay $0x1  }
0x3c: {  	[tilespmem:s26+$0xFFFFFE10] =	vst v7;
	v7 =	vld [tilespmem:s26+$0xFFFFFE20];
	_ =	sdelay $0x4  }
0x3d: {  	v27 =	vmul.f32 v9, v3;
	v7 =	vmul.f32 v7, v8;
	_ =	sdelay $0x1  }
0x3e: {  	v7 =	vadd.f32 v7, v27;
	_ =	sdelay $0x1  }
0x3f: {  	[tilespmem:s26+$0xFFFFFE20] =	vst v7;
	v7 =	vld [tilespmem:s26+$0xFFFFFE30];
	_ =	sdelay $0x4  }
0x40: {  	v28 =	vmul.f32 v9, v4;
	v7 =	vmul.f32 v7, v8;
	_ =	sdelay $0x1  }
0x41: {  	v7 =	vadd.f32 v7, v28;
	_ =	sdelay $0x1  }
0x42: {  	[tilespmem:s26+$0xFFFFFE30] =	vst v7;
	v7 =	vld [tilespmem:s26+$0xFFFFFE40];
	_ =	sdelay $0x2  }
0x43: {  	v30 =	vbroadcast v6, $0x1;
	v29 =	vbroadcast v5, $0x1;
	_ =	sdelay $0x1  }
0x44: {  	v31 =	vmul.f32 v30, v1;
	v7 =	vmul.f32 v7, v29;
	_ =	sdelay $0x1  }
0x45: {  	v7 =	vadd.f32 v7, v31;
	_ =	sdelay $0x1  }
0x46: {  	[tilespmem:s26+$0xFFFFFE40] =	vst v7;
	v7 =	vld [tilespmem:s26+$0xFFFFFE50];
	_ =	sdelay $0x4  }
0x47: {  	v32 =	vmul.f32 v30, v2;
	v7 =	vmul.f32 v7, v29;
	_ =	sdelay $0x1  }
0x48: {  	v7 =	vadd.f32 v7, v32;
	_ =	sdelay $0x1  }
0x49: {  	[tilespmem:s26+$0xFFFFFE50] =	vst v7;
	v7 =	vld [tilespmem:s26+$0xFFFFFE60];
	_ =	sdelay $0x4  }
0x4a: {  	v33 =	vmul.f32 v30, v3;
	v7 =	vmul.f32 v7, v29;
	_ =	sdelay $0x1  }
0x4b: {  	v7 =	vadd.f32 v7, v33;
	_ =	sdelay $0x1  }
0x4c: {  	[tilespmem:s26+$0xFFFFFE60] =	vst v7;
	v7 =	vld [tilespmem:s26+$0xFFFFFE70];
	_ =	sdelay $0x4  }
0x4d: {  	v34 =	vmul.f32 v30, v4;
	v7 =	vmul.f32 v7, v29;
	_ =	sdelay $0x1  }
0x4e: {  	v7 =	vadd.f32 v7, v34;
	_ =	sdelay $0x1  }
0x4f: {  	[tilespmem:s26+$0xFFFFFE70] =	vst v7;
	v7 =	vld [tilespmem:s26+$0xFFFFFE80];
	_ =	sdelay $0x2  }
0x50: {  	v36 =	vbroadcast v6, $0x2;
	v35 =	vbroadcast v5, $0x2;
	_ =	sdelay $0x1  }
0x51: {  	v37 =	vmul.f32 v36, v1;
	v7 =	vmul.f32 v7, v35;
	_ =	sdelay $0x1  }
0x52: {  	v7 =	vadd.f32 v7, v37;
	_ =	sdelay $0x1  }
0x53: {  	[tilespmem:s26+$0xFFFFFE80] =	vst v7;
	v7 =	vld [tilespmem:s26+$0xFFFFFE90];
	_ =	sdelay $0x4  }
0x54: {  	v38 =	vmul.f32 v36, v2;
	v7 =	vmul.f32 v7, v35;
	_ =	sdelay $0x1  }
0x55: {  	v7 =	vadd.f32 v7, v38;
	_ =	sdelay $0x1  }
0x56: {  	[tilespmem:s26+$0xFFFFFE90] =	vst v7;
	v7 =	vld [tilespmem:s26+$0xFFFFFEA0];
	_ =	sdelay $0x4  }
0x57: {  	v39 =	vmul.f32 v36, v3;
	v7 =	vmul.f32 v7, v35;
	_ =	sdelay $0x1  }
0x58: {  	v7 =	vadd.f32 v7, v39;
	_ =	sdelay $0x1  }
0x59: {  	[tilespmem:s26+$0xFFFFFEA0] =	vst v7;
	v7 =	vld [tilespmem:s26+$0xFFFFFEB0];
	_ =	sdelay $0x4  }
0x5a: {  	v40 =	vmul.f32 v36, v4;
	v7 =	vmul.f32 v7, v35;
	_ =	sdelay $0x1  }
0x5b: {  	v7 =	vadd.f32 v7, v40;
	_ =	sdelay $0x1  }
0x5c: {  	[tilespmem:s26+$0xFFFFFEB0] =	vst v7;
	v7 =	vld [tilespmem:s26+$0xFFFFFEC0];
	_ =	sdelay $0x2  }
0x5d: {  	v42 =	vbroadcast v6, $0x3;
	v41 =	vbroadcast v5, $0x3;
	_ =	sdelay $0x1  }
0x5e: {  	v43 =	vmul.f32 v42, v1;
	v7 =	vmul.f32 v7, v41;
	_ =	sdelay $0x1  }
0x5f: {  	v7 =	vadd.f32 v7, v43;
	_ =	sdelay $0x1  }
0x60: {  	[tilespmem:s26+$0xFFFFFEC0] =	vst v7;
	v7 =	vld [tilespmem:s26+$0xFFFFFED0];
	_ =	sdelay $0x4  }
0x61: {  	v44 =	vmul.f32 v42, v2;
	v7 =	vmul.f32 v7, v41;
	_ =	sdelay $0x1  }
0x62: {  	v7 =	vadd.f32 v7, v44;
	_ =	sdelay $0x1  }
0x63: {  	[tilespmem:s26+$0xFFFFFED0] =	vst v7;
	v7 =	vld [tilespmem:s26+$0xFFFFFEE0];
	_ =	sdelay $0x4  }
0x64: {  	v45 =	vmul.f32 v42, v3;
	v7 =	vmul.f32 v7, v41;
	_ =	sdelay $0x1  }
0x65: {  	v7 =	vadd.f32 v7, v45;
	_ =	sdelay $0x1  }
0x66: {  	[tilespmem:s26+$0xFFFFFEE0] =	vst v7;
	v7 =	vld [tilespmem:s26+$0xFFFFFEF0];
	_ =	sdelay $0x4  }
0x67: {  	v46 =	vmul.f32 v42, v4;
	v7 =	vmul.f32 v7, v41;
	_ =	sdelay $0x1  }
0x68: {  	v7 =	vadd.f32 v7, v46;
	_ =	sdelay $0x1  }
0x69: {  	[tilespmem:s26+$0xFFFFFEF0] =	vst v7;
	v7 =	vld [tilespmem:s26+$0xFFFFFF00];
	_ =	sdelay $0x2  }
0x6a: {  	v48 =	vbroadcast v6, $0x4;
	v47 =	vbroadcast v5, $0x4;
	_ =	sdelay $0x1  }
0x6b: {  	v49 =	vmul.f32 v48, v1;
	v7 =	vmul.f32 v7, v47;
	_ =	sdelay $0x1  }
0x6c: {  	v7 =	vadd.f32 v7, v49;
	_ =	sdelay $0x1  }
0x6d: {  	[tilespmem:s26+$0xFFFFFF00] =	vst v7;
	v7 =	vld [tilespmem:s26+$0xFFFFFF10];
	_ =	sdelay $0x4  }
0x6e: {  	v50 =	vmul.f32 v48, v2;
	v7 =	vmul.f32 v7, v47;
	_ =	sdelay $0x1  }
0x6f: {  	v7 =	vadd.f32 v7, v50;
	_ =	sdelay $0x1  }
0x70: {  	[tilespmem:s26+$0xFFFFFF10] =	vst v7;
	v7 =	vld [tilespmem:s26+$0xFFFFFF20];
	_ =	sdelay $0x4  }
0x71: {  	v51 =	vmul.f32 v48, v3;
	v7 =	vmul.f32 v7, v47;
	_ =	sdelay $0x1  }
0x72: {  	v7 =	vadd.f32 v7, v51;
	_ =	sdelay $0x1  }
0x73: {  	[tilespmem:s26+$0xFFFFFF20] =	vst v7;
	v7 =	vld [tilespmem:s26+$0xFFFFFF30];
	_ =	sdelay $0x4  }
0x74: {  	v52 =	vmul.f32 v48, v4;
	v7 =	vmul.f32 v7, v47;
	_ =	sdelay $0x1  }
0x75: {  	v7 =	vadd.f32 v7, v52;
	_ =	sdelay $0x1  }
0x76: {  	[tilespmem:s26+$0xFFFFFF30] =	vst v7;
	v7 =	vld [tilespmem:s26+$0xFFFFFF40];
	_ =	sdelay $0x2  }
0x77: {  	v54 =	vbroadcast v6, $0x5;
	v53 =	vbroadcast v5, $0x5;
	_ =	sdelay $0x1  }
0x78: {  	v55 =	vmul.f32 v54, v1;
	v7 =	vmul.f32 v7, v53;
	_ =	sdelay $0x1  }
0x79: {  	v7 =	vadd.f32 v7, v55;
	_ =	sdelay $0x1  }
0x7a: {  	[tilespmem:s26+$0xFFFFFF40] =	vst v7;
	v7 =	vld [tilespmem:s26+$0xFFFFFF50];
	_ =	sdelay $0x4  }
0x7b: {  	v56 =	vmul.f32 v54, v2;
	v7 =	vmul.f32 v7, v53;
	_ =	sdelay $0x1  }
0x7c: {  	v7 =	vadd.f32 v7, v56;
	_ =	sdelay $0x1  }
0x7d: {  	[tilespmem:s26+$0xFFFFFF50] =	vst v7;
	v7 =	vld [tilespmem:s26+$0xFFFFFF60];
	_ =	sdelay $0x4  }
0x7e: {  	v57 =	vmul.f32 v54, v3;
	v7 =	vmul.f32 v7, v53;
	_ =	sdelay $0x1  }
0x7f: {  	v7 =	vadd.f32 v7, v57;
	_ =	sdelay $0x1  }
0x80: {  	[tilespmem:s26+$0xFFFFFF60] =	vst v7;
	v7 =	vld [tilespmem:s26+$0xFFFFFF70];
	_ =	sdelay $0x4  }
0x81: {  	v58 =	vmul.f32 v54, v4;
	v7 =	vmul.f32 v7, v53;
	_ =	sdelay $0x1  }
0x82: {  	v7 =	vadd.f32 v7, v58;
	_ =	sdelay $0x1  }
0x83: {  	[tilespmem:s26+$0xFFFFFF70] =	vst v7;
	v7 =	vld [tilespmem:s26+$0xFFFFFF80];
	_ =	sdelay $0x2  }
0x84: {  	v60 =	vbroadcast v6, $0x6;
	v59 =	vbroadcast v5, $0x6;
	_ =	sdelay $0x1  }
0x85: {  	v61 =	vmul.f32 v60, v1;
	v7 =	vmul.f32 v7, v59;
	_ =	sdelay $0x1  }
0x86: {  	v7 =	vadd.f32 v7, v61;
	_ =	sdelay $0x1  }
0x87: {  	[tilespmem:s26+$0xFFFFFF80] =	vst v7;
	v7 =	vld [tilespmem:s26+$0xFFFFFF90];
	_ =	sdelay $0x4  }
0x88: {  	v62 =	vmul.f32 v60, v2;
	v7 =	vmul.f32 v7, v59;
	_ =	sdelay $0x1  }
0x89: {  	v7 =	vadd.f32 v7, v62;
	_ =	sdelay $0x1  }
0x8a: {  	[tilespmem:s26+$0xFFFFFF90] =	vst v7;
	v7 =	vld [tilespmem:s26+$0xFFFFFFA0];
	_ =	sdelay $0x4  }
0x8b: {  	v63 =	vmul.f32 v60, v3;
	v7 =	vmul.f32 v7, v59;
	_ =	sdelay $0x1  }
0x8c: {  	v7 =	vadd.f32 v7, v63;
	_ =	sdelay $0x1  }
0x8d: {  	[tilespmem:s26+$0xFFFFFFA0] =	vst v7;
	v7 =	vld [tilespmem:s26+$0xFFFFFFB0];
	_ =	sdelay $0x4  }
0x8e: {  	v12 =	vmul.f32 v60, v4;
	v7 =	vmul.f32 v7, v59;
	_ =	sdelay $0x1  }
0x8f: {  	v7 =	vadd.f32 v7, v12;
	_ =	sdelay $0x1  }
0x90: {  	[tilespmem:s26+$0xFFFFFFB0] =	vst v7;
	v7 =	vld [tilespmem:s26+$0xFFFFFFC0];
	_ =	sdelay $0x2  }
0x91: {  	v14 =	vbroadcast v6, $0x7;
	v13 =	vbroadcast v5, $0x7;
	_ =	sdelay $0x1  }
0x92: {  	v15 =	vmul.f32 v14, v1;
	v7 =	vmul.f32 v7, v13;
	_ =	sdelay $0x1  }
0x93: {  	v7 =	vadd.f32 v7, v15;
	_ =	sdelay $0x1  }
0x94: {  	[tilespmem:s26+$0xFFFFFFC0] =	vst v7;
	v7 =	vld [tilespmem:s26+$0xFFFFFFD0];
	_ =	sdelay $0x4  }
0x95: {  	v16 =	vmul.f32 v14, v2;
	v7 =	vmul.f32 v7, v13;
	_ =	sdelay $0x1  }
0x96: {  	v7 =	vadd.f32 v7, v16;
	_ =	sdelay $0x1  }
0x97: {  	[tilespmem:s26+$0xFFFFFFD0] =	vst v7;
	v7 =	vld [tilespmem:s26+$0xFFFFFFE0];
	_ =	sdelay $0x4  }
0x98: {  	v17 =	vmul.f32 v14, v3;
	v7 =	vmul.f32 v7, v13;
	_ =	sdelay $0x1  }
0x99: {  	v7 =	vadd.f32 v7, v17;
	_ =	sdelay $0x1  }
0x9a: {  	[tilespmem:s26+$0xFFFFFFE0] =	vst v7;
	v7 =	vld [tilespmem:s26+$0xFFFFFFF0];
	_ =	sdelay $0x4  }
0x9b: {  	v18 =	vmul.f32 v14, v4;
	v7 =	vmul.f32 v7, v13;
	_ =	sdelay $0x1  }
0x9c: {  	v7 =	vadd.f32 v7, v18;
	_ =	sdelay $0x1  }
0x9d: {  	[tilespmem:s26+$0xFFFFFFF0] =	vst v7;
	v7 =	vld [tilespmem:s26+$0x0];
	_ =	sdelay $0x2  }
0x9e: {  	v20 =	vbroadcast v6, $0x8;
	v19 =	vbroadcast v5, $0x8;
	_ =	sdelay $0x1  }
0x9f: {  	v21 =	vmul.f32 v20, v1;
	v7 =	vmul.f32 v7, v19;
	_ =	sdelay $0x1  }
0xa0: {  	v7 =	vadd.f32 v7, v21;
	_ =	sdelay $0x1  }
0xa1: {  	[tilespmem:s26+$0x0] =	vst v7;
	v7 =	vld [tilespmem:s26+$0x10];
	_ =	sdelay $0x4  }
0xa2: {  	v22 =	vmul.f32 v20, v2;
	v7 =	vmul.f32 v7, v19;
	_ =	sdelay $0x1  }
0xa3: {  	v7 =	vadd.f32 v7, v22;
	_ =	sdelay $0x1  }
0xa4: {  	[tilespmem:s26+$0x10] =	vst v7;
	v7 =	vld [tilespmem:s26+$0x20];
	_ =	sdelay $0x4  }
0xa5: {  	v23 =	vmul.f32 v20, v3;
	v7 =	vmul.f32 v7, v19;
	_ =	sdelay $0x1  }
0xa6: {  	v7 =	vadd.f32 v7, v23;
	_ =	sdelay $0x1  }
0xa7: {  	[tilespmem:s26+$0x20] =	vst v7;
	v7 =	vld [tilespmem:s26+$0x30];
	_ =	sdelay $0x4  }
0xa8: {  	v24 =	vmul.f32 v20, v4;
	v7 =	vmul.f32 v7, v19;
	_ =	sdelay $0x1  }
0xa9: {  	v7 =	vadd.f32 v7, v24;
	_ =	sdelay $0x1  }
0xaa: {  	[tilespmem:s26+$0x30] =	vst v7;
	v7 =	vld [tilespmem:s26+$0x40];
	_ =	sdelay $0x2  }
0xab: {  	v25 =	vbroadcast v5, $0x9;
	v26 =	vbroadcast v6, $0x9;
	_ =	sdelay $0x1  }
0xac: {  	v27 =	vmul.f32 v26, v1;
	v7 =	vmul.f32 v7, v25;
	_ =	sdelay $0x1  }
0xad: {  	v7 =	vadd.f32 v7, v27;
	_ =	sdelay $0x1  }
0xae: {  	[tilespmem:s26+$0x40] =	vst v7;
	v7 =	vld [tilespmem:s26+$0x50];
	_ =	sdelay $0x4  }
0xaf: {  	v28 =	vmul.f32 v26, v2;
	v7 =	vmul.f32 v7, v25;
	_ =	sdelay $0x1  }
0xb0: {  	v7 =	vadd.f32 v7, v28;
	_ =	sdelay $0x1  }
0xb1: {  	[tilespmem:s26+$0x50] =	vst v7;
	v7 =	vld [tilespmem:s26+$0x60];
	_ =	sdelay $0x4  }
0xb2: {  	v29 =	vmul.f32 v26, v3;
	v7 =	vmul.f32 v7, v25;
	_ =	sdelay $0x1  }
0xb3: {  	v7 =	vadd.f32 v7, v29;
	_ =	sdelay $0x1  }
0xb4: {  	[tilespmem:s26+$0x60] =	vst v7;
	v7 =	vld [tilespmem:s26+$0x70];
	_ =	sdelay $0x4  }
0xb5: {  	v30 =	vmul.f32 v26, v4;
	v7 =	vmul.f32 v7, v25;
	_ =	sdelay $0x1  }
0xb6: {  	v7 =	vadd.f32 v7, v30;
	_ =	sdelay $0x1  }
0xb7: {  	[tilespmem:s26+$0x70] =	vst v7;
	v7 =	vld [tilespmem:s26+$0x80];
	_ =	sdelay $0x2  }
0xb8: {  	v31 =	vbroadcast v5, $0xA;
	v32 =	vbroadcast v6, $0xA;
	_ =	sdelay $0x1  }
0xb9: {  	v33 =	vmul.f32 v32, v1;
	v7 =	vmul.f32 v7, v31;
	_ =	sdelay $0x1  }
0xba: {  	v7 =	vadd.f32 v7, v33;
	_ =	sdelay $0x1  }
0xbb: {  	[tilespmem:s26+$0x80] =	vst v7;
	v7 =	vld [tilespmem:s26+$0x90];
	_ =	sdelay $0x4  }
0xbc: {  	v34 =	vmul.f32 v32, v2;
	v7 =	vmul.f32 v7, v31;
	_ =	sdelay $0x1  }
0xbd: {  	v7 =	vadd.f32 v7, v34;
	_ =	sdelay $0x1  }
0xbe: {  	[tilespmem:s26+$0x90] =	vst v7;
	v7 =	vld [tilespmem:s26+$0xA0];
	_ =	sdelay $0x4  }
0xbf: {  	v35 =	vmul.f32 v32, v3;
	v7 =	vmul.f32 v7, v31;
	_ =	sdelay $0x1  }
0xc0: {  	v7 =	vadd.f32 v7, v35;
	_ =	sdelay $0x1  }
0xc1: {  	[tilespmem:s26+$0xA0] =	vst v7;
	v7 =	vld [tilespmem:s26+$0xB0];
	_ =	sdelay $0x4  }
0xc2: {  	v36 =	vmul.f32 v32, v4;
	v7 =	vmul.f32 v7, v31;
	_ =	sdelay $0x1  }
0xc3: {  	v7 =	vadd.f32 v7, v36;
	_ =	sdelay $0x1  }
0xc4: {  	[tilespmem:s26+$0xB0] =	vst v7;
	v7 =	vld [tilespmem:s26+$0xC0];
	_ =	sdelay $0x2  }
0xc5: {  	v37 =	vbroadcast v5, $0xB;
	v38 =	vbroadcast v6, $0xB;
	_ =	sdelay $0x1  }
0xc6: {  	v39 =	vmul.f32 v38, v1;
	v7 =	vmul.f32 v7, v37;
	_ =	sdelay $0x1  }
0xc7: {  	v7 =	vadd.f32 v7, v39;
	_ =	sdelay $0x1  }
0xc8: {  	[tilespmem:s26+$0xC0] =	vst v7;
	v7 =	vld [tilespmem:s26+$0xD0];
	_ =	sdelay $0x4  }
0xc9: {  	v40 =	vmul.f32 v38, v2;
	v7 =	vmul.f32 v7, v37;
	_ =	sdelay $0x1  }
0xca: {  	v7 =	vadd.f32 v7, v40;
	_ =	sdelay $0x1  }
0xcb: {  	[tilespmem:s26+$0xD0] =	vst v7;
	v7 =	vld [tilespmem:s26+$0xE0];
	_ =	sdelay $0x4  }
0xcc: {  	v41 =	vmul.f32 v38, v3;
	v7 =	vmul.f32 v7, v37;
	_ =	sdelay $0x1  }
0xcd: {  	v7 =	vadd.f32 v7, v41;
	_ =	sdelay $0x1  }
0xce: {  	[tilespmem:s26+$0xE0] =	vst v7;
	v7 =	vld [tilespmem:s26+$0xF0];
	_ =	sdelay $0x4  }
0xcf: {  	v42 =	vmul.f32 v38, v4;
	v7 =	vmul.f32 v7, v37;
	_ =	sdelay $0x1  }
0xd0: {  	v7 =	vadd.f32 v7, v42;
	_ =	sdelay $0x1  }
0xd1: {  	[tilespmem:s26+$0xF0] =	vst v7;
	v7 =	vld [tilespmem:s26+$0x100];
	_ =	sdelay $0x2  }
0xd2: {  	v43 =	vbroadcast v5, $0xC;
	v44 =	vbroadcast v6, $0xC;
	_ =	sdelay $0x1  }
0xd3: {  	v45 =	vmul.f32 v44, v1;
	v7 =	vmul.f32 v7, v43;
	_ =	sdelay $0x1  }
0xd4: {  	v7 =	vadd.f32 v7, v45;
	_ =	sdelay $0x1  }
0xd5: {  	[tilespmem:s26+$0x100] =	vst v7;
	v7 =	vld [tilespmem:s26+$0x110];
	_ =	sdelay $0x4  }
0xd6: {  	v46 =	vmul.f32 v44, v2;
	v7 =	vmul.f32 v7, v43;
	_ =	sdelay $0x1  }
0xd7: {  	v7 =	vadd.f32 v7, v46;
	_ =	sdelay $0x1  }
0xd8: {  	[tilespmem:s26+$0x110] =	vst v7;
	v7 =	vld [tilespmem:s26+$0x120];
	_ =	sdelay $0x4  }
0xd9: {  	v47 =	vmul.f32 v44, v3;
	v7 =	vmul.f32 v7, v43;
	_ =	sdelay $0x1  }
0xda: {  	v7 =	vadd.f32 v7, v47;
	_ =	sdelay $0x1  }
0xdb: {  	[tilespmem:s26+$0x120] =	vst v7;
	v7 =	vld [tilespmem:s26+$0x130];
	_ =	sdelay $0x4  }
0xdc: {  	v48 =	vmul.f32 v44, v4;
	v7 =	vmul.f32 v7, v43;
	_ =	sdelay $0x1  }
0xdd: {  	v7 =	vadd.f32 v7, v48;
	_ =	sdelay $0x1  }
0xde: {  	[tilespmem:s26+$0x130] =	vst v7;
	v7 =	vld [tilespmem:s26+$0x140];
	_ =	sdelay $0x2  }
0xdf: {  	v49 =	vbroadcast v5, $0xD;
	v50 =	vbroadcast v6, $0xD;
	_ =	sdelay $0x1  }
0xe0: {  	v51 =	vmul.f32 v50, v1;
	v7 =	vmul.f32 v7, v49;
	_ =	sdelay $0x1  }
0xe1: {  	v7 =	vadd.f32 v7, v51;
	_ =	sdelay $0x1  }
0xe2: {  	[tilespmem:s26+$0x140] =	vst v7;
	v7 =	vld [tilespmem:s26+$0x150];
	_ =	sdelay $0x4  }
0xe3: {  	v52 =	vmul.f32 v50, v2;
	v7 =	vmul.f32 v7, v49;
	_ =	sdelay $0x1  }
0xe4: {  	v7 =	vadd.f32 v7, v52;
	_ =	sdelay $0x1  }
0xe5: {  	[tilespmem:s26+$0x150] =	vst v7;
	v7 =	vld [tilespmem:s26+$0x160];
	_ =	sdelay $0x4  }
0xe6: {  	v53 =	vmul.f32 v50, v3;
	v7 =	vmul.f32 v7, v49;
	_ =	sdelay $0x1  }
0xe7: {  	v7 =	vadd.f32 v7, v53;
	_ =	sdelay $0x1  }
0xe8: {  	[tilespmem:s26+$0x160] =	vst v7;
	v7 =	vld [tilespmem:s26+$0x170];
	_ =	sdelay $0x4  }
0xe9: {  	v54 =	vmul.f32 v50, v4;
	v7 =	vmul.f32 v7, v49;
	_ =	sdelay $0x1  }
0xea: {  	v7 =	vadd.f32 v7, v54;
	_ =	sdelay $0x1  }
0xeb: {  	[tilespmem:s26+$0x170] =	vst v7;
	v7 =	vld [tilespmem:s26+$0x180];
	_ =	sdelay $0x2  }
0xec: {  	v55 =	vbroadcast v5, $0xE;
	v56 =	vbroadcast v6, $0xE;
	_ =	sdelay $0x1  }
0xed: {  	v57 =	vmul.f32 v56, v1;
	v7 =	vmul.f32 v7, v55;
	_ =	sdelay $0x1  }
0xee: {  	v7 =	vadd.f32 v7, v57;
	_ =	sdelay $0x1  }
0xef: {  	[tilespmem:s26+$0x180] =	vst v7;
	v7 =	vld [tilespmem:s26+$0x190];
	_ =	sdelay $0x4  }
0xf0: {  	v58 =	vmul.f32 v56, v2;
	v7 =	vmul.f32 v7, v55;
	_ =	sdelay $0x1  }
0xf1: {  	v7 =	vadd.f32 v7, v58;
	_ =	sdelay $0x1  }
0xf2: {  	[tilespmem:s26+$0x190] =	vst v7;
	v7 =	vld [tilespmem:s26+$0x1A0];
	_ =	sdelay $0x4  }
0xf3: {  	v59 =	vmul.f32 v56, v3;
	v7 =	vmul.f32 v7, v55;
	_ =	sdelay $0x1  }
0xf4: {  	v7 =	vadd.f32 v7, v59;
	_ =	sdelay $0x1  }
0xf5: {  	[tilespmem:s26+$0x1A0] =	vst v7;
	v7 =	vld [tilespmem:s26+$0x1B0];
	_ =	sdelay $0x4  }
0xf6: {  	v60 =	vmul.f32 v56, v4;
	v7 =	vmul.f32 v7, v55;
	_ =	sdelay $0x1  }
0xf7: {  	v7 =	vadd.f32 v7, v60;
	_ =	sdelay $0x1  }
0xf8: {  	[tilespmem:s26+$0x1B0] =	vst v7;
	v7 =	vld [tilespmem:s26+$0x1C0];
	_ =	sdelay $0x2  }
0xf9: {  	v5 =	vbroadcast v5, $0xF;
	v6 =	vbroadcast v6, $0xF;
	_ =	sdelay $0x1  }
0xfa: {  	v61 =	vmul.f32 v6, v1;
	v7 =	vmul.f32 v7, v5;
	_ =	sdelay $0x1  }
0xfb: {  	v7 =	vadd.f32 v7, v61;
	_ =	sdelay $0x1  }
0xfc: {  	[tilespmem:s26+$0x1C0] =	vst v7;
	v7 =	vld [tilespmem:s26+$0x1D0];
	_ =	sdelay $0x4  }
0xfd: {  	v62 =	vmul.f32 v6, v2;
	v7 =	vmul.f32 v7, v5;
	_ =	sdelay $0x1  }
0xfe: {  	v7 =	vadd.f32 v7, v62;
	_ =	sdelay $0x1  }
0xff: {  	[tilespmem:s26+$0x1D0] =	vst v7;
	v7 =	vld [tilespmem:s26+$0x1E0];
	_ =	sdelay $0x4  }
0x100: {  	v63 =	vmul.f32 v6, v3;
	v7 =	vmul.f32 v7, v5;
	_ =	sdelay $0x1  }
0x101: {  	v7 =	vadd.f32 v7, v63;
	_ =	sdelay $0x1  }
0x102: {  	[tilespmem:s26+$0x1E0] =	vst v7;
	v7 =	vld [tilespmem:s26+$0x1F0];
	_ =	sdelay $0x3  }
0x103: {  	p0 =	sne.s32 s28, $0x1C0  }
.Ltmp0:
0x104: {  	v6 =	vmul.f32 v6, v4;
	v5 =	vmul.f32 v7, v5;
	(pc) =	sbr.rel @p0 .LBB2_3-.Ltmp0, $3  }
0x105: {  	_ = 	snop  }
0x106: {  	v5 =	vadd.f32 v5, v6;
	_ =	sdelay $0x1  }
0x107: {  	s28 =	sadd.s32 $0x40, s28;
	[tilespmem:s26+$0x1F0] =	vst v5;
	s26 =	sadd.s32 $0x400, s26  }
0x108: {  	s26 =	simm.s32 $0x25F0  }
.LBB2_5:
0x109: {  	s28 =	sshra.s32 s25, $0x2  }
0x10a: {  	v5 =	vld [tilespmem:s28+$0x80]  }
0x10b: {  	v6 =	vld [tilespmem:s28+$0x180];
	_ =	sdelay $0x4  }
0x10c: {  	v7 =	vld [tilespmem:s26+$0xFFFFFC10];
	vm0 =	vne.s32 v5, $0x0;
	vm1 =	vne.s32 v6, $0x1  }
0x10d: {  	vm15 =	veq.s32 v6, $0x1;
	vm0 =	vmand vm0, vm1  }
0x10e: {  	v6 =	vsel vm15, $0x3F800000, v0;
	v5 =	vsel vm0, $0x3F800000, v0  }
0x10f: {  	v9 =	vbroadcast v6, $0x0;
	v8 =	vbroadcast v5, $0x0;
	_ =	sdelay $0x1  }
0x110: {  	v10 =	vmul.f32 v9, v1;
	v7 =	vmul.f32 v8, v7;
	_ =	sdelay $0x1  }
0x111: {  	v7 =	vadd.f32 v7, v10;
	_ =	sdelay $0x1  }
0x112: {  	[tilespmem:s26+$0xFFFFFC10] =	vst v7;
	v7 =	vld [tilespmem:s26+$0xFFFFFC20];
	_ =	sdelay $0x4  }
0x113: {  	v26 =	vmul.f32 v9, v2;
	v7 =	vmul.f32 v8, v7;
	_ =	sdelay $0x1  }
0x114: {  	v7 =	vadd.f32 v7, v26;
	_ =	sdelay $0x1  }
0x115: {  	[tilespmem:s26+$0xFFFFFC20] =	vst v7;
	v7 =	vld [tilespmem:s26+$0xFFFFFC30];
	_ =	sdelay $0x4  }
0x116: {  	v27 =	vmul.f32 v9, v3;
	v7 =	vmul.f32 v7, v8;
	_ =	sdelay $0x1  }
0x117: {  	v7 =	vadd.f32 v7, v27;
	_ =	sdelay $0x1  }
0x118: {  	[tilespmem:s26+$0xFFFFFC30] =	vst v7;
	v7 =	vld [tilespmem:s26+$0xFFFFFC40];
	_ =	sdelay $0x4  }
0x119: {  	v28 =	vmul.f32 v9, v4;
	v7 =	vmul.f32 v7, v8;
	_ =	sdelay $0x1  }
0x11a: {  	v7 =	vadd.f32 v7, v28;
	_ =	sdelay $0x1  }
0x11b: {  	[tilespmem:s26+$0xFFFFFC40] =	vst v7;
	v7 =	vld [tilespmem:s26+$0xFFFFFC50];
	_ =	sdelay $0x2  }
0x11c: {  	v30 =	vbroadcast v6, $0x1;
	v29 =	vbroadcast v5, $0x1;
	_ =	sdelay $0x1  }
0x11d: {  	v31 =	vmul.f32 v30, v1;
	v7 =	vmul.f32 v7, v29;
	_ =	sdelay $0x1  }
0x11e: {  	v7 =	vadd.f32 v7, v31;
	_ =	sdelay $0x1  }
0x11f: {  	[tilespmem:s26+$0xFFFFFC50] =	vst v7;
	v7 =	vld [tilespmem:s26+$0xFFFFFC60];
	_ =	sdelay $0x4  }
0x120: {  	v32 =	vmul.f32 v30, v2;
	v7 =	vmul.f32 v7, v29;
	_ =	sdelay $0x1  }
0x121: {  	v7 =	vadd.f32 v7, v32;
	_ =	sdelay $0x1  }
0x122: {  	[tilespmem:s26+$0xFFFFFC60] =	vst v7;
	v7 =	vld [tilespmem:s26+$0xFFFFFC70];
	_ =	sdelay $0x4  }
0x123: {  	v33 =	vmul.f32 v30, v3;
	v7 =	vmul.f32 v7, v29;
	_ =	sdelay $0x1  }
0x124: {  	v7 =	vadd.f32 v7, v33;
	_ =	sdelay $0x1  }
0x125: {  	[tilespmem:s26+$0xFFFFFC70] =	vst v7;
	v7 =	vld [tilespmem:s26+$0xFFFFFC80];
	_ =	sdelay $0x4  }
0x126: {  	v34 =	vmul.f32 v30, v4;
	v7 =	vmul.f32 v7, v29;
	_ =	sdelay $0x1  }
0x127: {  	v7 =	vadd.f32 v7, v34;
	_ =	sdelay $0x1  }
0x128: {  	[tilespmem:s26+$0xFFFFFC80] =	vst v7;
	v7 =	vld [tilespmem:s26+$0xFFFFFC90];
	_ =	sdelay $0x2  }
0x129: {  	v36 =	vbroadcast v6, $0x2;
	v35 =	vbroadcast v5, $0x2;
	_ =	sdelay $0x1  }
0x12a: {  	v37 =	vmul.f32 v36, v1;
	v7 =	vmul.f32 v7, v35;
	_ =	sdelay $0x1  }
0x12b: {  	v7 =	vadd.f32 v7, v37;
	_ =	sdelay $0x1  }
0x12c: {  	[tilespmem:s26+$0xFFFFFC90] =	vst v7;
	v7 =	vld [tilespmem:s26+$0xFFFFFCA0];
	_ =	sdelay $0x4  }
0x12d: {  	v38 =	vmul.f32 v36, v2;
	v7 =	vmul.f32 v7, v35;
	_ =	sdelay $0x1  }
0x12e: {  	v7 =	vadd.f32 v7, v38;
	_ =	sdelay $0x1  }
0x12f: {  	[tilespmem:s26+$0xFFFFFCA0] =	vst v7;
	v7 =	vld [tilespmem:s26+$0xFFFFFCB0];
	_ =	sdelay $0x4  }
0x130: {  	v39 =	vmul.f32 v36, v3;
	v7 =	vmul.f32 v7, v35;
	_ =	sdelay $0x1  }
0x131: {  	v7 =	vadd.f32 v7, v39;
	_ =	sdelay $0x1  }
0x132: {  	[tilespmem:s26+$0xFFFFFCB0] =	vst v7;
	v7 =	vld [tilespmem:s26+$0xFFFFFCC0];
	_ =	sdelay $0x4  }
0x133: {  	v40 =	vmul.f32 v36, v4;
	v7 =	vmul.f32 v7, v35;
	_ =	sdelay $0x1  }
0x134: {  	v7 =	vadd.f32 v7, v40;
	_ =	sdelay $0x1  }
0x135: {  	[tilespmem:s26+$0xFFFFFCC0] =	vst v7;
	v7 =	vld [tilespmem:s26+$0xFFFFFCD0];
	_ =	sdelay $0x2  }
0x136: {  	v42 =	vbroadcast v6, $0x3;
	v41 =	vbroadcast v5, $0x3;
	_ =	sdelay $0x1  }
0x137: {  	v43 =	vmul.f32 v42, v1;
	v7 =	vmul.f32 v7, v41;
	_ =	sdelay $0x1  }
0x138: {  	v7 =	vadd.f32 v7, v43;
	_ =	sdelay $0x1  }
0x139: {  	[tilespmem:s26+$0xFFFFFCD0] =	vst v7;
	v7 =	vld [tilespmem:s26+$0xFFFFFCE0];
	_ =	sdelay $0x4  }
0x13a: {  	v44 =	vmul.f32 v42, v2;
	v7 =	vmul.f32 v7, v41;
	_ =	sdelay $0x1  }
0x13b: {  	v7 =	vadd.f32 v7, v44;
	_ =	sdelay $0x1  }
0x13c: {  	[tilespmem:s26+$0xFFFFFCE0] =	vst v7;
	v7 =	vld [tilespmem:s26+$0xFFFFFCF0];
	_ =	sdelay $0x4  }
0x13d: {  	v45 =	vmul.f32 v42, v3;
	v7 =	vmul.f32 v7, v41;
	_ =	sdelay $0x1  }
0x13e: {  	v7 =	vadd.f32 v7, v45;
	_ =	sdelay $0x1  }
0x13f: {  	[tilespmem:s26+$0xFFFFFCF0] =	vst v7;
	v7 =	vld [tilespmem:s26+$0xFFFFFD00];
	_ =	sdelay $0x4  }
0x140: {  	v46 =	vmul.f32 v42, v4;
	v7 =	vmul.f32 v7, v41;
	_ =	sdelay $0x1  }
0x141: {  	v7 =	vadd.f32 v7, v46;
	_ =	sdelay $0x1  }
0x142: {  	[tilespmem:s26+$0xFFFFFD00] =	vst v7;
	v7 =	vld [tilespmem:s26+$0xFFFFFD10];
	_ =	sdelay $0x2  }
0x143: {  	v48 =	vbroadcast v6, $0x4;
	v47 =	vbroadcast v5, $0x4;
	_ =	sdelay $0x1  }
0x144: {  	v49 =	vmul.f32 v48, v1;
	v7 =	vmul.f32 v7, v47;
	_ =	sdelay $0x1  }
0x145: {  	v7 =	vadd.f32 v7, v49;
	_ =	sdelay $0x1  }
0x146: {  	[tilespmem:s26+$0xFFFFFD10] =	vst v7;
	v7 =	vld [tilespmem:s26+$0xFFFFFD20];
	_ =	sdelay $0x4  }
0x147: {  	v50 =	vmul.f32 v48, v2;
	v7 =	vmul.f32 v7, v47;
	_ =	sdelay $0x1  }
0x148: {  	v7 =	vadd.f32 v7, v50;
	_ =	sdelay $0x1  }
0x149: {  	[tilespmem:s26+$0xFFFFFD20] =	vst v7;
	v7 =	vld [tilespmem:s26+$0xFFFFFD30];
	_ =	sdelay $0x4  }
0x14a: {  	v51 =	vmul.f32 v48, v3;
	v7 =	vmul.f32 v7, v47;
	_ =	sdelay $0x1  }
0x14b: {  	v7 =	vadd.f32 v7, v51;
	_ =	sdelay $0x1  }
0x14c: {  	[tilespmem:s26+$0xFFFFFD30] =	vst v7;
	v7 =	vld [tilespmem:s26+$0xFFFFFD40];
	_ =	sdelay $0x4  }
0x14d: {  	v52 =	vmul.f32 v48, v4;
	v7 =	vmul.f32 v7, v47;
	_ =	sdelay $0x1  }
0x14e: {  	v7 =	vadd.f32 v7, v52;
	_ =	sdelay $0x1  }
0x14f: {  	[tilespmem:s26+$0xFFFFFD40] =	vst v7;
	v7 =	vld [tilespmem:s26+$0xFFFFFD50];
	_ =	sdelay $0x2  }
0x150: {  	v54 =	vbroadcast v6, $0x5;
	v53 =	vbroadcast v5, $0x5;
	_ =	sdelay $0x1  }
0x151: {  	v55 =	vmul.f32 v54, v1;
	v7 =	vmul.f32 v7, v53;
	_ =	sdelay $0x1  }
0x152: {  	v7 =	vadd.f32 v7, v55;
	_ =	sdelay $0x1  }
0x153: {  	[tilespmem:s26+$0xFFFFFD50] =	vst v7;
	v7 =	vld [tilespmem:s26+$0xFFFFFD60];
	_ =	sdelay $0x4  }
0x154: {  	v56 =	vmul.f32 v54, v2;
	v7 =	vmul.f32 v7, v53;
	_ =	sdelay $0x1  }
0x155: {  	v7 =	vadd.f32 v7, v56;
	_ =	sdelay $0x1  }
0x156: {  	[tilespmem:s26+$0xFFFFFD60] =	vst v7;
	v7 =	vld [tilespmem:s26+$0xFFFFFD70];
	_ =	sdelay $0x4  }
0x157: {  	v57 =	vmul.f32 v54, v3;
	v7 =	vmul.f32 v7, v53;
	_ =	sdelay $0x1  }
0x158: {  	v7 =	vadd.f32 v7, v57;
	_ =	sdelay $0x1  }
0x159: {  	[tilespmem:s26+$0xFFFFFD70] =	vst v7;
	v7 =	vld [tilespmem:s26+$0xFFFFFD80];
	_ =	sdelay $0x4  }
0x15a: {  	v58 =	vmul.f32 v54, v4;
	v7 =	vmul.f32 v7, v53;
	_ =	sdelay $0x1  }
0x15b: {  	v7 =	vadd.f32 v7, v58;
	_ =	sdelay $0x1  }
0x15c: {  	[tilespmem:s26+$0xFFFFFD80] =	vst v7;
	v7 =	vld [tilespmem:s26+$0xFFFFFD90];
	_ =	sdelay $0x2  }
0x15d: {  	v60 =	vbroadcast v6, $0x6;
	v59 =	vbroadcast v5, $0x6;
	_ =	sdelay $0x1  }
0x15e: {  	v61 =	vmul.f32 v60, v1;
	v7 =	vmul.f32 v7, v59;
	_ =	sdelay $0x1  }
0x15f: {  	v7 =	vadd.f32 v7, v61;
	_ =	sdelay $0x1  }
0x160: {  	[tilespmem:s26+$0xFFFFFD90] =	vst v7;
	v7 =	vld [tilespmem:s26+$0xFFFFFDA0];
	_ =	sdelay $0x4  }
0x161: {  	v62 =	vmul.f32 v60, v2;
	v7 =	vmul.f32 v7, v59;
	_ =	sdelay $0x1  }
0x162: {  	v7 =	vadd.f32 v7, v62;
	_ =	sdelay $0x1  }
0x163: {  	[tilespmem:s26+$0xFFFFFDA0] =	vst v7;
	v7 =	vld [tilespmem:s26+$0xFFFFFDB0];
	_ =	sdelay $0x4  }
0x164: {  	v63 =	vmul.f32 v60, v3;
	v7 =	vmul.f32 v7, v59;
	_ =	sdelay $0x1  }
0x165: {  	v7 =	vadd.f32 v7, v63;
	_ =	sdelay $0x1  }
0x166: {  	[tilespmem:s26+$0xFFFFFDB0] =	vst v7;
	v7 =	vld [tilespmem:s26+$0xFFFFFDC0];
	_ =	sdelay $0x4  }
0x167: {  	v12 =	vmul.f32 v60, v4;
	v7 =	vmul.f32 v7, v59;
	_ =	sdelay $0x1  }
0x168: {  	v7 =	vadd.f32 v7, v12;
	_ =	sdelay $0x1  }
0x169: {  	[tilespmem:s26+$0xFFFFFDC0] =	vst v7;
	v7 =	vld [tilespmem:s26+$0xFFFFFDD0];
	_ =	sdelay $0x2  }
0x16a: {  	v14 =	vbroadcast v6, $0x7;
	v13 =	vbroadcast v5, $0x7;
	_ =	sdelay $0x1  }
0x16b: {  	v15 =	vmul.f32 v14, v1;
	v7 =	vmul.f32 v7, v13;
	_ =	sdelay $0x1  }
0x16c: {  	v7 =	vadd.f32 v7, v15;
	_ =	sdelay $0x1  }
0x16d: {  	[tilespmem:s26+$0xFFFFFDD0] =	vst v7;
	v7 =	vld [tilespmem:s26+$0xFFFFFDE0];
	_ =	sdelay $0x4  }
0x16e: {  	v16 =	vmul.f32 v14, v2;
	v7 =	vmul.f32 v7, v13;
	_ =	sdelay $0x1  }
0x16f: {  	v7 =	vadd.f32 v7, v16;
	_ =	sdelay $0x1  }
0x170: {  	[tilespmem:s26+$0xFFFFFDE0] =	vst v7;
	v7 =	vld [tilespmem:s26+$0xFFFFFDF0];
	_ =	sdelay $0x4  }
0x171: {  	v17 =	vmul.f32 v14, v3;
	v7 =	vmul.f32 v7, v13;
	_ =	sdelay $0x1  }
0x172: {  	v7 =	vadd.f32 v7, v17;
	_ =	sdelay $0x1  }
0x173: {  	[tilespmem:s26+$0xFFFFFDF0] =	vst v7;
	v7 =	vld [tilespmem:s26+$0xFFFFFE00];
	_ =	sdelay $0x4  }
0x174: {  	v18 =	vmul.f32 v14, v4;
	v7 =	vmul.f32 v7, v13;
	_ =	sdelay $0x1  }
0x175: {  	v7 =	vadd.f32 v7, v18;
	_ =	sdelay $0x1  }
0x176: {  	[tilespmem:s26+$0xFFFFFE00] =	vst v7;
	v7 =	vld [tilespmem:s26+$0xFFFFFE10];
	_ =	sdelay $0x2  }
0x177: {  	v20 =	vbroadcast v6, $0x8;
	v19 =	vbroadcast v5, $0x8;
	_ =	sdelay $0x1  }
0x178: {  	v21 =	vmul.f32 v20, v1;
	v7 =	vmul.f32 v7, v19;
	_ =	sdelay $0x1  }
0x179: {  	v7 =	vadd.f32 v7, v21;
	_ =	sdelay $0x1  }
0x17a: {  	[tilespmem:s26+$0xFFFFFE10] =	vst v7;
	v7 =	vld [tilespmem:s26+$0xFFFFFE20];
	_ =	sdelay $0x4  }
0x17b: {  	v22 =	vmul.f32 v20, v2;
	v7 =	vmul.f32 v7, v19;
	_ =	sdelay $0x1  }
0x17c: {  	v7 =	vadd.f32 v7, v22;
	_ =	sdelay $0x1  }
0x17d: {  	[tilespmem:s26+$0xFFFFFE20] =	vst v7;
	v7 =	vld [tilespmem:s26+$0xFFFFFE30];
	_ =	sdelay $0x4  }
0x17e: {  	v23 =	vmul.f32 v20, v3;
	v7 =	vmul.f32 v7, v19;
	_ =	sdelay $0x1  }
0x17f: {  	v7 =	vadd.f32 v7, v23;
	_ =	sdelay $0x1  }
0x180: {  	[tilespmem:s26+$0xFFFFFE30] =	vst v7;
	v7 =	vld [tilespmem:s26+$0xFFFFFE40];
	_ =	sdelay $0x4  }
0x181: {  	v24 =	vmul.f32 v20, v4;
	v7 =	vmul.f32 v7, v19;
	_ =	sdelay $0x1  }
0x182: {  	v7 =	vadd.f32 v7, v24;
	_ =	sdelay $0x1  }
0x183: {  	[tilespmem:s26+$0xFFFFFE40] =	vst v7;
	v7 =	vld [tilespmem:s26+$0xFFFFFE50];
	_ =	sdelay $0x2  }
0x184: {  	v25 =	vbroadcast v5, $0x9;
	v26 =	vbroadcast v6, $0x9;
	_ =	sdelay $0x1  }
0x185: {  	v27 =	vmul.f32 v26, v1;
	v7 =	vmul.f32 v7, v25;
	_ =	sdelay $0x1  }
0x186: {  	v7 =	vadd.f32 v7, v27;
	_ =	sdelay $0x1  }
0x187: {  	[tilespmem:s26+$0xFFFFFE50] =	vst v7;
	v7 =	vld [tilespmem:s26+$0xFFFFFE60];
	_ =	sdelay $0x4  }
0x188: {  	v28 =	vmul.f32 v26, v2;
	v7 =	vmul.f32 v7, v25;
	_ =	sdelay $0x1  }
0x189: {  	v7 =	vadd.f32 v7, v28;
	_ =	sdelay $0x1  }
0x18a: {  	[tilespmem:s26+$0xFFFFFE60] =	vst v7;
	v7 =	vld [tilespmem:s26+$0xFFFFFE70];
	_ =	sdelay $0x4  }
0x18b: {  	v29 =	vmul.f32 v26, v3;
	v7 =	vmul.f32 v7, v25;
	_ =	sdelay $0x1  }
0x18c: {  	v7 =	vadd.f32 v7, v29;
	_ =	sdelay $0x1  }
0x18d: {  	[tilespmem:s26+$0xFFFFFE70] =	vst v7;
	v7 =	vld [tilespmem:s26+$0xFFFFFE80];
	_ =	sdelay $0x4  }
0x18e: {  	v30 =	vmul.f32 v26, v4;
	v7 =	vmul.f32 v7, v25;
	_ =	sdelay $0x1  }
0x18f: {  	v7 =	vadd.f32 v7, v30;
	_ =	sdelay $0x1  }
0x190: {  	[tilespmem:s26+$0xFFFFFE80] =	vst v7;
	v7 =	vld [tilespmem:s26+$0xFFFFFE90];
	_ =	sdelay $0x2  }
0x191: {  	v31 =	vbroadcast v5, $0xA;
	v32 =	vbroadcast v6, $0xA;
	_ =	sdelay $0x1  }
0x192: {  	v33 =	vmul.f32 v32, v1;
	v7 =	vmul.f32 v7, v31;
	_ =	sdelay $0x1  }
0x193: {  	v7 =	vadd.f32 v7, v33;
	_ =	sdelay $0x1  }
0x194: {  	[tilespmem:s26+$0xFFFFFE90] =	vst v7;
	v7 =	vld [tilespmem:s26+$0xFFFFFEA0];
	_ =	sdelay $0x4  }
0x195: {  	v34 =	vmul.f32 v32, v2;
	v7 =	vmul.f32 v7, v31;
	_ =	sdelay $0x1  }
0x196: {  	v7 =	vadd.f32 v7, v34;
	_ =	sdelay $0x1  }
0x197: {  	[tilespmem:s26+$0xFFFFFEA0] =	vst v7;
	v7 =	vld [tilespmem:s26+$0xFFFFFEB0];
	_ =	sdelay $0x4  }
0x198: {  	v35 =	vmul.f32 v32, v3;
	v7 =	vmul.f32 v7, v31;
	_ =	sdelay $0x1  }
0x199: {  	v7 =	vadd.f32 v7, v35;
	_ =	sdelay $0x1  }
0x19a: {  	[tilespmem:s26+$0xFFFFFEB0] =	vst v7;
	v7 =	vld [tilespmem:s26+$0xFFFFFEC0];
	_ =	sdelay $0x4  }
0x19b: {  	v36 =	vmul.f32 v32, v4;
	v7 =	vmul.f32 v7, v31;
	_ =	sdelay $0x1  }
0x19c: {  	v7 =	vadd.f32 v7, v36;
	_ =	sdelay $0x1  }
0x19d: {  	[tilespmem:s26+$0xFFFFFEC0] =	vst v7;
	v7 =	vld [tilespmem:s26+$0xFFFFFED0];
	_ =	sdelay $0x2  }
0x19e: {  	v37 =	vbroadcast v5, $0xB;
	v38 =	vbroadcast v6, $0xB;
	_ =	sdelay $0x1  }
0x19f: {  	v39 =	vmul.f32 v38, v1;
	v7 =	vmul.f32 v7, v37;
	_ =	sdelay $0x1  }
0x1a0: {  	v7 =	vadd.f32 v7, v39;
	_ =	sdelay $0x1  }
0x1a1: {  	[tilespmem:s26+$0xFFFFFED0] =	vst v7;
	v7 =	vld [tilespmem:s26+$0xFFFFFEE0];
	_ =	sdelay $0x4  }
0x1a2: {  	v40 =	vmul.f32 v38, v2;
	v7 =	vmul.f32 v7, v37;
	_ =	sdelay $0x1  }
0x1a3: {  	v7 =	vadd.f32 v7, v40;
	_ =	sdelay $0x1  }
0x1a4: {  	[tilespmem:s26+$0xFFFFFEE0] =	vst v7;
	v7 =	vld [tilespmem:s26+$0xFFFFFEF0];
	_ =	sdelay $0x4  }
0x1a5: {  	v41 =	vmul.f32 v38, v3;
	v7 =	vmul.f32 v7, v37;
	_ =	sdelay $0x1  }
0x1a6: {  	v7 =	vadd.f32 v7, v41;
	_ =	sdelay $0x1  }
0x1a7: {  	[tilespmem:s26+$0xFFFFFEF0] =	vst v7;
	v7 =	vld [tilespmem:s26+$0xFFFFFF00];
	_ =	sdelay $0x4  }
0x1a8: {  	v42 =	vmul.f32 v38, v4;
	v7 =	vmul.f32 v7, v37;
	_ =	sdelay $0x1  }
0x1a9: {  	v7 =	vadd.f32 v7, v42;
	_ =	sdelay $0x1  }
0x1aa: {  	[tilespmem:s26+$0xFFFFFF00] =	vst v7;
	v7 =	vld [tilespmem:s26+$0xFFFFFF10];
	_ =	sdelay $0x2  }
0x1ab: {  	v43 =	vbroadcast v5, $0xC;
	v44 =	vbroadcast v6, $0xC;
	_ =	sdelay $0x1  }
0x1ac: {  	v45 =	vmul.f32 v44, v1;
	v7 =	vmul.f32 v7, v43;
	_ =	sdelay $0x1  }
0x1ad: {  	v7 =	vadd.f32 v7, v45;
	_ =	sdelay $0x1  }
0x1ae: {  	[tilespmem:s26+$0xFFFFFF10] =	vst v7;
	v7 =	vld [tilespmem:s26+$0xFFFFFF20];
	_ =	sdelay $0x4  }
0x1af: {  	v46 =	vmul.f32 v44, v2;
	v7 =	vmul.f32 v7, v43;
	_ =	sdelay $0x1  }
0x1b0: {  	v7 =	vadd.f32 v7, v46;
	_ =	sdelay $0x1  }
0x1b1: {  	[tilespmem:s26+$0xFFFFFF20] =	vst v7;
	v7 =	vld [tilespmem:s26+$0xFFFFFF30];
	_ =	sdelay $0x4  }
0x1b2: {  	v47 =	vmul.f32 v44, v3;
	v7 =	vmul.f32 v7, v43;
	_ =	sdelay $0x1  }
0x1b3: {  	v7 =	vadd.f32 v7, v47;
	_ =	sdelay $0x1  }
0x1b4: {  	[tilespmem:s26+$0xFFFFFF30] =	vst v7;
	v7 =	vld [tilespmem:s26+$0xFFFFFF40];
	_ =	sdelay $0x4  }
0x1b5: {  	v48 =	vmul.f32 v44, v4;
	v7 =	vmul.f32 v7, v43;
	_ =	sdelay $0x1  }
0x1b6: {  	v7 =	vadd.f32 v7, v48;
	_ =	sdelay $0x1  }
0x1b7: {  	[tilespmem:s26+$0xFFFFFF40] =	vst v7;
	v7 =	vld [tilespmem:s26+$0xFFFFFF50];
	_ =	sdelay $0x2  }
0x1b8: {  	v49 =	vbroadcast v5, $0xD;
	v50 =	vbroadcast v6, $0xD;
	_ =	sdelay $0x1  }
0x1b9: {  	v51 =	vmul.f32 v50, v1;
	v7 =	vmul.f32 v7, v49;
	_ =	sdelay $0x1  }
0x1ba: {  	v7 =	vadd.f32 v7, v51;
	_ =	sdelay $0x1  }
0x1bb: {  	[tilespmem:s26+$0xFFFFFF50] =	vst v7;
	v7 =	vld [tilespmem:s26+$0xFFFFFF60];
	_ =	sdelay $0x4  }
0x1bc: {  	v52 =	vmul.f32 v50, v2;
	v7 =	vmul.f32 v7, v49;
	_ =	sdelay $0x1  }
0x1bd: {  	v7 =	vadd.f32 v7, v52;
	_ =	sdelay $0x1  }
0x1be: {  	[tilespmem:s26+$0xFFFFFF60] =	vst v7;
	v7 =	vld [tilespmem:s26+$0xFFFFFF70];
	_ =	sdelay $0x4  }
0x1bf: {  	v53 =	vmul.f32 v50, v3;
	v7 =	vmul.f32 v7, v49;
	_ =	sdelay $0x1  }
0x1c0: {  	v7 =	vadd.f32 v7, v53;
	_ =	sdelay $0x1  }
0x1c1: {  	[tilespmem:s26+$0xFFFFFF70] =	vst v7;
	v7 =	vld [tilespmem:s26+$0xFFFFFF80];
	_ =	sdelay $0x4  }
0x1c2: {  	v54 =	vmul.f32 v50, v4;
	v7 =	vmul.f32 v7, v49;
	_ =	sdelay $0x1  }
0x1c3: {  	v7 =	vadd.f32 v7, v54;
	_ =	sdelay $0x1  }
0x1c4: {  	[tilespmem:s26+$0xFFFFFF80] =	vst v7;
	v7 =	vld [tilespmem:s26+$0xFFFFFF90];
	_ =	sdelay $0x2  }
0x1c5: {  	v55 =	vbroadcast v5, $0xE;
	v56 =	vbroadcast v6, $0xE;
	_ =	sdelay $0x1  }
0x1c6: {  	v57 =	vmul.f32 v56, v1;
	v7 =	vmul.f32 v7, v55;
	_ =	sdelay $0x1  }
0x1c7: {  	v7 =	vadd.f32 v7, v57;
	_ =	sdelay $0x1  }
0x1c8: {  	[tilespmem:s26+$0xFFFFFF90] =	vst v7;
	v7 =	vld [tilespmem:s26+$0xFFFFFFA0];
	_ =	sdelay $0x4  }
0x1c9: {  	v58 =	vmul.f32 v56, v2;
	v7 =	vmul.f32 v7, v55;
	_ =	sdelay $0x1  }
0x1ca: {  	v7 =	vadd.f32 v7, v58;
	_ =	sdelay $0x1  }
0x1cb: {  	[tilespmem:s26+$0xFFFFFFA0] =	vst v7;
	v7 =	vld [tilespmem:s26+$0xFFFFFFB0];
	_ =	sdelay $0x4  }
0x1cc: {  	v59 =	vmul.f32 v56, v3;
	v7 =	vmul.f32 v7, v55;
	_ =	sdelay $0x1  }
0x1cd: {  	v7 =	vadd.f32 v7, v59;
	_ =	sdelay $0x1  }
0x1ce: {  	[tilespmem:s26+$0xFFFFFFB0] =	vst v7;
	v7 =	vld [tilespmem:s26+$0xFFFFFFC0];
	_ =	sdelay $0x4  }
0x1cf: {  	v60 =	vmul.f32 v56, v4;
	v7 =	vmul.f32 v7, v55;
	_ =	sdelay $0x1  }
0x1d0: {  	v7 =	vadd.f32 v7, v60;
	_ =	sdelay $0x1  }
0x1d1: {  	[tilespmem:s26+$0xFFFFFFC0] =	vst v7;
	v7 =	vld [tilespmem:s26+$0xFFFFFFD0];
	_ =	sdelay $0x2  }
0x1d2: {  	v5 =	vbroadcast v5, $0xF;
	v6 =	vbroadcast v6, $0xF;
	_ =	sdelay $0x1  }
0x1d3: {  	v61 =	vmul.f32 v6, v1;
	v7 =	vmul.f32 v7, v5;
	_ =	sdelay $0x1  }
0x1d4: {  	v7 =	vadd.f32 v7, v61;
	_ =	sdelay $0x1  }
0x1d5: {  	[tilespmem:s26+$0xFFFFFFD0] =	vst v7;
	v7 =	vld [tilespmem:s26+$0xFFFFFFE0];
	_ =	sdelay $0x4  }
0x1d6: {  	v62 =	vmul.f32 v6, v2;
	v7 =	vmul.f32 v7, v5;
	_ =	sdelay $0x1  }
0x1d7: {  	v7 =	vadd.f32 v7, v62;
	_ =	sdelay $0x1  }
0x1d8: {  	[tilespmem:s26+$0xFFFFFFE0] =	vst v7;
	v7 =	vld [tilespmem:s26+$0xFFFFFFF0];
	_ =	sdelay $0x4  }
0x1d9: {  	v63 =	vmul.f32 v6, v3;
	v7 =	vmul.f32 v7, v5;
	_ =	sdelay $0x1  }
0x1da: {  	v7 =	vadd.f32 v7, v63;
	_ =	sdelay $0x1  }
0x1db: {  	[tilespmem:s26+$0xFFFFFFF0] =	vst v7;
	v7 =	vld [tilespmem:s26+$0x0];
	_ =	sdelay $0x3  }
0x1dc: {  	p0 =	sne.s32 s25, $0x1C0  }
.Ltmp1:
0x1dd: {  	v6 =	vmul.f32 v6, v4;
	v5 =	vmul.f32 v7, v5;
	(pc) =	sbr.rel @p0 .LBB2_5-.Ltmp1, $3  }
0x1de: {  	_ = 	snop  }
0x1df: {  	v5 =	vadd.f32 v5, v6;
	_ =	sdelay $0x1  }
0x1e0: {  	s25 =	sadd.s32 $0x40, s25;
	[tilespmem:s26+$0x0] =	vst v5;
	s26 =	sadd.s32 $0x400, s26  }
0x1e1: {  	s24 =	smul.u32 $0x18, s24;
	_ =	sdelay $0x1  }
0x1e2: {  	s25 =	sadd.s32 s2, s24  }
0x1e3: {  	[hbm4b:s25+s15] =	stream.strided.scatter [tilespmem:s18], [sflag:$0x2], $0x8000, s20, s15, $0x38;
	[tilespmem:$0xC240] =	vst v63  }
0x1e4: {  	s23 =	sadd.s32 $0x1, s23;
	_ =	swait.ge [sflag:s13], $0x8000  }
0x1e5: {  	p0 =	sne.s32 s23, $0x19;
	[sflag:s13] =	ssyncset.done $0x0  }
.Ltmp2:
0x1e6: {  	s24 =	sadd.s32 s24, s10;
	[sflag:s13] =	ssyncadd.s32 $0xFFFF8000;
	(pc) =	sbr.rel @p0 .LBB2_2-.Ltmp2, $4  }
0x1e7: {  	[hbm4b:s24+s21] =	stream.strided.scatter [tilespmem:s16], [sflag:$0x2], $0x4000, s20, s21, $0x38;
	[tilespmem:$0xC240] =	vst v63  }
0x1e8: {  	_ =	swait.ge [sflag:s13], $0x4000  }
0x1e9: {  	[sflag:s13] =	ssyncset.done $0x0  }
0x1ea: {  	[sflag:s13] =	ssyncadd.s32 $0xFFFFC000  }
0x1eb: {  	s22 =	sadd.s32 $0x1, s22  }
0x1ec: {  	p0 =	sne.s32 s22, s11  }
.Ltmp3:
0x1ed: {  	_ = 	snop;
	(pc) =	sbr.rel @p0 .LBB2_1-.Ltmp3, $1  }
0x1ee: {  	_ =	sdelay $0x3  }
0x1ef: {  	_ =	sfence.sel $0x180000  }
0x1f0: {  	[bflag:$0x0] =	sbarrier.arrive $0xFFFF  }
0x1f1: {  	p0 =	sne.s32 s4, $0x0;
	_ =	strace $0x90000047  }
0x1f2: {  	s0 =	sadd.s32 @!p0 $0x100000, s0;
	[bflag:$0x2] =	sbarrier.arrive $0xFFFF  }
0x1f3: {  	[sflag:s0] =	ssyncadd.tile.s32 @!p0 $0x1;
	_ =	shalt  }
.Lfunc_end2:
_tile_overlayer_lowered:
.L_overlay_start_2:
0x1f4: {  	(tag) =	ssettag $0x2  }
0x1f5: {  	s0 =	rddreg [dreg:$0x0];
	s2 =	stileid.u32  }
0x1f6: {  	s1 =	rddreg [dreg:$0x1];
	p0 =	sne.s32 s2, $0x0  }
0x1f7: {  	s3 =	rddreg [dreg:$0x2];
	[bflag:$0x3] =	sbarrier.arrive $0xFFFF;
	s2 =	simm.s32 @!p0 $0x1C02  }
0x1f8: {  	[timem:s3], [sflag:s2] =	dma.local @!p0 [hbm:s0], s1  }
0x1f9: {  	s0 =	simm.s32 @!p0 $0x2  }
0x1fa: {  	_ =	swait.ge @!p0 [sflag:s0], s1  }
0x1fb: {  	s1 =	ssub.s32 @!p0 $0x0, s1;
	[sflag:s0] =	ssyncset.done @!p0 $0x0  }
0x1fc: {  	[sflag:s0] =	ssyncadd.s32 @!p0 s1  }
0x1fd: {  	[bflag:$0x3] =	sbarrier.arrive $0xFFFF  }
0x1fe: {  	_ =	shalt  }

// kernel: sparse-core-data-format-call.cloned.1.call-start
scs
called_computation_lowered:
.L_overlay_start_0:
0x0: {  	s2 =	sld [smem:$0x3FD9]  }
0x1: {  	s3 =	sld [smem:$0x3FFE];
	_ =	sdelay $0x1  }
0x2: {  	s1 =	srdreg.scid  }
0x3: {  	s0 =	sand.u32 $0x1, s1  }
0x4: {  	s18 =	sshll.u32 s0, $0xA;
	s2 =	sadd.s32 s3, s2  }
0x5: {  	s2 =	sadd.s32 s2, s18  }
0x6: {  	[smem:$0x3FC3] =	sst s2  }
0x7: {  	_ = 	snop  }
0x8: {  	s2 =	sld [smem:$0x3FD0];
	(tm) =	ssettm $0x1  }
0x9: {  	s19 =	sld [smem:$0x3FFB];
	_ =	sdelay $0x3  }
0xa: {  	_ =	strace s19  }
0xb: {  	s3 =	sld [smem:$0x3FFC];
	_ =	sdelay $0x3  }
0xc: {  	_ =	strace s3  }
0xd: {  	s3 =	sld [smem:$0x3FFD];
	_ =	sdelay $0x3  }
0xe: {  	_ =	strace s3  }
0xf: {  	_ =	strace $0x8FFFFFFF  }
0x10: {  	s20 =	sld [smem:$0x3FDB];
	_ =	sdelay $0x1  }
0x11: {  	s4 =	simm.s32 $_scs_section_size  }
0x12: {  	s5 =	simm.s32 $_size__tile_overlayer_lowered;
	s6 =	simm.s32 $_tile_overlayer_lowered  }
0x13: {  	s23 =	simm.s32 $0x1BFF;
	s22 =	sshll.u32 s6, $0x1;
	s3 =	sadd.s32 s4, s20  }
0x14: {  	s7 =	simm.s32 $0x0;
	s21 =	sshll.u32 s5, $0x1;
	s5 =	sadd.s32 s22, s3  }
0x15: {  	[timem:s7], [sflag:s23] =	dma.local [hbm:s5], s21  }
0x16: {  	_ =	swait.ge [sflag:s23], s21  }
0x17: {  	s4 =	ssub.s32 $0x0, s21;
	[sflag:s23] =	ssyncset.done $0x0  }
0x18: {  	[sflag:s23] =	ssyncadd.s32 s4;
	_ =	sdelay $0x1  }
0x19: {  	s24 =	simm.s32 $0x1B8B  }
0x1a: {  	_ =	swait.ge [sflag:s24], $0x1  }
0x1b: {  	[sflag:s24] =	ssyncset.done $0x0  }
0x1c: {  	s26 =	simm.s32 $0x1B8E;
	s25 =	sld [smem:$0x3FFE];
	[sflag:s24] =	ssyncadd.s32 $0xFFFFFFFF  }
0x1d: {  	s27 =	simm.s32 $execute0_lowered;
	[smem:$0x3FD2] =	sst s26  }
0x1e: {  	s5 =	sshll.u32 s27, $0x1;
	_ =	strace $0x80000049;
	[dreg:$0x1] =	wrdreg $0xFFFFFFFF  }
0x1f: {  	s28 =	simm.s32 $_size_execute0_lowered;
	s3 =	sadd.s32 s3, s5;
	[dreg:$0x0] =	wrdreg $0x0  }
0x20: {  	s5 =	sshll.u32 s28, $0x1;
	[dreg:$0x2] =	wrdreg s3  }
0x21: {  	[dreg:$0x3] =	wrdreg s5  }
0x22: {  	[dreg:$0x4] =	wrdreg $0xC0  }
0x23: {  	_ =	task [dreg:s7], $0x5FFFF  }
0x24: {  	[dreg:$0x1] =	wrdreg $0xFFFFFFFF  }
0x25: {  	[dreg:$0x0] =	wrdreg $0x60  }
0x26: {  	[dreg:$0x2] =	wrdreg s25  }
0x27: {  	[dreg:$0x3] =	wrdreg s2  }
0x28: {  	[dreg:$0x4] =	wrdreg $0x9  }
0x29: {  	_ =	task.clear_ibuf [dreg:s7], $0x5FFFF;
	_ =	strace $0x90000049  }
0x2a: {  	s29 =	simm.s32 $0x9;
	_ =	strace $0x8000004B  }
0x2b: {  	_ =	swait.ge [sflag:s29], $0x1  }
0x2c: {  	[sflag:s29] =	ssyncadd.s32 $0xFFFFFFFF  }
0x2d: {  	_ =	strace $0x9000004B  }
0x2e: {  	_ =	sfence  }
0x2f: {  	s30 =	sld [smem:$0x0];
	_ =	sdelay $0x2  }
0x30: {  	s31 =	sshll.u32 s1, $0xD;
	s1 =	sshrl.u32 s1, $0x2  }
0x31: {  	s3 =	sand.u32 $0x4000, s31;
	s1 =	sadd.s32 s1, s30  }
0x32: {  	s0 =	sor.u32 s3, s0;
	s1 =	sshll.u32 s1, $0x11  }
0x33: {  	s0 =	sor.u32 s1, s0  }
0x34: {  	s0 =	sadd.s32 $0x8F2B, s0  }
0x35: {  	[sflag:s0] =	ssyncadd.remote.s32 $0x1  }
0x36: {  	_ =	sfence.sel $0xFFFF  }
0x37: {  	[dreg:$0x0] =	wrdreg $0xFFFFFFFF;
	(pc) =	sbr.abs _section_cstart, $3  }
0x38: {  	[dreg:$0x1] =	wrdreg $0xFFFFFFFF  }
0x39: {  	_ =	task.clear_ibuf [dreg:s7], $0x2FFFF;
	_ =	strace $0x9FFFFFFF  }
0x3a: {  	(tm) =	ssettm $0x7FFFFFFF  }
0x3b: {  	_ =	shalt  }
tec
execute0_lowered:
.L_overlay_start_1:
0x0: {  	(tag) =	ssettag $0x1  }
0x1: {  	s0 =	srdreg.scid;
	s6 =	rddreg [dreg:$0x0]  }
0x2: {  	s3 =	rddreg [dreg:$0x1];
	s1 =	sshll.u32 s0, $0x4  }
0x3: {  	s5 =	simm.s32 $0x1;
	s0 =	stileid.u32;
	s1 =	sand.u32 $0x10, s1  }
0x4: {  	s31 =	simm.s32 $0x2;
	s16 =	simm.s32 $0x0;
	s1 =	sor.u32 s0, s1  }
0x5: {  	s8 =	simm.s32 $0x8000;
	s18 =	simm.s32 $0x0;
	s2 =	sshll.u32 s1, $0x7  }
0x6: {  	s17 =	simm.s32 $0x0;
	s9 =	simm.s32 $0x0;
	s4 =	ssub.s32 $0x1000, s2  }
0x7: {  	s10 =	simm.s32 $0x0;
	s11 =	simm.s32 $0x0;
	s30 =	sand.u32 $0xF80, s4  }
0x8: {  	s12 =	simm.s32 $0x0;
	s13 =	simm.s32 $0x0;
	p0 =	sne.s32 s30, $0x0  }
.Ltmp0:
0x9: {  	s7 =	sshrl.u32 s4, $0xC;
	s5 =	simm.s32 @!p0 $0x0;
	(pc) =	sbr.rel .LBB1_1-.Ltmp0, $4  }
0xa: {  	s15 =	simm.s32 $0x0;
	s1 =	rddreg [dreg:$0x2];
	s5 =	sadd.s32 s5, s7  }
0xb: {  	_ =	strace $0x8000004A;
	s4 =	simm.s32 $0x1;
	s5 =	smul.u32 $0x64, s5  }
0xc: {  	s6 =	sadd.s32 $0x800, s6;
	s14 =	smov.u32 s2;
	[sflag:s4] =	ssyncpa.u1 $0x0  }
0xd: {  	[sflag:s31] =	ssyncpa.u1 $0x0;
	p0 =	por $0x0, $0x0;
	s7 =	sor.u32 $0x1, s5  }
.LBB1_4:
0xe: {  	s23 =	sshra.s32 s23, $0x2;
	s30 =	sshll.u32 s9, $0xC  }
0xf: {  	p1 =	sgt.s32 s10, $0x31;
	s24 =	smov.u32 s10;
	s25 =	sshra.s32 s10, $0x1F  }
0x10: {  	s26 =	sshll.u32 s11, $0x3;
	s28 =	smov.u32 s11;
	s29 =	sshra.s32 s11, $0x1F  }
0x11: {  	s22 =	sadd.s32 s23, s22;
	s24 =	simm.s32 @!p1 $0x31;
	s25 =	sand.u32 s25, s10  }
0x12: {  	s23 =	sand.u32 $0xFFFF8000, s30;
	s27 =	sand.u32 $0xFFFFFC00, s26;
	p1 =	sgt.s32 s9, $0x40  }
0x13: {  	s31 =	sand.u32 s29, s11;
	s29 =	sshll.u32 s9, $0x7;
	s30 =	sshra.s32 s9, $0x1F  }
0x14: {  	[tilespmem:s21+$0x2040 ss:$0x81] =	vst.msk $0xffff, v4;
	s24 =	ssub.s32 s24, s25;
	s23 =	sadd.s32 s27, s23;
	s27 =	smov.u32 s9  }
0x15: {  	[tilespmem:s21+$0x2850 ss:$0x81] =	vst.msk $0xffff, v3;
	s29 =	sand.u32 $0x380, s29;
	s25 =	sadd.s32 $0xFFFFFFCF, s24;
	s27 =	simm.s32 @!p1 $0x40  }
0x16: {  	v5 =	vld [tilespmem:s20+$0xFFFFFFD0];
	[tilespmem:s21+$0x3060 ss:$0x81] =	vst.msk $0xffff, v2;
	p1 =	sgt.s32 s11, $0xF80;
	s23 =	sshrl.u32 s23, $0xC;
	s24 =	ssub.s32 $0x32, s24  }
0x17: {  	v58 =	vld [tilespmem:s20+$0xFFFFFFE0];
	[tilespmem:s21+$0x0 ss:$0x81] =	vst.msk $0xffff, v1;
	s28 =	simm.s32 @!p1 $0xF80;
	p1 =	sgt.s32 s25, $0x0;
	s21 =	smulhi.u32 $0x1555556, s23  }
0x18: {  	v59 =	vld [tilespmem:s20+$0xFFFFFFF0];
	s25 =	ssub.s32 s28, s31;
	s28 =	sand.u32 s30, s9;
	s24 =	simm.s32 @p1 $0x0  }
0x19: {  	v60 =	vld [tilespmem:s20+$0x0];
	s27 =	ssub.s32 s27, s28;
	s31 =	sadd.s32 $0xFFFFF080, s25;
	s25 =	ssub.s32 $0x1000, s25  }
0x1a: {  	v61 =	vld [tilespmem:s20+$0x10];
	[tilespmem:s22+$0x3870 ss:$0x81] =	vst.msk $0xffff, v0;
	s21 =	smul.u32 $0xC0, s21;
	s28 =	sand.u32 $0x7, s11;
	p1 =	sgt.s32 s31, $0x7F  }
0x1b: {  	v62 =	vld [tilespmem:s20+$0x20];
	[tilespmem:s22+$0x810 ss:$0x81] =	vst.msk $0xffff, v5;
	s30 =	sadd.s32 $0xFFFFFFC0, s27;
	s31 =	sand.u32 $0x78, s11;
	s25 =	simm.s32 @p1 $0x0  }
0x1c: {  	v63 =	vld [tilespmem:s20+$0xFFFFFFC0];
	[tilespmem:s22+$0x1020 ss:$0x81] =	vst.msk $0xffff, v58;
	p1 =	sgt.s32 s30, $0x7F;
	s30 =	sand.u32 $0xC00, s26;
	s24 =	smul.u32 s25, s24  }
0x1d: {  	[tilespmem:s22+$0x1830 ss:$0x81] =	vst.msk $0xffff, v59;
	s26 =	ssub.s32 $0xC0, s27;
	s20 =	sor.u32 s31, s30;
	s31 =	smul.u32 $0x18000, s10  }
0x1e: {  	[tilespmem:s22+$0x2040 ss:$0x81] =	vst.msk $0xffff, v60;
	s21 =	ssub.s32 s23, s21;
	s26 =	simm.s32 @p1 $0x0;
	s20 =	sor.u32 s29, s20  }
0x1f: {  	[tilespmem:s22+$0x2850 ss:$0x81] =	vst.msk $0xffff, v61;
	s26 =	smul.u32 s26, s24;
	s20 =	sshrl.u32 s20, $0x3;
	s27 =	sadd.s32 s3, s31  }
0x20: {  	[tilespmem:s22+$0x3060 ss:$0x81] =	vst.msk $0xffff, v62;
	s21 =	sshll.u32 s21, $0x9;
	s29 =	sshll.u32 s28, $0x12;
	s20 =	sadd.s32 s20, s27  }
0x21: {  	[tilespmem:s22+$0x0 ss:$0x81] =	vst.msk $0xffff, v63;
	s31 =	sor.u32 $0x400, s29;
	s30 =	sand.u32 $0x3FFFFFFF, s26;
	s20 =	sadd.s32 s21, s20  }
0x22: {  	[hbm4b:s20+s31] =	stream.strided.scatter [tilespmem:s19], [sflag:$0x2], s30, s8, s31, $0x20;
	[tilespmem:$0x10100] =	vst v63  }
.LBB1_5:
0x23: {  	p1 =	slt.u32 s15, $0x2  }
0x24: {  	p2 =	sgt.s32 @!p1 s18, $0x31  }
0x25: {  	s19 =	smov.u32 s18;
	s20 =	sshra.s32 @!p1 s18, $0x1F;
	p2 =	por !p2, p1  }
0x26: {  	s18 =	sand.u32 @!p1 s20, s18;
	s19 =	simm.s32 @p2 $0x31  }
0x27: {  	p3 =	sgt.s32 @!p1 s16, $0x40;
	s18 =	ssub.s32 @!p1 s19, s18  }
0x28: {  	p4 =	sgt.s32 @!p1 s17, $0xF80;
	s21 =	sshra.s32 @!p1 s17, $0x1F;
	s19 =	sadd.s32 @!p1 $0xFFFFFFCF, s18  }
0x29: {  	s20 =	smov.u32 s16;
	p2 =	sgt.s32 @!p1 s19, $0x0;
	s19 =	sshra.s32 @!p1 s16, $0x1F  }
0x2a: {  	p4 =	por !p4, p1;
	s16 =	sand.u32 @!p1 s19, s16;
	s19 =	smov.u32 s17  }
0x2b: {  	p3 =	por !p3, p1;
	s17 =	sand.u32 @!p1 s21, s17;
	s19 =	simm.s32 @p4 $0xF80  }
0x2c: {  	s20 =	simm.s32 @p3 $0x40;
	s18 =	ssub.s32 @!p1 $0x32, s18;
	s17 =	ssub.s32 @!p1 s19, s17  }
0x2d: {  	p2 =	por !p2, p1;
	s16 =	ssub.s32 @!p1 s20, s16;
	s20 =	sadd.s32 @!p1 $0xFFFFF080, s17  }
0x2e: {  	s18 =	simm.s32 @!p2 $0x0;
	p3 =	sgt.s32 @!p1 s20, $0x7F  }
0x2f: {  	s19 =	sadd.s32 @!p1 $0xFFFFFFC0, s16;
	s17 =	ssub.s32 @!p1 $0x1000, s17;
	p3 =	por !p3, p1  }
0x30: {  	p2 =	sgt.s32 @!p1 s19, $0x7F;
	s19 =	sadd.s32 $0x80, s12;
	s17 =	simm.s32 @!p3 $0x0  }
0x31: {  	p3 =	sgt.s32 s19, $0xBF;
	s17 =	smul.u32 @!p1 s17, s18;
	s18 =	simm.s32 $0x1  }
0x32: {  	s16 =	ssub.s32 @!p1 $0xC0, s16;
	p2 =	por !p2, p1;
	s18 =	simm.s32 @!p3 $0x0  }
0x33: {  	s21 =	smov.u32 s14;
	s16 =	simm.s32 @!p2 $0x0;
	s20 =	sadd.s32 s18, s13  }
0x34: {  	s16 =	smul.u32 @!p1 s16, s17;
	s17 =	sadd.s32 $0x1000, s14;
	p2 =	sgt.s32 s20, $0x31  }
0x35: {  	p0 =	por !p0, !p0;
	s22 =	simm.s32 @!p1 $0x2;
	s21 =	smov.u32 @p2 s17  }
0x36: {  	s19 =	simm.s32 @p3 $0x0;
	s20 =	simm.s32 @p2 $0x0;
	p2 =	sgt.s32 s21, $0xFFF  }
0x37: {  	s18 =	smov.u32 s10;
	s21 =	smov.u32 @p2 s2;
	p2 =	sne.s32 s15, s7  }
.Ltmp1:
0x38: {  	s10 =	smov.u32 s13;
	s16 =	sand.u32 @!p1 $0x3FFFFFFF, s16;
	(pc) =	sbr.rel @!p2 .LBB1_6-.Ltmp1, $4  }
0x39: {  	s17 =	smov.u32 s11;
	s11 =	smov.u32 s14;
	_ =	swait.ge @!p1 [sflag:s22], s16  }
0x3a: {  	s23 =	ssub.s32 @!p1 $0x0, s16;
	s16 =	smov.u32 s9;
	s9 =	smov.u32 s12  }
0x3b: {  	s12 =	smov.u32 s19;
	s13 =	smov.u32 s20;
	[sflag:s22] =	ssyncset.done @!p1 $0x0  }
0x3c: {  	s15 =	sadd.s32 $0x1, s15;
	[sflag:s22] =	ssyncadd.s32 @!p1 s23;
	s14 =	smov.u32 s21  }
.LBB1_1:
0x3d: {  	p1 =	sge.u32 s15, s5  }
0x3e: {  	s19 =	sshll.u32 @!p1 s13, $0x8;
	s20 =	sshll.u32 @!p1 s12, $0x3  }
0x3f: {  	s21 =	sshll.u32 @!p1 s13, $0x7;
	s19 =	sand.u32 @!p1 $0xFFFFF800, s19;
	s20 =	sand.u32 @!p1 $0xFFFFFC00, s20  }
0x40: {  	s19 =	sadd.s32 @!p1 s19, s20;
	s20 =	sand.u32 @!p1 $0x300, s21  }
0x41: {  	s19 =	sor.u32 @!p1 s20, s19  }
0x42: {  	s19 =	sshrl.u32 @!p1 s19, $0x8  }
0x43: {  	s31 =	sadd.s32 $0xFFFFFFFF, s15;
	s20 =	smulhi.u32 @!p1 $0x4924925, s19  }
0x44: {  	s22 =	sxor.u32 @!p1 $0xFFFFFFFF, s15;
	s23 =	sand.u32 @!p1 $0x78, s12;
	s24 =	smul.u32 @!p1 $0x700, s14  }
0x45: {  	s22 =	sshll.u32 @!p1 s22, $0xE;
	s21 =	sand.u32 @!p1 $0x80, s21;
	s20 =	smul.u32 @!p1 $0x38, s20  }
0x46: {  	s22 =	sand.u32 @!p1 $0x4000, s22;
	s21 =	sor.u32 @!p1 s23, s21;
	s23 =	sand.u32 @!p1 $0x7, s12  }
0x47: {  	s19 =	ssub.s32 @!p1 s19, s20;
	s20 =	sshrl.u32 @!p1 s21, $0x3;
	s21 =	sadd.s32 @!p1 s6, s24  }
0x48: {  	s19 =	sshll.u32 @!p1 s19, $0x5;
	s20 =	sadd.s32 @!p1 s20, s21;
	s21 =	sshll.u32 @!p1 s23, $0x12  }
0x49: {  	s19 =	sadd.s32 @!p1 s19, s20;
	s20 =	sor.u32 @!p1 $0x80, s21;
	s21 =	simm.s32 @!p1 $0x3800  }
0x4a: {  	[tilespmem:s22], [sflag:$0x1] =	stream.strided.gather @!p1 [hbm4b:s19+s20], $0x4000, s21, s20, $0x38;
	[tilespmem:$0x10100] =	vst v63  }
0x4b: {  	p1 =	sge.u32 s31, s5  }
.Ltmp2:
0x4c: {  	_ = 	snop;
	(pc) =	sbr.rel @p1 .LBB1_5-.Ltmp2, $1  }
0x4d: {  	_ =	sdelay $0x3  }
0x4e: {  	s19 =	simm.s32 $0x1  }
0x4f: {  	_ =	swait.ge [sflag:s4], $0x4000;
	s19 =	simm.s32 @!p0 $0x0  }
0x50: {  	[sflag:s4] =	ssyncset.done $0x0;
	s20 =	sshll.u32 s19, $0xE  }
0x51: {  	[sflag:s4] =	ssyncadd.s32 $0xFFFFC000;
	s20 =	sor.u32 $0x40, s20  }
0x52: {  	s19 =	smul.u32 $0x10200, s19;
	v0 =	vld [tilespmem:s20+$0x30]  }
0x53: {  	v1 =	vld [tilespmem:s20+$0xFFFFFFD0]  }
0x54: {  	s19 =	sshrl.u32 s19, $0x2;
	v5 =	vld [tilespmem:s20+$0xFFFFFFE0]  }
0x55: {  	v6 =	vld [tilespmem:s20+$0xFFFFFFF0];
	s22 =	sor.u32 $0x8000, s19  }
0x56: {  	s31 =	sand.u32 $0x1, s15;
	v4 =	vld [tilespmem:s20+$0x0];
	s21 =	sadd.s32 $0x0, s22  }
0x57: {  	v3 =	vld [tilespmem:s20+$0x10];
	s19 =	smul.u32 $0x10200, s31;
	[tilespmem:s21+$0x3870 ss:$0x81] =	vst.msk $0xffff, v0  }
0x58: {  	v2 =	vld [tilespmem:s20+$0x20];
	[tilespmem:s21+$0x810 ss:$0x81] =	vst.msk $0xffff, v1  }
0x59: {  	s19 =	sshrl.u32 s19, $0x2;
	v1 =	vld [tilespmem:s20+$0xFFFFFFC0];
	[tilespmem:s21+$0x1020 ss:$0x81] =	vst.msk $0xffff, v5;
	s20 =	sadd.s32 $0x80, s20  }
0x5a: {  	s23 =	simm.s32 $0x4;
	s24 =	simm.s32 $0x8;
	s19 =	sor.u32 $0x8000, s19;
	[tilespmem:s21+$0x1830 ss:$0x81] =	vst.msk $0xffff, v6;
	v0 =	vld [tilespmem:s20+$0x30]  }
.LBB1_3:
0x5b: {  	p1 =	sne.s32 s24, $0x1FC;
	v5 =	vld [tilespmem:s20+$0xFFFFFFD0];
	[tilespmem:s21+$0x2040 ss:$0x81] =	vst.msk $0xffff, v4  }
0x5c: {  	v6 =	vld [tilespmem:s20+$0xFFFFFFE0];
	[tilespmem:s21+$0x2850 ss:$0x81] =	vst.msk $0xffff, v3  }
0x5d: {  	s25 =	sshra.s32 s23, $0x2;
	s23 =	smov.u32 s24;
	v7 =	vld [tilespmem:s20+$0xFFFFFFF0];
	[tilespmem:s21+$0x3060 ss:$0x81] =	vst.msk $0xffff, v2  }
.Ltmp3:
0x5e: {  	v4 =	vld [tilespmem:s20+$0x0];
	[tilespmem:s21+$0x0 ss:$0x81] =	vst.msk $0xffff, v1;
	s21 =	sadd.s32 s25, s22;
	(pc) =	sbr.rel @p1 .LBB1_3-.Ltmp3, $4  }
0x5f: {  	v3 =	vld [tilespmem:s20+$0x10];
	[tilespmem:s21+$0x3870 ss:$0x81] =	vst.msk $0xffff, v0  }
0x60: {  	[tilespmem:s21+$0x810 ss:$0x81] =	vst.msk $0xffff, v5;
	v2 =	vld [tilespmem:s20+$0x20]  }
0x61: {  	v1 =	vld [tilespmem:s20+$0xFFFFFFC0];
	[tilespmem:s21+$0x1020 ss:$0x81] =	vst.msk $0xffff, v6;
	s20 =	sadd.s32 $0x80, s20  }
0x62: {  	s24 =	sadd.s32 $0x4, s24;
	v0 =	vld [tilespmem:s20+$0x30];
	[tilespmem:s21+$0x1830 ss:$0x81] =	vst.msk $0xffff, v7  }
.Ltmp4:
0x63: {  	_ = 	snop;
	(pc) =	sbr.rel .LBB1_4-.Ltmp4, $1  }
0x64: {  	_ =	sdelay $0x3  }
.LBB1_6:
0x65: {  	_ =	sfence.sel $0x180000  }
0x66: {  	s2 =	simm.s32 $0x1;
	[bflag:$0x0] =	sbarrier.arrive $0xFFFF  }
0x67: {  	s31 =	simm.s32 $0x2;
	[sflag:s2] =	ssyncpa.u1 $0x1  }
0x68: {  	[sflag:s31] =	ssyncpa.u1 $0x1  }
0x69: {  	p0 =	sne.s32 s0, $0x0;
	_ =	strace $0x9000004A  }
0x6a: {  	s0 =	sadd.s32 @!p0 $0x100000, s1;
	[bflag:$0x2] =	sbarrier.arrive $0xFFFF  }
0x6b: {  	[sflag:s0] =	ssyncadd.tile.s32 @!p0 $0x1;
	_ =	shalt  }
.Lfunc_end1:
_tile_overlayer_lowered:
.L_overlay_start_2:
0x6c: {  	(tag) =	ssettag $0x2  }
0x6d: {  	s0 =	rddreg [dreg:$0x0];
	s2 =	stileid.u32  }
0x6e: {  	s1 =	rddreg [dreg:$0x1];
	p0 =	sne.s32 s2, $0x0  }
0x6f: {  	s3 =	rddreg [dreg:$0x2];
	[bflag:$0x3] =	sbarrier.arrive $0xFFFF;
	s2 =	simm.s32 @!p0 $0x1C01  }
0x70: {  	[timem:s3], [sflag:s2] =	dma.local @!p0 [hbm:s0], s1  }
0x71: {  	s0 =	simm.s32 @!p0 $0x1  }
0x72: {  	_ =	swait.ge @!p0 [sflag:s0], s1  }
0x73: {  	s1 =	ssub.s32 @!p0 $0x0, s1;
	[sflag:s0] =	ssyncset.done @!p0 $0x0  }
0x74: {  	[sflag:s0] =	ssyncadd.s32 @!p0 s1  }
0x75: {  	[bflag:$0x3] =	sbarrier.arrive $0xFFFF  }
0x76: {  	_ =	shalt  }

</sc_bundles>
